<compile_context>
chip_gen: v7x
topology: tpu7x:2x2x1
jax: 0.10.2.dev20260603
libtpu: 0.0.44.dev20260713+nightly
codegen_flags: <defaults>
</compile_context>

<pallas_src>
import functools

import jax
import jax.numpy as jnp
from jax import lax
from jax.experimental import pallas as pl
from jax.experimental.pallas import tpu as pltpu
from jax.experimental.pallas import tpu_sc as plsc

ATOM = 128
EDGE_F = 16
OUT_F = 128
N_NODES = 10000
N_EDGES = 320000

NC = 2
NS = 16
NW = NC * NS
EPW = N_EDGES // NW
CH = 80
NCHUNK = EPW // CH


def _project_body(h_ref, ws_ref, wt_ref, a_ref, b_ref):
    h = h_ref[...]
    a_ref[...] = jnp.dot(h, ws_ref[...], preferred_element_type=jnp.float32)
    b_ref[...] = jnp.dot(h, wt_ref[...], preferred_element_type=jnp.float32)


def _project(h, ws, wt):
    return pl.pallas_call(
        _project_body,
        out_shape=(
            jax.ShapeDtypeStruct((N_NODES, OUT_F), jnp.float32),
            jax.ShapeDtypeStruct((N_NODES, OUT_F), jnp.float32),
        ),
    )(h, ws, wt)


NB = 5
NBT = 3
LEAD = 2


def _gather_add_body(a_hbm, b_hbm, src_hbm, dst_hbm, g_hbm,
                     idx_s, idx_t, bufs_s, bufs_t, *sems):
    gsem = sems[:NB]
    wsem = sems[NB:]
    wid = lax.axis_index("s") * NC + lax.axis_index("c")
    base0 = wid * EPW

    pltpu.sync_copy(src_hbm.at[wid], idx_s)
    pltpu.sync_copy(dst_hbm.at[wid], idx_t)

    def fire(chunk, sb):
        pltpu.async_copy(a_hbm.at[idx_s.at[chunk]], bufs_s.at[sb], gsem[sb])
        pltpu.async_copy(
            b_hbm.at[idx_t.at[chunk]], bufs_t.at[chunk % NBT], gsem[sb]
        )

    for p in range(LEAD):
        fire(p, p)

    def outer(i, _):
        c0 = i * NB
        for b in range(NB):
            chunk = c0 + b
            sb = (b + LEAD) % NB
            pre = chunk + LEAD

            @pl.when(pre < NCHUNK)
            def _():
                @pl.when(pre >= NB)
                def _():
                    pltpu.make_async_copy(
                        bufs_s.at[sb],
                        g_hbm.at[pl.ds(base0 + (pre - NB) * CH, CH)],
                        wsem[sb],
                    ).wait()

                fire(pre, sb)

            tslot = chunk % NBT
            pltpu.make_async_copy(
                a_hbm.at[idx_s.at[chunk]], bufs_s.at[b], gsem[b]
            ).wait()
            pltpu.make_async_copy(
                b_hbm.at[idx_t.at[chunk]], bufs_t.at[tslot], gsem[b]
            ).wait()

            @plsc.parallel_loop(0, CH, 1, unroll=4)
            def _(j):
                for k in range(OUT_F // 16):
                    sl = pl.ds(k * 16, 16)
                    bufs_s[b, j, sl] = bufs_s[b, j, sl] + bufs_t[tslot, j, sl]
            pltpu.async_copy(
                bufs_s.at[b], g_hbm.at[pl.ds(base0 + chunk * CH, CH)], wsem[b]
            )
        return 0

    lax.fori_loop(0, NCHUNK // NB, outer, 0)

    for b in range(NB):
        pltpu.make_async_copy(
            bufs_s.at[b],
            g_hbm.at[pl.ds(base0 + (NCHUNK - NB + b) * CH, CH)],
            wsem[b],
        ).wait()


def _gather_add(a, b, src3, dst3):
    mesh = plsc.VectorSubcoreMesh(
        core_axis_name="c", subcore_axis_name="s", num_cores=NC, num_subcores=NS
    )
    return pl.kernel(
        _gather_add_body,
        out_type=jax.ShapeDtypeStruct((N_EDGES, OUT_F), jnp.float32),
        mesh=mesh,
        scratch_types=[
            pltpu.VMEM((NCHUNK, CH), jnp.int32),
            pltpu.VMEM((NCHUNK, CH), jnp.int32),
            pltpu.VMEM((NB, CH, OUT_F), jnp.float32),
            pltpu.VMEM((NBT, CH, OUT_F), jnp.float32),
        ]
        + [pltpu.SemaphoreType.DMA] * (2 * NB),
    )(a, b, src3, dst3)


EB = 8000


def _combine_body(g_ref, m_ref, wm_ref, o_ref):
    x = g_ref[...] + jnp.dot(
        m_ref[...], wm_ref[...], preferred_element_type=jnp.float32
    )
    o_ref[...] = x * jax.nn.sigmoid(x)


def _combine(g, m, wm):
    grid = (N_EDGES // EB,)
    return pl.pallas_call(
        _combine_body,
        grid=grid,
        in_specs=[
            pl.BlockSpec((EB, OUT_F), lambda i: (i, 0)),
            pl.BlockSpec((EB, EDGE_F), lambda i: (i, 0)),
            pl.BlockSpec((EDGE_F, OUT_F), lambda i: (0, 0)),
        ],
        out_specs=pl.BlockSpec((EB, OUT_F), lambda i: (i, 0)),
        out_shape=jax.ShapeDtypeStruct((N_EDGES, OUT_F), jnp.float32),
    )(g, m, wm)


@jax.jit
def kernel(h, m, edge_index, W):
    ws = W[:ATOM]
    wt = W[ATOM : 2 * ATOM]
    wm = W[2 * ATOM :]
    src = edge_index[0].astype(jnp.int32).reshape(NW, NCHUNK, CH)
    dst = edge_index[1].astype(jnp.int32).reshape(NW, NCHUNK, CH)

    a, b = _project(h, ws, wt)
    g = _gather_add(a, b, src, dst)
    return _combine(g, m, wm)

# --- scband reference (transcript-rebuilt; emitter-appended) ---
"""Pipeline reference for scband-edge-embedding-48309792146057 (READ-ONLY COPY).

The authoritative reference and input builder live on the scoring server;
editing this copy changes nothing except your own understanding.
"""

import jax, jax.numpy as jnp
import numpy as np

ATOM_FEATURES = 128
EDGE_FEATURES = 16
OUT_FEATURES = 128
N_NODES = 10000
N_EDGES = 320000
IN_FEATURES = 2 * ATOM_FEATURES + EDGE_FEATURES


def setup_inputs(seed: int = 0) -> dict:
    key = jax.random.key(seed)
    k1, k2, k3, k4 = jax.random.split(key, 4)
    h = jax.random.normal(k1, (N_NODES, ATOM_FEATURES), dtype=jnp.float32)
    m = jax.random.normal(k2, (N_EDGES, EDGE_FEATURES), dtype=jnp.float32)
    edge_index = jax.random.randint(k3, (2, N_EDGES), 0, N_NODES, dtype=jnp.int64)
    # Dense (Linear, bias=False) weight, Kaiming-like scale
    W = jax.random.normal(k4, (IN_FEATURES, OUT_FEATURES), dtype=jnp.float32) * (1.0 / np.sqrt(IN_FEATURES))
    return {"h": h, "m": m, "edge_index": edge_index, "W": W}


def reference(h, m, edge_index, W):
    # gather source / target node features per edge
    h_s = jnp.take(h, edge_index[0], axis=0)
    h_t = jnp.take(h, edge_index[1], axis=0)
    m_st = jnp.concatenate([h_s, h_t, m], axis=-1)
    out = m_st @ W  # Dense, bias=False
    out = jax.nn.silu(out)  # activation="silu"
    return out

if __name__ == "__main__":
    import jax
    _d = setup_inputs()
    print(jax.jit(kernel)(*tuple(_d.values())))

</pallas_src>

<mosaic_0001>
#map = affine_map<(d0, d1) -> (0, 0)>
#map1 = affine_map<(d0, d1) -> (0, 0, 0)>
module attributes {stable_mosaic.version = 14 : i64} {
  func.func @_gather_add_body(%arg0: i32, %arg1: i32, %arg2: memref<10000x128xf32, #tpu.memory_space<hbm>>, %arg3: memref<10000x128xf32, #tpu.memory_space<hbm>>, %arg4: memref<32x125x80xi32, #tpu.memory_space<hbm>>, %arg5: memref<32x125x80xi32, #tpu.memory_space<hbm>>, %arg6: memref<320000x128xf32, #tpu.memory_space<hbm>>, %arg7: memref<125x80xi32, #tpu.memory_space<vmem>>, %arg8: memref<125x80xi32, #tpu.memory_space<vmem>>, %arg9: memref<5x80x128xf32, #tpu.memory_space<vmem>>, %arg10: memref<3x80x128xf32, #tpu.memory_space<vmem>>, %arg11: memref<!tpu.dma_semaphore, #tpu.memory_space<semaphore_mem>>, %arg12: memref<!tpu.dma_semaphore, #tpu.memory_space<semaphore_mem>>, %arg13: memref<!tpu.dma_semaphore, #tpu.memory_space<semaphore_mem>>, %arg14: memref<!tpu.dma_semaphore, #tpu.memory_space<semaphore_mem>>, %arg15: memref<!tpu.dma_semaphore, #tpu.memory_space<semaphore_mem>>, %arg16: memref<!tpu.dma_semaphore, #tpu.memory_space<semaphore_mem>>, %arg17: memref<!tpu.dma_semaphore, #tpu.memory_space<semaphore_mem>>, %arg18: memref<!tpu.dma_semaphore, #tpu.memory_space<semaphore_mem>>, %arg19: memref<!tpu.dma_semaphore, #tpu.memory_space<semaphore_mem>>, %arg20: memref<!tpu.dma_semaphore, #tpu.memory_space<semaphore_mem>>) attributes {dimension_semantics = [#tpu.dimension_semantics<core_parallel>, #tpu.dimension_semantics<subcore_parallel>], iteration_bounds = array<i64: 2, 16>, scalar_prefetch = 0 : i64, scratch_operands = 14 : i64, tpu.core_type = #tpu.core_type<sc_vector_subcore>, window_params = [{transform_indices = #map}, {transform_indices = #map}, {transform_indices = #map1}, {transform_indices = #map1}, {transform_indices = #map}]} {
    %mul3A = arith.constant 2 : i32
    %mul3A_0 = arith.muli %arg1, %mul3A : i32
    %add3A = arith.addi %mul3A_0, %arg0 : i32
    %mul3A_1 = arith.constant 10000 : i32
    %mul3A_2 = arith.muli %add3A, %mul3A_1 : i32
    "tpu.region"() ({
      %run_scoped3A = tpu.sem_alloc : memref<!tpu.dma_semaphore, #tpu.memory_space<semaphore_mem>>
      %dma_start3A_130 = arith.constant 0 : i32
      %dma_start3A_131 = arith.constant 0 : i32
      %dma_start3A_132 = tpu.memref_slice %arg4[%add3A, %dma_start3A_130, %dma_start3A_131] : memref<32x125x80xi32, #tpu.memory_space<hbm>> -> memref<1x125x80xi32, #tpu.memory_space<hbm>>
      %dma_start3A_133 = tpu.memref_squeeze %dma_start3A_132 : memref<1x125x80xi32, #tpu.memory_space<hbm>> -> memref<125x80xi32, #tpu.memory_space<hbm>>
      %dma_start3A_134 = arith.constant 0 : i32
      %dma_start3A_135 = arith.constant 0 : i32
      %dma_start3A_136 = tpu.memref_slice %arg4[%add3A, %dma_start3A_134, %dma_start3A_135] : memref<32x125x80xi32, #tpu.memory_space<hbm>> -> memref<1x125x80xi32, #tpu.memory_space<hbm>>
      %dma_start3A_137 = tpu.memref_squeeze %dma_start3A_136 : memref<1x125x80xi32, #tpu.memory_space<hbm>> -> memref<125x80xi32, #tpu.memory_space<hbm>>
      tpu.enqueue_dma source(%dma_start3A_137 : memref<125x80xi32, #tpu.memory_space<hbm>>) target(%arg7 : memref<125x80xi32, #tpu.memory_space<vmem>>) target_semaphore(%run_scoped3A : memref<!tpu.dma_semaphore, #tpu.memory_space<semaphore_mem>>)
      %dma_wait3A_138 = arith.constant 0 : i32
      %dma_wait3A_139 = arith.constant 0 : i32
      %dma_wait3A_140 = tpu.memref_slice %arg4[%add3A, %dma_wait3A_138, %dma_wait3A_139] : memref<32x125x80xi32, #tpu.memory_space<hbm>> -> memref<1x125x80xi32, #tpu.memory_space<hbm>>
      %dma_wait3A_141 = tpu.memref_squeeze %dma_wait3A_140 : memref<1x125x80xi32, #tpu.memory_space<hbm>> -> memref<125x80xi32, #tpu.memory_space<hbm>>
      %dma_wait3A_142 = arith.constant 0 : i32
      %dma_wait3A_143 = arith.constant 0 : i32
      %dma_wait3A_144 = tpu.memref_slice %arg4[%add3A, %dma_wait3A_142, %dma_wait3A_143] : memref<32x125x80xi32, #tpu.memory_space<hbm>> -> memref<1x125x80xi32, #tpu.memory_space<hbm>>
      %dma_wait3A_145 = tpu.memref_squeeze %dma_wait3A_144 : memref<1x125x80xi32, #tpu.memory_space<hbm>> -> memref<125x80xi32, #tpu.memory_space<hbm>>
      tpu.wait_dma2 semaphore(%run_scoped3A : memref<!tpu.dma_semaphore, #tpu.memory_space<semaphore_mem>>) src(%dma_wait3A_145 : memref<125x80xi32, #tpu.memory_space<hbm>>) dst(%arg7 : memref<125x80xi32, #tpu.memory_space<vmem>>)
      tpu.yield
    }) : () -> ()
    "tpu.region"() ({
      %run_scoped3A = tpu.sem_alloc : memref<!tpu.dma_semaphore, #tpu.memory_space<semaphore_mem>>
      %dma_start3A_130 = arith.constant 0 : i32
      %dma_start3A_131 = arith.constant 0 : i32
      %dma_start3A_132 = tpu.memref_slice %arg5[%add3A, %dma_start3A_130, %dma_start3A_131] : memref<32x125x80xi32, #tpu.memory_space<hbm>> -> memref<1x125x80xi32, #tpu.memory_space<hbm>>
      %dma_start3A_133 = tpu.memref_squeeze %dma_start3A_132 : memref<1x125x80xi32, #tpu.memory_space<hbm>> -> memref<125x80xi32, #tpu.memory_space<hbm>>
      %dma_start3A_134 = arith.constant 0 : i32
      %dma_start3A_135 = arith.constant 0 : i32
      %dma_start3A_136 = tpu.memref_slice %arg5[%add3A, %dma_start3A_134, %dma_start3A_135] : memref<32x125x80xi32, #tpu.memory_space<hbm>> -> memref<1x125x80xi32, #tpu.memory_space<hbm>>
      %dma_start3A_137 = tpu.memref_squeeze %dma_start3A_136 : memref<1x125x80xi32, #tpu.memory_space<hbm>> -> memref<125x80xi32, #tpu.memory_space<hbm>>
      tpu.enqueue_dma source(%dma_start3A_137 : memref<125x80xi32, #tpu.memory_space<hbm>>) target(%arg8 : memref<125x80xi32, #tpu.memory_space<vmem>>) target_semaphore(%run_scoped3A : memref<!tpu.dma_semaphore, #tpu.memory_space<semaphore_mem>>)
      %dma_wait3A_138 = arith.constant 0 : i32
      %dma_wait3A_139 = arith.constant 0 : i32
      %dma_wait3A_140 = tpu.memref_slice %arg5[%add3A, %dma_wait3A_138, %dma_wait3A_139] : memref<32x125x80xi32, #tpu.memory_space<hbm>> -> memref<1x125x80xi32, #tpu.memory_space<hbm>>
      %dma_wait3A_141 = tpu.memref_squeeze %dma_wait3A_140 : memref<1x125x80xi32, #tpu.memory_space<hbm>> -> memref<125x80xi32, #tpu.memory_space<hbm>>
      %dma_wait3A_142 = arith.constant 0 : i32
      %dma_wait3A_143 = arith.constant 0 : i32
      %dma_wait3A_144 = tpu.memref_slice %arg5[%add3A, %dma_wait3A_142, %dma_wait3A_143] : memref<32x125x80xi32, #tpu.memory_space<hbm>> -> memref<1x125x80xi32, #tpu.memory_space<hbm>>
      %dma_wait3A_145 = tpu.memref_squeeze %dma_wait3A_144 : memref<1x125x80xi32, #tpu.memory_space<hbm>> -> memref<125x80xi32, #tpu.memory_space<hbm>>
      tpu.wait_dma2 semaphore(%run_scoped3A : memref<!tpu.dma_semaphore, #tpu.memory_space<semaphore_mem>>) src(%dma_wait3A_145 : memref<125x80xi32, #tpu.memory_space<hbm>>) dst(%arg8 : memref<125x80xi32, #tpu.memory_space<vmem>>)
      tpu.yield
    }) : () -> ()
    %dma_start3A = arith.constant 0 : i32
    %dma_start3A_3 = arith.constant 0 : i32
    %dma_start3A_4 = arith.constant 0 : i32
    %dma_start3A_5 = arith.constant 0 : i32
    %dma_start3A_6 = tpu.memref_slice %arg9[%dma_start3A_3, %dma_start3A_4, %dma_start3A_5] : memref<5x80x128xf32, #tpu.memory_space<vmem>> -> memref<1x80x128xf32, #tpu.memory_space<vmem>>
    %dma_start3A_7 = tpu.memref_squeeze %dma_start3A_6 : memref<1x80x128xf32, #tpu.memory_space<vmem>> -> memref<80x128xf32, #tpu.memory_space<vmem>>
    %dma_start3A_8 = arith.constant 0 : i32
    %dma_start3A_9 = tpu.memref_slice %arg7[%dma_start3A, %dma_start3A_8] : memref<125x80xi32, #tpu.memory_space<vmem>> -> memref<1x80xi32, #tpu.memory_space<vmem>>
    %dma_start3A_10 = tpu.memref_squeeze %dma_start3A_9 : memref<1x80xi32, #tpu.memory_space<vmem>> -> memref<80xi32, #tpu.memory_space<vmem>>
    %dma_start3A_11 = arith.constant 0 : i32
    %dma_start3A_12 = arith.constant 0 : i32
    %dma_start3A_13 = tpu.memref_slice %arg2[%dma_start3A_11, %dma_start3A_12] : memref<10000x128xf32, #tpu.memory_space<hbm>> -> memref<10000x128xf32, #tpu.memory_space<hbm>>
    tpu.enqueue_indirect_dma source(%dma_start3A_13 : memref<10000x128xf32, #tpu.memory_space<hbm>>) target(%dma_start3A_7 : memref<80x128xf32, #tpu.memory_space<vmem>>) offsets(%dma_start3A_10 : memref<80xi32, #tpu.memory_space<vmem>>) semaphore(%arg11 : memref<!tpu.dma_semaphore, #tpu.memory_space<semaphore_mem>>)
    %dma_start3A_14 = arith.constant 0 : i32
    %dma_start3A_15 = arith.constant 0 : i32
    %dma_start3A_16 = arith.constant 0 : i32
    %dma_start3A_17 = arith.constant 0 : i32
    %dma_start3A_18 = tpu.memref_slice %arg10[%dma_start3A_15, %dma_start3A_16, %dma_start3A_17] : memref<3x80x128xf32, #tpu.memory_space<vmem>> -> memref<1x80x128xf32, #tpu.memory_space<vmem>>
    %dma_start3A_19 = tpu.memref_squeeze %dma_start3A_18 : memref<1x80x128xf32, #tpu.memory_space<vmem>> -> memref<80x128xf32, #tpu.memory_space<vmem>>
    %dma_start3A_20 = arith.constant 0 : i32
    %dma_start3A_21 = tpu.memref_slice %arg8[%dma_start3A_14, %dma_start3A_20] : memref<125x80xi32, #tpu.memory_space<vmem>> -> memref<1x80xi32, #tpu.memory_space<vmem>>
    %dma_start3A_22 = tpu.memref_squeeze %dma_start3A_21 : memref<1x80xi32, #tpu.memory_space<vmem>> -> memref<80xi32, #tpu.memory_space<vmem>>
    %dma_start3A_23 = arith.constant 0 : i32
    %dma_start3A_24 = arith.constant 0 : i32
    %dma_start3A_25 = tpu.memref_slice %arg3[%dma_start3A_23, %dma_start3A_24] : memref<10000x128xf32, #tpu.memory_space<hbm>> -> memref<10000x128xf32, #tpu.memory_space<hbm>>
    tpu.enqueue_indirect_dma source(%dma_start3A_25 : memref<10000x128xf32, #tpu.memory_space<hbm>>) target(%dma_start3A_19 : memref<80x128xf32, #tpu.memory_space<vmem>>) offsets(%dma_start3A_22 : memref<80xi32, #tpu.memory_space<vmem>>) semaphore(%arg11 : memref<!tpu.dma_semaphore, #tpu.memory_space<semaphore_mem>>)
    %dma_start3A_26 = arith.constant 1 : i32
    %dma_start3A_27 = arith.constant 1 : i32
    %dma_start3A_28 = arith.constant 0 : i32
    %dma_start3A_29 = arith.constant 0 : i32
    %dma_start3A_30 = tpu.memref_slice %arg9[%dma_start3A_27, %dma_start3A_28, %dma_start3A_29] : memref<5x80x128xf32, #tpu.memory_space<vmem>> -> memref<1x80x128xf32, #tpu.memory_space<vmem>>
    %dma_start3A_31 = tpu.memref_squeeze %dma_start3A_30 : memref<1x80x128xf32, #tpu.memory_space<vmem>> -> memref<80x128xf32, #tpu.memory_space<vmem>>
    %dma_start3A_32 = arith.constant 0 : i32
    %dma_start3A_33 = tpu.memref_slice %arg7[%dma_start3A_26, %dma_start3A_32] : memref<125x80xi32, #tpu.memory_space<vmem>> -> memref<1x80xi32, #tpu.memory_space<vmem>>
    %dma_start3A_34 = tpu.memref_squeeze %dma_start3A_33 : memref<1x80xi32, #tpu.memory_space<vmem>> -> memref<80xi32, #tpu.memory_space<vmem>>
    %dma_start3A_35 = arith.constant 0 : i32
    %dma_start3A_36 = arith.constant 0 : i32
    %dma_start3A_37 = tpu.memref_slice %arg2[%dma_start3A_35, %dma_start3A_36] : memref<10000x128xf32, #tpu.memory_space<hbm>> -> memref<10000x128xf32, #tpu.memory_space<hbm>>
    tpu.enqueue_indirect_dma source(%dma_start3A_37 : memref<10000x128xf32, #tpu.memory_space<hbm>>) target(%dma_start3A_31 : memref<80x128xf32, #tpu.memory_space<vmem>>) offsets(%dma_start3A_34 : memref<80xi32, #tpu.memory_space<vmem>>) semaphore(%arg12 : memref<!tpu.dma_semaphore, #tpu.memory_space<semaphore_mem>>)
    %dma_start3A_38 = arith.constant 1 : i32
    %dma_start3A_39 = arith.constant 1 : i32
    %dma_start3A_40 = arith.constant 0 : i32
    %dma_start3A_41 = arith.constant 0 : i32
    %dma_start3A_42 = tpu.memref_slice %arg10[%dma_start3A_39, %dma_start3A_40, %dma_start3A_41] : memref<3x80x128xf32, #tpu.memory_space<vmem>> -> memref<1x80x128xf32, #tpu.memory_space<vmem>>
    %dma_start3A_43 = tpu.memref_squeeze %dma_start3A_42 : memref<1x80x128xf32, #tpu.memory_space<vmem>> -> memref<80x128xf32, #tpu.memory_space<vmem>>
    %dma_start3A_44 = arith.constant 0 : i32
    %dma_start3A_45 = tpu.memref_slice %arg8[%dma_start3A_38, %dma_start3A_44] : memref<125x80xi32, #tpu.memory_space<vmem>> -> memref<1x80xi32, #tpu.memory_space<vmem>>
    %dma_start3A_46 = tpu.memref_squeeze %dma_start3A_45 : memref<1x80xi32, #tpu.memory_space<vmem>> -> memref<80xi32, #tpu.memory_space<vmem>>
    %dma_start3A_47 = arith.constant 0 : i32
    %dma_start3A_48 = arith.constant 0 : i32
    %dma_start3A_49 = tpu.memref_slice %arg3[%dma_start3A_47, %dma_start3A_48] : memref<10000x128xf32, #tpu.memory_space<hbm>> -> memref<10000x128xf32, #tpu.memory_space<hbm>>
    tpu.enqueue_indirect_dma source(%dma_start3A_49 : memref<10000x128xf32, #tpu.memory_space<hbm>>) target(%dma_start3A_43 : memref<80x128xf32, #tpu.memory_space<vmem>>) offsets(%dma_start3A_46 : memref<80xi32, #tpu.memory_space<vmem>>) semaphore(%arg12 : memref<!tpu.dma_semaphore, #tpu.memory_space<semaphore_mem>>)
    %scan3A = arith.constant 0 : i32
    %scan3A_50 = arith.constant 0 : i32
    %scan3A_51 = arith.constant 25 : i32
    %scan3A_52 = arith.addi %scan3A_50, %scan3A_51 : i32
    %scan3A_53 = arith.constant 1 : i32
    %scan3A_54 = scf.for %scan3A_130 = %scan3A_50 to %scan3A_52 step %scan3A_53 iter_args(%scan3A_131 = %scan3A) -> (i32)  : i32 {
      %mul3A_132 = arith.constant 5 : i32
      %mul3A_133 = arith.muli %scan3A_130, %mul3A_132 : i32
      %add3A_134 = arith.constant 0 : i32
      %add3A_135 = arith.addi %mul3A_133, %add3A_134 : i32
      %add3A_136 = arith.constant 2 : i32
      %add3A_137 = arith.addi %add3A_135, %add3A_136 : i32
      %lt3A = arith.constant 125 : i32
      %lt3A_138 = arith.cmpi slt, %add3A_137, %lt3A : i32
      %convert_element_type3A = arith.extui %lt3A_138 : i1 to i32
      %cond3A = arith.constant 0 : i32
      %cond3A_139 = arith.cmpi ne, %convert_element_type3A, %cond3A : i32
      scf.if %cond3A_139 {
        %ge3A = arith.constant 5 : i32
        %ge3A_450 = arith.cmpi sge, %add3A_137, %ge3A : i32
        %convert_element_type3A_451 = arith.extui %ge3A_450 : i1 to i32
        %cond3A_452 = arith.constant 0 : i32
        %cond3A_453 = arith.cmpi ne, %convert_element_type3A_451, %cond3A_452 : i32
        scf.if %cond3A_453 {
          %sub3A = arith.constant 5 : i32
          %sub3A_491 = arith.subi %add3A_137, %sub3A : i32
          %mul3A_492 = arith.constant 80 : i32
          %mul3A_493 = arith.muli %sub3A_491, %mul3A_492 : i32
          %add3A_494 = arith.addi %mul3A_2, %mul3A_493 : i32
          %dma_wait3A_495 = arith.constant 2 : i32
          %dma_wait3A_496 = arith.constant 0 : i32
          %dma_wait3A_497 = arith.constant 0 : i32
          %dma_wait3A_498 = tpu.memref_slice %arg9[%dma_wait3A_495, %dma_wait3A_496, %dma_wait3A_497] : memref<5x80x128xf32, #tpu.memory_space<vmem>> -> memref<1x80x128xf32, #tpu.memory_space<vmem>>
          %dma_wait3A_499 = tpu.memref_squeeze %dma_wait3A_498 : memref<1x80x128xf32, #tpu.memory_space<vmem>> -> memref<80x128xf32, #tpu.memory_space<vmem>>
          %dma_wait3A_500 = arith.constant 0 : i32
          %dma_wait3A_501 = tpu.memref_slice %arg6[%add3A_494, %dma_wait3A_500] : memref<320000x128xf32, #tpu.memory_space<hbm>> -> memref<80x128xf32, #tpu.memory_space<hbm>>
          %dma_wait3A_502 = arith.constant 0 : i32
          %dma_wait3A_503 = tpu.memref_slice %arg6[%add3A_494, %dma_wait3A_502] : memref<320000x128xf32, #tpu.memory_space<hbm>> -> memref<80x128xf32, #tpu.memory_space<hbm>>
          %dma_wait3A_504 = arith.constant 0 : i32
          %dma_wait3A_505 = arith.constant 0 : i32
          %dma_wait3A_506 = tpu.memref_slice %arg9[%dma_wait3A_495, %dma_wait3A_504, %dma_wait3A_505] : memref<5x80x128xf32, #tpu.memory_space<vmem>> -> memref<1x80x128xf32, #tpu.memory_space<vmem>>
          %dma_wait3A_507 = tpu.memref_squeeze %dma_wait3A_506 : memref<1x80x128xf32, #tpu.memory_space<vmem>> -> memref<80x128xf32, #tpu.memory_space<vmem>>
          tpu.wait_dma2 semaphore(%arg18 : memref<!tpu.dma_semaphore, #tpu.memory_space<semaphore_mem>>) src(%dma_wait3A_507 : memref<80x128xf32, #tpu.memory_space<vmem>>) dst(%dma_wait3A_503 : memref<80x128xf32, #tpu.memory_space<hbm>>)
        } else {
        }
        %dma_start3A_454 = arith.constant 2 : i32
        %dma_start3A_455 = arith.constant 0 : i32
        %dma_start3A_456 = arith.constant 0 : i32
        %dma_start3A_457 = tpu.memref_slice %arg9[%dma_start3A_454, %dma_start3A_455, %dma_start3A_456] : memref<5x80x128xf32, #tpu.memory_space<vmem>> -> memref<1x80x128xf32, #tpu.memory_space<vmem>>
        %dma_start3A_458 = tpu.memref_squeeze %dma_start3A_457 : memref<1x80x128xf32, #tpu.memory_space<vmem>> -> memref<80x128xf32, #tpu.memory_space<vmem>>
        %dma_start3A_459 = arith.constant 0 : i32
        %dma_start3A_460 = tpu.memref_slice %arg7[%add3A_137, %dma_start3A_459] : memref<125x80xi32, #tpu.memory_space<vmem>> -> memref<1x80xi32, #tpu.memory_space<vmem>>
        %dma_start3A_461 = tpu.memref_squeeze %dma_start3A_460 : memref<1x80xi32, #tpu.memory_space<vmem>> -> memref<80xi32, #tpu.memory_space<vmem>>
        %dma_start3A_462 = arith.constant 0 : i32
        %dma_start3A_463 = arith.constant 0 : i32
        %dma_start3A_464 = tpu.memref_slice %arg2[%dma_start3A_462, %dma_start3A_463] : memref<10000x128xf32, #tpu.memory_space<hbm>> -> memref<10000x128xf32, #tpu.memory_space<hbm>>
        tpu.enqueue_indirect_dma source(%dma_start3A_464 : memref<10000x128xf32, #tpu.memory_space<hbm>>) target(%dma_start3A_458 : memref<80x128xf32, #tpu.memory_space<vmem>>) offsets(%dma_start3A_461 : memref<80xi32, #tpu.memory_space<vmem>>) semaphore(%arg13 : memref<!tpu.dma_semaphore, #tpu.memory_space<semaphore_mem>>)
        %jit3A_465 = arith.constant 3 : i32
        %eq3A_466 = arith.constant 0 : i32
        %eq3A_467 = arith.cmpi eq, %jit3A_465, %eq3A_466 : i32
        %jit3A_468 = arith.constant 1 : i32
        %select_n3A_469 = arith.select %eq3A_467, %jit3A_468, %jit3A_465 : i32
        %rem3A_470 = arith.remsi %add3A_137, %select_n3A_469 : i32
        %ne3A_471 = arith.constant 0 : i32
        %ne3A_472 = arith.cmpi ne, %rem3A_470, %ne3A_471 : i32
        %lt3A_473 = arith.constant 0 : i32
        %lt3A_474 = arith.cmpi slt, %rem3A_470, %lt3A_473 : i32
        %lt3A_475 = arith.constant 0 : i32
        %lt3A_476 = arith.cmpi slt, %select_n3A_469, %lt3A_475 : i32
        %ne3A_477 = arith.xori %lt3A_474, %lt3A_476 : i1
        %and3A_478 = arith.andi %ne3A_477, %ne3A_472 : i1
        %add3A_479 = arith.addi %rem3A_470, %select_n3A_469 : i32
        %select_n3A_480 = arith.select %and3A_478, %add3A_479, %rem3A_470 : i32
        %dma_start3A_481 = arith.constant 0 : i32
        %dma_start3A_482 = arith.constant 0 : i32
        %dma_start3A_483 = tpu.memref_slice %arg10[%select_n3A_480, %dma_start3A_481, %dma_start3A_482] : memref<3x80x128xf32, #tpu.memory_space<vmem>> -> memref<1x80x128xf32, #tpu.memory_space<vmem>>
        %dma_start3A_484 = tpu.memref_squeeze %dma_start3A_483 : memref<1x80x128xf32, #tpu.memory_space<vmem>> -> memref<80x128xf32, #tpu.memory_space<vmem>>
        %dma_start3A_485 = arith.constant 0 : i32
        %dma_start3A_486 = tpu.memref_slice %arg8[%add3A_137, %dma_start3A_485] : memref<125x80xi32, #tpu.memory_space<vmem>> -> memref<1x80xi32, #tpu.memory_space<vmem>>
        %dma_start3A_487 = tpu.memref_squeeze %dma_start3A_486 : memref<1x80xi32, #tpu.memory_space<vmem>> -> memref<80xi32, #tpu.memory_space<vmem>>
        %dma_start3A_488 = arith.constant 0 : i32
        %dma_start3A_489 = arith.constant 0 : i32
        %dma_start3A_490 = tpu.memref_slice %arg3[%dma_start3A_488, %dma_start3A_489] : memref<10000x128xf32, #tpu.memory_space<hbm>> -> memref<10000x128xf32, #tpu.memory_space<hbm>>
        tpu.enqueue_indirect_dma source(%dma_start3A_490 : memref<10000x128xf32, #tpu.memory_space<hbm>>) target(%dma_start3A_484 : memref<80x128xf32, #tpu.memory_space<vmem>>) offsets(%dma_start3A_487 : memref<80xi32, #tpu.memory_space<vmem>>) semaphore(%arg13 : memref<!tpu.dma_semaphore, #tpu.memory_space<semaphore_mem>>)
      } else {
      }
      %jit3A = arith.constant 3 : i32
      %eq3A = arith.constant 0 : i32
      %eq3A_140 = arith.cmpi eq, %jit3A, %eq3A : i32
      %jit3A_141 = arith.constant 1 : i32
      %select_n3A = arith.select %eq3A_140, %jit3A_141, %jit3A : i32
      %rem3A = arith.remsi %add3A_135, %select_n3A : i32
      %ne3A = arith.constant 0 : i32
      %ne3A_142 = arith.cmpi ne, %rem3A, %ne3A : i32
      %lt3A_143 = arith.constant 0 : i32
      %lt3A_144 = arith.cmpi slt, %rem3A, %lt3A_143 : i32
      %lt3A_145 = arith.constant 0 : i32
      %lt3A_146 = arith.cmpi slt, %select_n3A, %lt3A_145 : i32
      %ne3A_147 = arith.xori %lt3A_144, %lt3A_146 : i1
      %and3A = arith.andi %ne3A_147, %ne3A_142 : i1
      %add3A_148 = arith.addi %rem3A, %select_n3A : i32
      %select_n3A_149 = arith.select %and3A, %add3A_148, %rem3A : i32
      %dma_wait3A_150 = arith.constant 0 : i32
      %dma_wait3A_151 = arith.constant 0 : i32
      %dma_wait3A_152 = arith.constant 0 : i32
      %dma_wait3A_153 = tpu.memref_slice %arg9[%dma_wait3A_150, %dma_wait3A_151, %dma_wait3A_152] : memref<5x80x128xf32, #tpu.memory_space<vmem>> -> memref<1x80x128xf32, #tpu.memory_space<vmem>>
      %dma_wait3A_154 = tpu.memref_squeeze %dma_wait3A_153 : memref<1x80x128xf32, #tpu.memory_space<vmem>> -> memref<80x128xf32, #tpu.memory_space<vmem>>
      %dma_wait3A_155 = arith.constant 0 : i32
      %dma_wait3A_156 = tpu.memref_slice %arg7[%add3A_135, %dma_wait3A_155] : memref<125x80xi32, #tpu.memory_space<vmem>> -> memref<1x80xi32, #tpu.memory_space<vmem>>
      %dma_wait3A_157 = tpu.memref_squeeze %dma_wait3A_156 : memref<1x80xi32, #tpu.memory_space<vmem>> -> memref<80xi32, #tpu.memory_space<vmem>>
      %dma_wait3A_158 = arith.constant 0 : i32
      %dma_wait3A_159 = arith.constant 0 : i32
      %dma_wait3A_160 = tpu.memref_slice %arg2[%dma_wait3A_158, %dma_wait3A_159] : memref<10000x128xf32, #tpu.memory_space<hbm>> -> memref<10000x128xf32, #tpu.memory_space<hbm>>
      tpu.wait_indirect_dma semaphore(%arg11 : memref<!tpu.dma_semaphore, #tpu.memory_space<semaphore_mem>>) src(%dma_wait3A_160 : memref<10000x128xf32, #tpu.memory_space<hbm>>) dst(%dma_wait3A_154 : memref<80x128xf32, #tpu.memory_space<vmem>>)
      %dma_wait3A_161 = arith.constant 0 : i32
      %dma_wait3A_162 = arith.constant 0 : i32
      %dma_wait3A_163 = tpu.memref_slice %arg10[%select_n3A_149, %dma_wait3A_161, %dma_wait3A_162] : memref<3x80x128xf32, #tpu.memory_space<vmem>> -> memref<1x80x128xf32, #tpu.memory_space<vmem>>
      %dma_wait3A_164 = tpu.memref_squeeze %dma_wait3A_163 : memref<1x80x128xf32, #tpu.memory_space<vmem>> -> memref<80x128xf32, #tpu.memory_space<vmem>>
      %dma_wait3A_165 = arith.constant 0 : i32
      %dma_wait3A_166 = tpu.memref_slice %arg8[%add3A_135, %dma_wait3A_165] : memref<125x80xi32, #tpu.memory_space<vmem>> -> memref<1x80xi32, #tpu.memory_space<vmem>>
      %dma_wait3A_167 = tpu.memref_squeeze %dma_wait3A_166 : memref<1x80xi32, #tpu.memory_space<vmem>> -> memref<80xi32, #tpu.memory_space<vmem>>
      %dma_wait3A_168 = arith.constant 0 : i32
      %dma_wait3A_169 = arith.constant 0 : i32
      %dma_wait3A_170 = tpu.memref_slice %arg3[%dma_wait3A_168, %dma_wait3A_169] : memref<10000x128xf32, #tpu.memory_space<hbm>> -> memref<10000x128xf32, #tpu.memory_space<hbm>>
      tpu.wait_indirect_dma semaphore(%arg11 : memref<!tpu.dma_semaphore, #tpu.memory_space<semaphore_mem>>) src(%dma_wait3A_170 : memref<10000x128xf32, #tpu.memory_space<hbm>>) dst(%dma_wait3A_164 : memref<80x128xf32, #tpu.memory_space<vmem>>)
      %parallel_loop3A = arith.constant 0 : i32
      %parallel_loop3A_171 = arith.constant 80 : i32
      %parallel_loop3A_172 = arith.constant 1 : i32
      scf.for %parallel_loop3A_450 = %parallel_loop3A to %parallel_loop3A_171 step %parallel_loop3A_172  : i32 {
        %parallel_loop3A_451 = arith.constant 0 : i32
        %parallel_loop3A_452 = arith.index_cast %parallel_loop3A_451 : i32 to index
        %parallel_loop3A_453 = arith.index_cast %parallel_loop3A_450 : i32 to index
        %parallel_loop3A_454 = arith.constant 0 : index
        %parallel_loop3A_455 = tpu.vector_load %arg9[%parallel_loop3A_452, %parallel_loop3A_453, %parallel_loop3A_454] {strides = array<i32>} : memref<5x80x128xf32, #tpu.memory_space<vmem>>, vector<1x1x16xf32>,
        %parallel_loop3A_456 = vector.shape_cast %parallel_loop3A_455 : vector<1x1x16xf32> to vector<16xf32>
        %parallel_loop3A_457 = arith.index_cast %select_n3A_149 : i32 to index
        %parallel_loop3A_458 = arith.index_cast %parallel_loop3A_450 : i32 to index
        %parallel_loop3A_459 = arith.constant 0 : index
        %parallel_loop3A_460 = tpu.vector_load %arg10[%parallel_loop3A_457, %parallel_loop3A_458, %parallel_loop3A_459] {strides = array<i32>} : memref<3x80x128xf32, #tpu.memory_space<vmem>>, vector<1x1x16xf32>,
        %parallel_loop3A_461 = vector.shape_cast %parallel_loop3A_460 : vector<1x1x16xf32> to vector<16xf32>
        %parallel_loop3A_462 = arith.addf %parallel_loop3A_456, %parallel_loop3A_461 : vector<16xf32>
        %parallel_loop3A_463 = arith.constant 0 : i32
        %parallel_loop3A_464 = arith.index_cast %parallel_loop3A_463 : i32 to index
        %parallel_loop3A_465 = arith.index_cast %parallel_loop3A_450 : i32 to index
        %parallel_loop3A_466 = arith.constant 0 : index
        %parallel_loop3A_467 = tpu.vector_load %arg9[%parallel_loop3A_464, %parallel_loop3A_465, %parallel_loop3A_466] {strides = array<i32>} : memref<5x80x128xf32, #tpu.memory_space<vmem>>, vector<1x1x16xf32>,
        %parallel_loop3A_468 = vector.shape_cast %parallel_loop3A_467 : vector<1x1x16xf32> to vector<16xf32>
        %parallel_loop3A_469 = vector.shape_cast %parallel_loop3A_462 : vector<16xf32> to vector<1x1x16xf32>
        tpu.vector_store %arg9[%parallel_loop3A_464, %parallel_loop3A_465, %parallel_loop3A_466], %parallel_loop3A_469 {strides = array<i32>} : memref<5x80x128xf32, #tpu.memory_space<vmem>>, vector<1x1x16xf32>,
        %parallel_loop3A_470 = arith.constant 0 : i32
        %parallel_loop3A_471 = arith.index_cast %parallel_loop3A_470 : i32 to index
        %parallel_loop3A_472 = arith.index_cast %parallel_loop3A_450 : i32 to index
        %parallel_loop3A_473 = arith.constant 16 : index
        %parallel_loop3A_474 = tpu.vector_load %arg9[%parallel_loop3A_471, %parallel_loop3A_472, %parallel_loop3A_473] {strides = array<i32>} : memref<5x80x128xf32, #tpu.memory_space<vmem>>, vector<1x1x16xf32>,
        %parallel_loop3A_475 = vector.shape_cast %parallel_loop3A_474 : vector<1x1x16xf32> to vector<16xf32>
        %parallel_loop3A_476 = arith.index_cast %select_n3A_149 : i32 to index
        %parallel_loop3A_477 = arith.index_cast %parallel_loop3A_450 : i32 to index
        %parallel_loop3A_478 = arith.constant 16 : index
        %parallel_loop3A_479 = tpu.vector_load %arg10[%parallel_loop3A_476, %parallel_loop3A_477, %parallel_loop3A_478] {strides = array<i32>} : memref<3x80x128xf32, #tpu.memory_space<vmem>>, vector<1x1x16xf32>,
        %parallel_loop3A_480 = vector.shape_cast %parallel_loop3A_479 : vector<1x1x16xf32> to vector<16xf32>
        %parallel_loop3A_481 = arith.addf %parallel_loop3A_475, %parallel_loop3A_480 : vector<16xf32>
        %parallel_loop3A_482 = arith.constant 0 : i32
        %parallel_loop3A_483 = arith.index_cast %parallel_loop3A_482 : i32 to index
        %parallel_loop3A_484 = arith.index_cast %parallel_loop3A_450 : i32 to index
        %parallel_loop3A_485 = arith.constant 16 : index
        %parallel_loop3A_486 = tpu.vector_load %arg9[%parallel_loop3A_483, %parallel_loop3A_484, %parallel_loop3A_485] {strides = array<i32>} : memref<5x80x128xf32, #tpu.memory_space<vmem>>, vector<1x1x16xf32>,
        %parallel_loop3A_487 = vector.shape_cast %parallel_loop3A_486 : vector<1x1x16xf32> to vector<16xf32>
        %parallel_loop3A_488 = vector.shape_cast %parallel_loop3A_481 : vector<16xf32> to vector<1x1x16xf32>
        tpu.vector_store %arg9[%parallel_loop3A_483, %parallel_loop3A_484, %parallel_loop3A_485], %parallel_loop3A_488 {strides = array<i32>} : memref<5x80x128xf32, #tpu.memory_space<vmem>>, vector<1x1x16xf32>,
        %parallel_loop3A_489 = arith.constant 0 : i32
        %parallel_loop3A_490 = arith.index_cast %parallel_loop3A_489 : i32 to index
        %parallel_loop3A_491 = arith.index_cast %parallel_loop3A_450 : i32 to index
        %parallel_loop3A_492 = arith.constant 32 : index
        %parallel_loop3A_493 = tpu.vector_load %arg9[%parallel_loop3A_490, %parallel_loop3A_491, %parallel_loop3A_492] {strides = array<i32>} : memref<5x80x128xf32, #tpu.memory_space<vmem>>, vector<1x1x16xf32>,
        %parallel_loop3A_494 = vector.shape_cast %parallel_loop3A_493 : vector<1x1x16xf32> to vector<16xf32>
        %parallel_loop3A_495 = arith.index_cast %select_n3A_149 : i32 to index
        %parallel_loop3A_496 = arith.index_cast %parallel_loop3A_450 : i32 to index
        %parallel_loop3A_497 = arith.constant 32 : index
        %parallel_loop3A_498 = tpu.vector_load %arg10[%parallel_loop3A_495, %parallel_loop3A_496, %parallel_loop3A_497] {strides = array<i32>} : memref<3x80x128xf32, #tpu.memory_space<vmem>>, vector<1x1x16xf32>,
        %parallel_loop3A_499 = vector.shape_cast %parallel_loop3A_498 : vector<1x1x16xf32> to vector<16xf32>
        %parallel_loop3A_500 = arith.addf %parallel_loop3A_494, %parallel_loop3A_499 : vector<16xf32>
        %parallel_loop3A_501 = arith.constant 0 : i32
        %parallel_loop3A_502 = arith.index_cast %parallel_loop3A_501 : i32 to index
        %parallel_loop3A_503 = arith.index_cast %parallel_loop3A_450 : i32 to index
        %parallel_loop3A_504 = arith.constant 32 : index
        %parallel_loop3A_505 = tpu.vector_load %arg9[%parallel_loop3A_502, %parallel_loop3A_503, %parallel_loop3A_504] {strides = array<i32>} : memref<5x80x128xf32, #tpu.memory_space<vmem>>, vector<1x1x16xf32>,
        %parallel_loop3A_506 = vector.shape_cast %parallel_loop3A_505 : vector<1x1x16xf32> to vector<16xf32>
        %parallel_loop3A_507 = vector.shape_cast %parallel_loop3A_500 : vector<16xf32> to vector<1x1x16xf32>
        tpu.vector_store %arg9[%parallel_loop3A_502, %parallel_loop3A_503, %parallel_loop3A_504], %parallel_loop3A_507 {strides = array<i32>} : memref<5x80x128xf32, #tpu.memory_space<vmem>>, vector<1x1x16xf32>,
        %parallel_loop3A_508 = arith.constant 0 : i32
        %parallel_loop3A_509 = arith.index_cast %parallel_loop3A_508 : i32 to index
        %parallel_loop3A_510 = arith.index_cast %parallel_loop3A_450 : i32 to index
        %parallel_loop3A_511 = arith.constant 48 : index
        %parallel_loop3A_512 = tpu.vector_load %arg9[%parallel_loop3A_509, %parallel_loop3A_510, %parallel_loop3A_511] {strides = array<i32>} : memref<5x80x128xf32, #tpu.memory_space<vmem>>, vector<1x1x16xf32>,
        %parallel_loop3A_513 = vector.shape_cast %parallel_loop3A_512 : vector<1x1x16xf32> to vector<16xf32>
        %parallel_loop3A_514 = arith.index_cast %select_n3A_149 : i32 to index
        %parallel_loop3A_515 = arith.index_cast %parallel_loop3A_450 : i32 to index
        %parallel_loop3A_516 = arith.constant 48 : index
        %parallel_loop3A_517 = tpu.vector_load %arg10[%parallel_loop3A_514, %parallel_loop3A_515, %parallel_loop3A_516] {strides = array<i32>} : memref<3x80x128xf32, #tpu.memory_space<vmem>>, vector<1x1x16xf32>,
        %parallel_loop3A_518 = vector.shape_cast %parallel_loop3A_517 : vector<1x1x16xf32> to vector<16xf32>
        %parallel_loop3A_519 = arith.addf %parallel_loop3A_513, %parallel_loop3A_518 : vector<16xf32>
        %parallel_loop3A_520 = arith.constant 0 : i32
        %parallel_loop3A_521 = arith.index_cast %parallel_loop3A_520 : i32 to index
        %parallel_loop3A_522 = arith.index_cast %parallel_loop3A_450 : i32 to index
        %parallel_loop3A_523 = arith.constant 48 : index
        %parallel_loop3A_524 = tpu.vector_load %arg9[%parallel_loop3A_521, %parallel_loop3A_522, %parallel_loop3A_523] {strides = array<i32>} : memref<5x80x128xf32, #tpu.memory_space<vmem>>, vector<1x1x16xf32>,
        %parallel_loop3A_525 = vector.shape_cast %parallel_loop3A_524 : vector<1x1x16xf32> to vector<16xf32>
        %parallel_loop3A_526 = vector.shape_cast %parallel_loop3A_519 : vector<16xf32> to vector<1x1x16xf32>
        tpu.vector_store %arg9[%parallel_loop3A_521, %parallel_loop3A_522, %parallel_loop3A_523], %parallel_loop3A_526 {strides = array<i32>} : memref<5x80x128xf32, #tpu.memory_space<vmem>>, vector<1x1x16xf32>,
        %parallel_loop3A_527 = arith.constant 0 : i32
        %parallel_loop3A_528 = arith.index_cast %parallel_loop3A_527 : i32 to index
        %parallel_loop3A_529 = arith.index_cast %parallel_loop3A_450 : i32 to index
        %parallel_loop3A_530 = arith.constant 64 : index
        %parallel_loop3A_531 = tpu.vector_load %arg9[%parallel_loop3A_528, %parallel_loop3A_529, %parallel_loop3A_530] {strides = array<i32>} : memref<5x80x128xf32, #tpu.memory_space<vmem>>, vector<1x1x16xf32>,
        %parallel_loop3A_532 = vector.shape_cast %parallel_loop3A_531 : vector<1x1x16xf32> to vector<16xf32>
        %parallel_loop3A_533 = arith.index_cast %select_n3A_149 : i32 to index
        %parallel_loop3A_534 = arith.index_cast %parallel_loop3A_450 : i32 to index
        %parallel_loop3A_535 = arith.constant 64 : index
        %parallel_loop3A_536 = tpu.vector_load %arg10[%parallel_loop3A_533, %parallel_loop3A_534, %parallel_loop3A_535] {strides = array<i32>} : memref<3x80x128xf32, #tpu.memory_space<vmem>>, vector<1x1x16xf32>,
        %parallel_loop3A_537 = vector.shape_cast %parallel_loop3A_536 : vector<1x1x16xf32> to vector<16xf32>
        %parallel_loop3A_538 = arith.addf %parallel_loop3A_532, %parallel_loop3A_537 : vector<16xf32>
        %parallel_loop3A_539 = arith.constant 0 : i32
        %parallel_loop3A_540 = arith.index_cast %parallel_loop3A_539 : i32 to index
        %parallel_loop3A_541 = arith.index_cast %parallel_loop3A_450 : i32 to index
        %parallel_loop3A_542 = arith.constant 64 : index
        %parallel_loop3A_543 = tpu.vector_load %arg9[%parallel_loop3A_540, %parallel_loop3A_541, %parallel_loop3A_542] {strides = array<i32>} : memref<5x80x128xf32, #tpu.memory_space<vmem>>, vector<1x1x16xf32>,
        %parallel_loop3A_544 = vector.shape_cast %parallel_loop3A_543 : vector<1x1x16xf32> to vector<16xf32>
        %parallel_loop3A_545 = vector.shape_cast %parallel_loop3A_538 : vector<16xf32> to vector<1x1x16xf32>
        tpu.vector_store %arg9[%parallel_loop3A_540, %parallel_loop3A_541, %parallel_loop3A_542], %parallel_loop3A_545 {strides = array<i32>} : memref<5x80x128xf32, #tpu.memory_space<vmem>>, vector<1x1x16xf32>,
        %parallel_loop3A_546 = arith.constant 0 : i32
        %parallel_loop3A_547 = arith.index_cast %parallel_loop3A_546 : i32 to index
        %parallel_loop3A_548 = arith.index_cast %parallel_loop3A_450 : i32 to index
        %parallel_loop3A_549 = arith.constant 80 : index
        %parallel_loop3A_550 = tpu.vector_load %arg9[%parallel_loop3A_547, %parallel_loop3A_548, %parallel_loop3A_549] {strides = array<i32>} : memref<5x80x128xf32, #tpu.memory_space<vmem>>, vector<1x1x16xf32>,
        %parallel_loop3A_551 = vector.shape_cast %parallel_loop3A_550 : vector<1x1x16xf32> to vector<16xf32>
        %parallel_loop3A_552 = arith.index_cast %select_n3A_149 : i32 to index
        %parallel_loop3A_553 = arith.index_cast %parallel_loop3A_450 : i32 to index
        %parallel_loop3A_554 = arith.constant 80 : index
        %parallel_loop3A_555 = tpu.vector_load %arg10[%parallel_loop3A_552, %parallel_loop3A_553, %parallel_loop3A_554] {strides = array<i32>} : memref<3x80x128xf32, #tpu.memory_space<vmem>>, vector<1x1x16xf32>,
        %parallel_loop3A_556 = vector.shape_cast %parallel_loop3A_555 : vector<1x1x16xf32> to vector<16xf32>
        %parallel_loop3A_557 = arith.addf %parallel_loop3A_551, %parallel_loop3A_556 : vector<16xf32>
        %parallel_loop3A_558 = arith.constant 0 : i32
        %parallel_loop3A_559 = arith.index_cast %parallel_loop3A_558 : i32 to index
        %parallel_loop3A_560 = arith.index_cast %parallel_loop3A_450 : i32 to index
        %parallel_loop3A_561 = arith.constant 80 : index
        %parallel_loop3A_562 = tpu.vector_load %arg9[%parallel_loop3A_559, %parallel_loop3A_560, %parallel_loop3A_561] {strides = array<i32>} : memref<5x80x128xf32, #tpu.memory_space<vmem>>, vector<1x1x16xf32>,
        %parallel_loop3A_563 = vector.shape_cast %parallel_loop3A_562 : vector<1x1x16xf32> to vector<16xf32>
        %parallel_loop3A_564 = vector.shape_cast %parallel_loop3A_557 : vector<16xf32> to vector<1x1x16xf32>
        tpu.vector_store %arg9[%parallel_loop3A_559, %parallel_loop3A_560, %parallel_loop3A_561], %parallel_loop3A_564 {strides = array<i32>} : memref<5x80x128xf32, #tpu.memory_space<vmem>>, vector<1x1x16xf32>,
        %parallel_loop3A_565 = arith.constant 0 : i32
        %parallel_loop3A_566 = arith.index_cast %parallel_loop3A_565 : i32 to index
        %parallel_loop3A_567 = arith.index_cast %parallel_loop3A_450 : i32 to index
        %parallel_loop3A_568 = arith.constant 96 : index
        %parallel_loop3A_569 = tpu.vector_load %arg9[%parallel_loop3A_566, %parallel_loop3A_567, %parallel_loop3A_568] {strides = array<i32>} : memref<5x80x128xf32, #tpu.memory_space<vmem>>, vector<1x1x16xf32>,
        %parallel_loop3A_570 = vector.shape_cast %parallel_loop3A_569 : vector<1x1x16xf32> to vector<16xf32>
        %parallel_loop3A_571 = arith.index_cast %select_n3A_149 : i32 to index
        %parallel_loop3A_572 = arith.index_cast %parallel_loop3A_450 : i32 to index
        %parallel_loop3A_573 = arith.constant 96 : index
        %parallel_loop3A_574 = tpu.vector_load %arg10[%parallel_loop3A_571, %parallel_loop3A_572, %parallel_loop3A_573] {strides = array<i32>} : memref<3x80x128xf32, #tpu.memory_space<vmem>>, vector<1x1x16xf32>,
        %parallel_loop3A_575 = vector.shape_cast %parallel_loop3A_574 : vector<1x1x16xf32> to vector<16xf32>
        %parallel_loop3A_576 = arith.addf %parallel_loop3A_570, %parallel_loop3A_575 : vector<16xf32>
        %parallel_loop3A_577 = arith.constant 0 : i32
        %parallel_loop3A_578 = arith.index_cast %parallel_loop3A_577 : i32 to index
        %parallel_loop3A_579 = arith.index_cast %parallel_loop3A_450 : i32 to index
        %parallel_loop3A_580 = arith.constant 96 : index
        %parallel_loop3A_581 = tpu.vector_load %arg9[%parallel_loop3A_578, %parallel_loop3A_579, %parallel_loop3A_580] {strides = array<i32>} : memref<5x80x128xf32, #tpu.memory_space<vmem>>, vector<1x1x16xf32>,
        %parallel_loop3A_582 = vector.shape_cast %parallel_loop3A_581 : vector<1x1x16xf32> to vector<16xf32>
        %parallel_loop3A_583 = vector.shape_cast %parallel_loop3A_576 : vector<16xf32> to vector<1x1x16xf32>
        tpu.vector_store %arg9[%parallel_loop3A_578, %parallel_loop3A_579, %parallel_loop3A_580], %parallel_loop3A_583 {strides = array<i32>} : memref<5x80x128xf32, #tpu.memory_space<vmem>>, vector<1x1x16xf32>,
        %parallel_loop3A_584 = arith.constant 0 : i32
        %parallel_loop3A_585 = arith.index_cast %parallel_loop3A_584 : i32 to index
        %parallel_loop3A_586 = arith.index_cast %parallel_loop3A_450 : i32 to index
        %parallel_loop3A_587 = arith.constant 112 : index
        %parallel_loop3A_588 = tpu.vector_load %arg9[%parallel_loop3A_585, %parallel_loop3A_586, %parallel_loop3A_587] {strides = array<i32>} : memref<5x80x128xf32, #tpu.memory_space<vmem>>, vector<1x1x16xf32>,
        %parallel_loop3A_589 = vector.shape_cast %parallel_loop3A_588 : vector<1x1x16xf32> to vector<16xf32>
        %parallel_loop3A_590 = arith.index_cast %select_n3A_149 : i32 to index
        %parallel_loop3A_591 = arith.index_cast %parallel_loop3A_450 : i32 to index
        %parallel_loop3A_592 = arith.constant 112 : index
        %parallel_loop3A_593 = tpu.vector_load %arg10[%parallel_loop3A_590, %parallel_loop3A_591, %parallel_loop3A_592] {strides = array<i32>} : memref<3x80x128xf32, #tpu.memory_space<vmem>>, vector<1x1x16xf32>,
        %parallel_loop3A_594 = vector.shape_cast %parallel_loop3A_593 : vector<1x1x16xf32> to vector<16xf32>
        %parallel_loop3A_595 = arith.addf %parallel_loop3A_589, %parallel_loop3A_594 : vector<16xf32>
        %parallel_loop3A_596 = arith.constant 0 : i32
        %parallel_loop3A_597 = arith.index_cast %parallel_loop3A_596 : i32 to index
        %parallel_loop3A_598 = arith.index_cast %parallel_loop3A_450 : i32 to index
        %parallel_loop3A_599 = arith.constant 112 : index
        %parallel_loop3A_600 = tpu.vector_load %arg9[%parallel_loop3A_597, %parallel_loop3A_598, %parallel_loop3A_599] {strides = array<i32>} : memref<5x80x128xf32, #tpu.memory_space<vmem>>, vector<1x1x16xf32>,
        %parallel_loop3A_601 = vector.shape_cast %parallel_loop3A_600 : vector<1x1x16xf32> to vector<16xf32>
        %parallel_loop3A_602 = vector.shape_cast %parallel_loop3A_595 : vector<16xf32> to vector<1x1x16xf32>
        tpu.vector_store %arg9[%parallel_loop3A_597, %parallel_loop3A_598, %parallel_loop3A_599], %parallel_loop3A_602 {strides = array<i32>} : memref<5x80x128xf32, #tpu.memory_space<vmem>>, vector<1x1x16xf32>,
      } {sc.loop_unroll_factor = 4 : i64, sc.parallel_access}
      %mul3A_173 = arith.constant 80 : i32
      %mul3A_174 = arith.muli %add3A_135, %mul3A_173 : i32
      %add3A_175 = arith.addi %mul3A_2, %mul3A_174 : i32
      %dma_start3A_176 = arith.constant 0 : i32
      %dma_start3A_177 = arith.constant 0 : i32
      %dma_start3A_178 = arith.constant 0 : i32
      %dma_start3A_179 = tpu.memref_slice %arg9[%dma_start3A_176, %dma_start3A_177, %dma_start3A_178] : memref<5x80x128xf32, #tpu.memory_space<vmem>> -> memref<1x80x128xf32, #tpu.memory_space<vmem>>
      %dma_start3A_180 = tpu.memref_squeeze %dma_start3A_179 : memref<1x80x128xf32, #tpu.memory_space<vmem>> -> memref<80x128xf32, #tpu.memory_space<vmem>>
      %dma_start3A_181 = arith.constant 0 : i32
      %dma_start3A_182 = tpu.memref_slice %arg6[%add3A_175, %dma_start3A_181] : memref<320000x128xf32, #tpu.memory_space<hbm>> -> memref<80x128xf32, #tpu.memory_space<hbm>>
      %dma_start3A_183 = arith.constant 0 : i32
      %dma_start3A_184 = tpu.memref_slice %arg6[%add3A_175, %dma_start3A_183] : memref<320000x128xf32, #tpu.memory_space<hbm>> -> memref<80x128xf32, #tpu.memory_space<hbm>>
      %dma_start3A_185 = arith.constant 0 : i32
      %dma_start3A_186 = arith.constant 0 : i32
      %dma_start3A_187 = tpu.memref_slice %arg9[%dma_start3A_176, %dma_start3A_185, %dma_start3A_186] : memref<5x80x128xf32, #tpu.memory_space<vmem>> -> memref<1x80x128xf32, #tpu.memory_space<vmem>>
      %dma_start3A_188 = tpu.memref_squeeze %dma_start3A_187 : memref<1x80x128xf32, #tpu.memory_space<vmem>> -> memref<80x128xf32, #tpu.memory_space<vmem>>
      tpu.enqueue_dma source(%dma_start3A_188 : memref<80x128xf32, #tpu.memory_space<vmem>>) target(%dma_start3A_184 : memref<80x128xf32, #tpu.memory_space<hbm>>) target_semaphore(%arg16 : memref<!tpu.dma_semaphore, #tpu.memory_space<semaphore_mem>>)
      %add3A_189 = arith.constant 1 : i32
      %add3A_190 = arith.addi %mul3A_133, %add3A_189 : i32
      %add3A_191 = arith.constant 2 : i32
      %add3A_192 = arith.addi %add3A_190, %add3A_191 : i32
      %lt3A_193 = arith.constant 125 : i32
      %lt3A_194 = arith.cmpi slt, %add3A_192, %lt3A_193 : i32
      %convert_element_type3A_195 = arith.extui %lt3A_194 : i1 to i32
      %cond3A_196 = arith.constant 0 : i32
      %cond3A_197 = arith.cmpi ne, %convert_element_type3A_195, %cond3A_196 : i32
      scf.if %cond3A_197 {
        %ge3A = arith.constant 5 : i32
        %ge3A_450 = arith.cmpi sge, %add3A_192, %ge3A : i32
        %convert_element_type3A_451 = arith.extui %ge3A_450 : i1 to i32
        %cond3A_452 = arith.constant 0 : i32
        %cond3A_453 = arith.cmpi ne, %convert_element_type3A_451, %cond3A_452 : i32
        scf.if %cond3A_453 {
          %sub3A = arith.constant 5 : i32
          %sub3A_491 = arith.subi %add3A_192, %sub3A : i32
          %mul3A_492 = arith.constant 80 : i32
          %mul3A_493 = arith.muli %sub3A_491, %mul3A_492 : i32
          %add3A_494 = arith.addi %mul3A_2, %mul3A_493 : i32
          %dma_wait3A_495 = arith.constant 3 : i32
          %dma_wait3A_496 = arith.constant 0 : i32
          %dma_wait3A_497 = arith.constant 0 : i32
          %dma_wait3A_498 = tpu.memref_slice %arg9[%dma_wait3A_495, %dma_wait3A_496, %dma_wait3A_497] : memref<5x80x128xf32, #tpu.memory_space<vmem>> -> memref<1x80x128xf32, #tpu.memory_space<vmem>>
          %dma_wait3A_499 = tpu.memref_squeeze %dma_wait3A_498 : memref<1x80x128xf32, #tpu.memory_space<vmem>> -> memref<80x128xf32, #tpu.memory_space<vmem>>
          %dma_wait3A_500 = arith.constant 0 : i32
          %dma_wait3A_501 = tpu.memref_slice %arg6[%add3A_494, %dma_wait3A_500] : memref<320000x128xf32, #tpu.memory_space<hbm>> -> memref<80x128xf32, #tpu.memory_space<hbm>>
          %dma_wait3A_502 = arith.constant 0 : i32
          %dma_wait3A_503 = tpu.memref_slice %arg6[%add3A_494, %dma_wait3A_502] : memref<320000x128xf32, #tpu.memory_space<hbm>> -> memref<80x128xf32, #tpu.memory_space<hbm>>
          %dma_wait3A_504 = arith.constant 0 : i32
          %dma_wait3A_505 = arith.constant 0 : i32
          %dma_wait3A_506 = tpu.memref_slice %arg9[%dma_wait3A_495, %dma_wait3A_504, %dma_wait3A_505] : memref<5x80x128xf32, #tpu.memory_space<vmem>> -> memref<1x80x128xf32, #tpu.memory_space<vmem>>
          %dma_wait3A_507 = tpu.memref_squeeze %dma_wait3A_506 : memref<1x80x128xf32, #tpu.memory_space<vmem>> -> memref<80x128xf32, #tpu.memory_space<vmem>>
          tpu.wait_dma2 semaphore(%arg19 : memref<!tpu.dma_semaphore, #tpu.memory_space<semaphore_mem>>) src(%dma_wait3A_507 : memref<80x128xf32, #tpu.memory_space<vmem>>) dst(%dma_wait3A_503 : memref<80x128xf32, #tpu.memory_space<hbm>>)
        } else {
        }
        %dma_start3A_454 = arith.constant 3 : i32
        %dma_start3A_455 = arith.constant 0 : i32
        %dma_start3A_456 = arith.constant 0 : i32
        %dma_start3A_457 = tpu.memref_slice %arg9[%dma_start3A_454, %dma_start3A_455, %dma_start3A_456] : memref<5x80x128xf32, #tpu.memory_space<vmem>> -> memref<1x80x128xf32, #tpu.memory_space<vmem>>
        %dma_start3A_458 = tpu.memref_squeeze %dma_start3A_457 : memref<1x80x128xf32, #tpu.memory_space<vmem>> -> memref<80x128xf32, #tpu.memory_space<vmem>>
        %dma_start3A_459 = arith.constant 0 : i32
        %dma_start3A_460 = tpu.memref_slice %arg7[%add3A_192, %dma_start3A_459] : memref<125x80xi32, #tpu.memory_space<vmem>> -> memref<1x80xi32, #tpu.memory_space<vmem>>
        %dma_start3A_461 = tpu.memref_squeeze %dma_start3A_460 : memref<1x80xi32, #tpu.memory_space<vmem>> -> memref<80xi32, #tpu.memory_space<vmem>>
        %dma_start3A_462 = arith.constant 0 : i32
        %dma_start3A_463 = arith.constant 0 : i32
        %dma_start3A_464 = tpu.memref_slice %arg2[%dma_start3A_462, %dma_start3A_463] : memref<10000x128xf32, #tpu.memory_space<hbm>> -> memref<10000x128xf32, #tpu.memory_space<hbm>>
        tpu.enqueue_indirect_dma source(%dma_start3A_464 : memref<10000x128xf32, #tpu.memory_space<hbm>>) target(%dma_start3A_458 : memref<80x128xf32, #tpu.memory_space<vmem>>) offsets(%dma_start3A_461 : memref<80xi32, #tpu.memory_space<vmem>>) semaphore(%arg14 : memref<!tpu.dma_semaphore, #tpu.memory_space<semaphore_mem>>)
        %jit3A_465 = arith.constant 3 : i32
        %eq3A_466 = arith.constant 0 : i32
        %eq3A_467 = arith.cmpi eq, %jit3A_465, %eq3A_466 : i32
        %jit3A_468 = arith.constant 1 : i32
        %select_n3A_469 = arith.select %eq3A_467, %jit3A_468, %jit3A_465 : i32
        %rem3A_470 = arith.remsi %add3A_192, %select_n3A_469 : i32
        %ne3A_471 = arith.constant 0 : i32
        %ne3A_472 = arith.cmpi ne, %rem3A_470, %ne3A_471 : i32
        %lt3A_473 = arith.constant 0 : i32
        %lt3A_474 = arith.cmpi slt, %rem3A_470, %lt3A_473 : i32
        %lt3A_475 = arith.constant 0 : i32
        %lt3A_476 = arith.cmpi slt, %select_n3A_469, %lt3A_475 : i32
        %ne3A_477 = arith.xori %lt3A_474, %lt3A_476 : i1
        %and3A_478 = arith.andi %ne3A_477, %ne3A_472 : i1
        %add3A_479 = arith.addi %rem3A_470, %select_n3A_469 : i32
        %select_n3A_480 = arith.select %and3A_478, %add3A_479, %rem3A_470 : i32
        %dma_start3A_481 = arith.constant 0 : i32
        %dma_start3A_482 = arith.constant 0 : i32
        %dma_start3A_483 = tpu.memref_slice %arg10[%select_n3A_480, %dma_start3A_481, %dma_start3A_482] : memref<3x80x128xf32, #tpu.memory_space<vmem>> -> memref<1x80x128xf32, #tpu.memory_space<vmem>>
        %dma_start3A_484 = tpu.memref_squeeze %dma_start3A_483 : memref<1x80x128xf32, #tpu.memory_space<vmem>> -> memref<80x128xf32, #tpu.memory_space<vmem>>
        %dma_start3A_485 = arith.constant 0 : i32
        %dma_start3A_486 = tpu.memref_slice %arg8[%add3A_192, %dma_start3A_485] : memref<125x80xi32, #tpu.memory_space<vmem>> -> memref<1x80xi32, #tpu.memory_space<vmem>>
        %dma_start3A_487 = tpu.memref_squeeze %dma_start3A_486 : memref<1x80xi32, #tpu.memory_space<vmem>> -> memref<80xi32, #tpu.memory_space<vmem>>
        %dma_start3A_488 = arith.constant 0 : i32
        %dma_start3A_489 = arith.constant 0 : i32
        %dma_start3A_490 = tpu.memref_slice %arg3[%dma_start3A_488, %dma_start3A_489] : memref<10000x128xf32, #tpu.memory_space<hbm>> -> memref<10000x128xf32, #tpu.memory_space<hbm>>
        tpu.enqueue_indirect_dma source(%dma_start3A_490 : memref<10000x128xf32, #tpu.memory_space<hbm>>) target(%dma_start3A_484 : memref<80x128xf32, #tpu.memory_space<vmem>>) offsets(%dma_start3A_487 : memref<80xi32, #tpu.memory_space<vmem>>) semaphore(%arg14 : memref<!tpu.dma_semaphore, #tpu.memory_space<semaphore_mem>>)
      } else {
      }
      %jit3A_198 = arith.constant 3 : i32
      %eq3A_199 = arith.constant 0 : i32
      %eq3A_200 = arith.cmpi eq, %jit3A_198, %eq3A_199 : i32
      %jit3A_201 = arith.constant 1 : i32
      %select_n3A_202 = arith.select %eq3A_200, %jit3A_201, %jit3A_198 : i32
      %rem3A_203 = arith.remsi %add3A_190, %select_n3A_202 : i32
      %ne3A_204 = arith.constant 0 : i32
      %ne3A_205 = arith.cmpi ne, %rem3A_203, %ne3A_204 : i32
      %lt3A_206 = arith.constant 0 : i32
      %lt3A_207 = arith.cmpi slt, %rem3A_203, %lt3A_206 : i32
      %lt3A_208 = arith.constant 0 : i32
      %lt3A_209 = arith.cmpi slt, %select_n3A_202, %lt3A_208 : i32
      %ne3A_210 = arith.xori %lt3A_207, %lt3A_209 : i1
      %and3A_211 = arith.andi %ne3A_210, %ne3A_205 : i1
      %add3A_212 = arith.addi %rem3A_203, %select_n3A_202 : i32
      %select_n3A_213 = arith.select %and3A_211, %add3A_212, %rem3A_203 : i32
      %dma_wait3A_214 = arith.constant 1 : i32
      %dma_wait3A_215 = arith.constant 0 : i32
      %dma_wait3A_216 = arith.constant 0 : i32
      %dma_wait3A_217 = tpu.memref_slice %arg9[%dma_wait3A_214, %dma_wait3A_215, %dma_wait3A_216] : memref<5x80x128xf32, #tpu.memory_space<vmem>> -> memref<1x80x128xf32, #tpu.memory_space<vmem>>
      %dma_wait3A_218 = tpu.memref_squeeze %dma_wait3A_217 : memref<1x80x128xf32, #tpu.memory_space<vmem>> -> memref<80x128xf32, #tpu.memory_space<vmem>>
      %dma_wait3A_219 = arith.constant 0 : i32
      %dma_wait3A_220 = tpu.memref_slice %arg7[%add3A_190, %dma_wait3A_219] : memref<125x80xi32, #tpu.memory_space<vmem>> -> memref<1x80xi32, #tpu.memory_space<vmem>>
      %dma_wait3A_221 = tpu.memref_squeeze %dma_wait3A_220 : memref<1x80xi32, #tpu.memory_space<vmem>> -> memref<80xi32, #tpu.memory_space<vmem>>
      %dma_wait3A_222 = arith.constant 0 : i32
      %dma_wait3A_223 = arith.constant 0 : i32
      %dma_wait3A_224 = tpu.memref_slice %arg2[%dma_wait3A_222, %dma_wait3A_223] : memref<10000x128xf32, #tpu.memory_space<hbm>> -> memref<10000x128xf32, #tpu.memory_space<hbm>>
      tpu.wait_indirect_dma semaphore(%arg12 : memref<!tpu.dma_semaphore, #tpu.memory_space<semaphore_mem>>) src(%dma_wait3A_224 : memref<10000x128xf32, #tpu.memory_space<hbm>>) dst(%dma_wait3A_218 : memref<80x128xf32, #tpu.memory_space<vmem>>)
      %dma_wait3A_225 = arith.constant 0 : i32
      %dma_wait3A_226 = arith.constant 0 : i32
      %dma_wait3A_227 = tpu.memref_slice %arg10[%select_n3A_213, %dma_wait3A_225, %dma_wait3A_226] : memref<3x80x128xf32, #tpu.memory_space<vmem>> -> memref<1x80x128xf32, #tpu.memory_space<vmem>>
      %dma_wait3A_228 = tpu.memref_squeeze %dma_wait3A_227 : memref<1x80x128xf32, #tpu.memory_space<vmem>> -> memref<80x128xf32, #tpu.memory_space<vmem>>
      %dma_wait3A_229 = arith.constant 0 : i32
      %dma_wait3A_230 = tpu.memref_slice %arg8[%add3A_190, %dma_wait3A_229] : memref<125x80xi32, #tpu.memory_space<vmem>> -> memref<1x80xi32, #tpu.memory_space<vmem>>
      %dma_wait3A_231 = tpu.memref_squeeze %dma_wait3A_230 : memref<1x80xi32, #tpu.memory_space<vmem>> -> memref<80xi32, #tpu.memory_space<vmem>>
      %dma_wait3A_232 = arith.constant 0 : i32
      %dma_wait3A_233 = arith.constant 0 : i32
      %dma_wait3A_234 = tpu.memref_slice %arg3[%dma_wait3A_232, %dma_wait3A_233] : memref<10000x128xf32, #tpu.memory_space<hbm>> -> memref<10000x128xf32, #tpu.memory_space<hbm>>
      tpu.wait_indirect_dma semaphore(%arg12 : memref<!tpu.dma_semaphore, #tpu.memory_space<semaphore_mem>>) src(%dma_wait3A_234 : memref<10000x128xf32, #tpu.memory_space<hbm>>) dst(%dma_wait3A_228 : memref<80x128xf32, #tpu.memory_space<vmem>>)
      %parallel_loop3A_235 = arith.constant 0 : i32
      %parallel_loop3A_236 = arith.constant 80 : i32
      %parallel_loop3A_237 = arith.constant 1 : i32
      scf.for %parallel_loop3A_450 = %parallel_loop3A_235 to %parallel_loop3A_236 step %parallel_loop3A_237  : i32 {
        %parallel_loop3A_451 = arith.constant 1 : i32
        %parallel_loop3A_452 = arith.index_cast %parallel_loop3A_451 : i32 to index
        %parallel_loop3A_453 = arith.index_cast %parallel_loop3A_450 : i32 to index
        %parallel_loop3A_454 = arith.constant 0 : index
        %parallel_loop3A_455 = tpu.vector_load %arg9[%parallel_loop3A_452, %parallel_loop3A_453, %parallel_loop3A_454] {strides = array<i32>} : memref<5x80x128xf32, #tpu.memory_space<vmem>>, vector<1x1x16xf32>,
        %parallel_loop3A_456 = vector.shape_cast %parallel_loop3A_455 : vector<1x1x16xf32> to vector<16xf32>
        %parallel_loop3A_457 = arith.index_cast %select_n3A_213 : i32 to index
        %parallel_loop3A_458 = arith.index_cast %parallel_loop3A_450 : i32 to index
        %parallel_loop3A_459 = arith.constant 0 : index
        %parallel_loop3A_460 = tpu.vector_load %arg10[%parallel_loop3A_457, %parallel_loop3A_458, %parallel_loop3A_459] {strides = array<i32>} : memref<3x80x128xf32, #tpu.memory_space<vmem>>, vector<1x1x16xf32>,
        %parallel_loop3A_461 = vector.shape_cast %parallel_loop3A_460 : vector<1x1x16xf32> to vector<16xf32>
        %parallel_loop3A_462 = arith.addf %parallel_loop3A_456, %parallel_loop3A_461 : vector<16xf32>
        %parallel_loop3A_463 = arith.constant 1 : i32
        %parallel_loop3A_464 = arith.index_cast %parallel_loop3A_463 : i32 to index
        %parallel_loop3A_465 = arith.index_cast %parallel_loop3A_450 : i32 to index
        %parallel_loop3A_466 = arith.constant 0 : index
        %parallel_loop3A_467 = tpu.vector_load %arg9[%parallel_loop3A_464, %parallel_loop3A_465, %parallel_loop3A_466] {strides = array<i32>} : memref<5x80x128xf32, #tpu.memory_space<vmem>>, vector<1x1x16xf32>,
        %parallel_loop3A_468 = vector.shape_cast %parallel_loop3A_467 : vector<1x1x16xf32> to vector<16xf32>
        %parallel_loop3A_469 = vector.shape_cast %parallel_loop3A_462 : vector<16xf32> to vector<1x1x16xf32>
        tpu.vector_store %arg9[%parallel_loop3A_464, %parallel_loop3A_465, %parallel_loop3A_466], %parallel_loop3A_469 {strides = array<i32>} : memref<5x80x128xf32, #tpu.memory_space<vmem>>, vector<1x1x16xf32>,
        %parallel_loop3A_470 = arith.constant 1 : i32
        %parallel_loop3A_471 = arith.index_cast %parallel_loop3A_470 : i32 to index
        %parallel_loop3A_472 = arith.index_cast %parallel_loop3A_450 : i32 to index
        %parallel_loop3A_473 = arith.constant 16 : index
        %parallel_loop3A_474 = tpu.vector_load %arg9[%parallel_loop3A_471, %parallel_loop3A_472, %parallel_loop3A_473] {strides = array<i32>} : memref<5x80x128xf32, #tpu.memory_space<vmem>>, vector<1x1x16xf32>,
        %parallel_loop3A_475 = vector.shape_cast %parallel_loop3A_474 : vector<1x1x16xf32> to vector<16xf32>
        %parallel_loop3A_476 = arith.index_cast %select_n3A_213 : i32 to index
        %parallel_loop3A_477 = arith.index_cast %parallel_loop3A_450 : i32 to index
        %parallel_loop3A_478 = arith.constant 16 : index
        %parallel_loop3A_479 = tpu.vector_load %arg10[%parallel_loop3A_476, %parallel_loop3A_477, %parallel_loop3A_478] {strides = array<i32>} : memref<3x80x128xf32, #tpu.memory_space<vmem>>, vector<1x1x16xf32>,
        %parallel_loop3A_480 = vector.shape_cast %parallel_loop3A_479 : vector<1x1x16xf32> to vector<16xf32>
        %parallel_loop3A_481 = arith.addf %parallel_loop3A_475, %parallel_loop3A_480 : vector<16xf32>
        %parallel_loop3A_482 = arith.constant 1 : i32
        %parallel_loop3A_483 = arith.index_cast %parallel_loop3A_482 : i32 to index
        %parallel_loop3A_484 = arith.index_cast %parallel_loop3A_450 : i32 to index
        %parallel_loop3A_485 = arith.constant 16 : index
        %parallel_loop3A_486 = tpu.vector_load %arg9[%parallel_loop3A_483, %parallel_loop3A_484, %parallel_loop3A_485] {strides = array<i32>} : memref<5x80x128xf32, #tpu.memory_space<vmem>>, vector<1x1x16xf32>,
        %parallel_loop3A_487 = vector.shape_cast %parallel_loop3A_486 : vector<1x1x16xf32> to vector<16xf32>
        %parallel_loop3A_488 = vector.shape_cast %parallel_loop3A_481 : vector<16xf32> to vector<1x1x16xf32>
        tpu.vector_store %arg9[%parallel_loop3A_483, %parallel_loop3A_484, %parallel_loop3A_485], %parallel_loop3A_488 {strides = array<i32>} : memref<5x80x128xf32, #tpu.memory_space<vmem>>, vector<1x1x16xf32>,
        %parallel_loop3A_489 = arith.constant 1 : i32
        %parallel_loop3A_490 = arith.index_cast %parallel_loop3A_489 : i32 to index
        %parallel_loop3A_491 = arith.index_cast %parallel_loop3A_450 : i32 to index
        %parallel_loop3A_492 = arith.constant 32 : index
        %parallel_loop3A_493 = tpu.vector_load %arg9[%parallel_loop3A_490, %parallel_loop3A_491, %parallel_loop3A_492] {strides = array<i32>} : memref<5x80x128xf32, #tpu.memory_space<vmem>>, vector<1x1x16xf32>,
        %parallel_loop3A_494 = vector.shape_cast %parallel_loop3A_493 : vector<1x1x16xf32> to vector<16xf32>
        %parallel_loop3A_495 = arith.index_cast %select_n3A_213 : i32 to index
        %parallel_loop3A_496 = arith.index_cast %parallel_loop3A_450 : i32 to index
        %parallel_loop3A_497 = arith.constant 32 : index
        %parallel_loop3A_498 = tpu.vector_load %arg10[%parallel_loop3A_495, %parallel_loop3A_496, %parallel_loop3A_497] {strides = array<i32>} : memref<3x80x128xf32, #tpu.memory_space<vmem>>, vector<1x1x16xf32>,
        %parallel_loop3A_499 = vector.shape_cast %parallel_loop3A_498 : vector<1x1x16xf32> to vector<16xf32>
        %parallel_loop3A_500 = arith.addf %parallel_loop3A_494, %parallel_loop3A_499 : vector<16xf32>
        %parallel_loop3A_501 = arith.constant 1 : i32
        %parallel_loop3A_502 = arith.index_cast %parallel_loop3A_501 : i32 to index
        %parallel_loop3A_503 = arith.index_cast %parallel_loop3A_450 : i32 to index
        %parallel_loop3A_504 = arith.constant 32 : index
        %parallel_loop3A_505 = tpu.vector_load %arg9[%parallel_loop3A_502, %parallel_loop3A_503, %parallel_loop3A_504] {strides = array<i32>} : memref<5x80x128xf32, #tpu.memory_space<vmem>>, vector<1x1x16xf32>,
        %parallel_loop3A_506 = vector.shape_cast %parallel_loop3A_505 : vector<1x1x16xf32> to vector<16xf32>
        %parallel_loop3A_507 = vector.shape_cast %parallel_loop3A_500 : vector<16xf32> to vector<1x1x16xf32>
        tpu.vector_store %arg9[%parallel_loop3A_502, %parallel_loop3A_503, %parallel_loop3A_504], %parallel_loop3A_507 {strides = array<i32>} : memref<5x80x128xf32, #tpu.memory_space<vmem>>, vector<1x1x16xf32>,
        %parallel_loop3A_508 = arith.constant 1 : i32
        %parallel_loop3A_509 = arith.index_cast %parallel_loop3A_508 : i32 to index
        %parallel_loop3A_510 = arith.index_cast %parallel_loop3A_450 : i32 to index
        %parallel_loop3A_511 = arith.constant 48 : index
        %parallel_loop3A_512 = tpu.vector_load %arg9[%parallel_loop3A_509, %parallel_loop3A_510, %parallel_loop3A_511] {strides = array<i32>} : memref<5x80x128xf32, #tpu.memory_space<vmem>>, vector<1x1x16xf32>,
        %parallel_loop3A_513 = vector.shape_cast %parallel_loop3A_512 : vector<1x1x16xf32> to vector<16xf32>
        %parallel_loop3A_514 = arith.index_cast %select_n3A_213 : i32 to index
        %parallel_loop3A_515 = arith.index_cast %parallel_loop3A_450 : i32 to index
        %parallel_loop3A_516 = arith.constant 48 : index
        %parallel_loop3A_517 = tpu.vector_load %arg10[%parallel_loop3A_514, %parallel_loop3A_515, %parallel_loop3A_516] {strides = array<i32>} : memref<3x80x128xf32, #tpu.memory_space<vmem>>, vector<1x1x16xf32>,
        %parallel_loop3A_518 = vector.shape_cast %parallel_loop3A_517 : vector<1x1x16xf32> to vector<16xf32>
        %parallel_loop3A_519 = arith.addf %parallel_loop3A_513, %parallel_loop3A_518 : vector<16xf32>
        %parallel_loop3A_520 = arith.constant 1 : i32
        %parallel_loop3A_521 = arith.index_cast %parallel_loop3A_520 : i32 to index
        %parallel_loop3A_522 = arith.index_cast %parallel_loop3A_450 : i32 to index
        %parallel_loop3A_523 = arith.constant 48 : index
        %parallel_loop3A_524 = tpu.vector_load %arg9[%parallel_loop3A_521, %parallel_loop3A_522, %parallel_loop3A_523] {strides = array<i32>} : memref<5x80x128xf32, #tpu.memory_space<vmem>>, vector<1x1x16xf32>,
        %parallel_loop3A_525 = vector.shape_cast %parallel_loop3A_524 : vector<1x1x16xf32> to vector<16xf32>
        %parallel_loop3A_526 = vector.shape_cast %parallel_loop3A_519 : vector<16xf32> to vector<1x1x16xf32>
        tpu.vector_store %arg9[%parallel_loop3A_521, %parallel_loop3A_522, %parallel_loop3A_523], %parallel_loop3A_526 {strides = array<i32>} : memref<5x80x128xf32, #tpu.memory_space<vmem>>, vector<1x1x16xf32>,
        %parallel_loop3A_527 = arith.constant 1 : i32
        %parallel_loop3A_528 = arith.index_cast %parallel_loop3A_527 : i32 to index
        %parallel_loop3A_529 = arith.index_cast %parallel_loop3A_450 : i32 to index
        %parallel_loop3A_530 = arith.constant 64 : index
        %parallel_loop3A_531 = tpu.vector_load %arg9[%parallel_loop3A_528, %parallel_loop3A_529, %parallel_loop3A_530] {strides = array<i32>} : memref<5x80x128xf32, #tpu.memory_space<vmem>>, vector<1x1x16xf32>,
        %parallel_loop3A_532 = vector.shape_cast %parallel_loop3A_531 : vector<1x1x16xf32> to vector<16xf32>
        %parallel_loop3A_533 = arith.index_cast %select_n3A_213 : i32 to index
        %parallel_loop3A_534 = arith.index_cast %parallel_loop3A_450 : i32 to index
        %parallel_loop3A_535 = arith.constant 64 : index
        %parallel_loop3A_536 = tpu.vector_load %arg10[%parallel_loop3A_533, %parallel_loop3A_534, %parallel_loop3A_535] {strides = array<i32>} : memref<3x80x128xf32, #tpu.memory_space<vmem>>, vector<1x1x16xf32>,
        %parallel_loop3A_537 = vector.shape_cast %parallel_loop3A_536 : vector<1x1x16xf32> to vector<16xf32>
        %parallel_loop3A_538 = arith.addf %parallel_loop3A_532, %parallel_loop3A_537 : vector<16xf32>
        %parallel_loop3A_539 = arith.constant 1 : i32
        %parallel_loop3A_540 = arith.index_cast %parallel_loop3A_539 : i32 to index
        %parallel_loop3A_541 = arith.index_cast %parallel_loop3A_450 : i32 to index
        %parallel_loop3A_542 = arith.constant 64 : index
        %parallel_loop3A_543 = tpu.vector_load %arg9[%parallel_loop3A_540, %parallel_loop3A_541, %parallel_loop3A_542] {strides = array<i32>} : memref<5x80x128xf32, #tpu.memory_space<vmem>>, vector<1x1x16xf32>,
        %parallel_loop3A_544 = vector.shape_cast %parallel_loop3A_543 : vector<1x1x16xf32> to vector<16xf32>
        %parallel_loop3A_545 = vector.shape_cast %parallel_loop3A_538 : vector<16xf32> to vector<1x1x16xf32>
        tpu.vector_store %arg9[%parallel_loop3A_540, %parallel_loop3A_541, %parallel_loop3A_542], %parallel_loop3A_545 {strides = array<i32>} : memref<5x80x128xf32, #tpu.memory_space<vmem>>, vector<1x1x16xf32>,
        %parallel_loop3A_546 = arith.constant 1 : i32
        %parallel_loop3A_547 = arith.index_cast %parallel_loop3A_546 : i32 to index
        %parallel_loop3A_548 = arith.index_cast %parallel_loop3A_450 : i32 to index
        %parallel_loop3A_549 = arith.constant 80 : index
        %parallel_loop3A_550 = tpu.vector_load %arg9[%parallel_loop3A_547, %parallel_loop3A_548, %parallel_loop3A_549] {strides = array<i32>} : memref<5x80x128xf32, #tpu.memory_space<vmem>>, vector<1x1x16xf32>,
        %parallel_loop3A_551 = vector.shape_cast %parallel_loop3A_550 : vector<1x1x16xf32> to vector<16xf32>
        %parallel_loop3A_552 = arith.index_cast %select_n3A_213 : i32 to index
        %parallel_loop3A_553 = arith.index_cast %parallel_loop3A_450 : i32 to index
        %parallel_loop3A_554 = arith.constant 80 : index
        %parallel_loop3A_555 = tpu.vector_load %arg10[%parallel_loop3A_552, %parallel_loop3A_553, %parallel_loop3A_554] {strides = array<i32>} : memref<3x80x128xf32, #tpu.memory_space<vmem>>, vector<1x1x16xf32>,
        %parallel_loop3A_556 = vector.shape_cast %parallel_loop3A_555 : vector<1x1x16xf32> to vector<16xf32>
        %parallel_loop3A_557 = arith.addf %parallel_loop3A_551, %parallel_loop3A_556 : vector<16xf32>
        %parallel_loop3A_558 = arith.constant 1 : i32
        %parallel_loop3A_559 = arith.index_cast %parallel_loop3A_558 : i32 to index
        %parallel_loop3A_560 = arith.index_cast %parallel_loop3A_450 : i32 to index
        %parallel_loop3A_561 = arith.constant 80 : index
        %parallel_loop3A_562 = tpu.vector_load %arg9[%parallel_loop3A_559, %parallel_loop3A_560, %parallel_loop3A_561] {strides = array<i32>} : memref<5x80x128xf32, #tpu.memory_space<vmem>>, vector<1x1x16xf32>,
        %parallel_loop3A_563 = vector.shape_cast %parallel_loop3A_562 : vector<1x1x16xf32> to vector<16xf32>
        %parallel_loop3A_564 = vector.shape_cast %parallel_loop3A_557 : vector<16xf32> to vector<1x1x16xf32>
        tpu.vector_store %arg9[%parallel_loop3A_559, %parallel_loop3A_560, %parallel_loop3A_561], %parallel_loop3A_564 {strides = array<i32>} : memref<5x80x128xf32, #tpu.memory_space<vmem>>, vector<1x1x16xf32>,
        %parallel_loop3A_565 = arith.constant 1 : i32
        %parallel_loop3A_566 = arith.index_cast %parallel_loop3A_565 : i32 to index
        %parallel_loop3A_567 = arith.index_cast %parallel_loop3A_450 : i32 to index
        %parallel_loop3A_568 = arith.constant 96 : index
        %parallel_loop3A_569 = tpu.vector_load %arg9[%parallel_loop3A_566, %parallel_loop3A_567, %parallel_loop3A_568] {strides = array<i32>} : memref<5x80x128xf32, #tpu.memory_space<vmem>>, vector<1x1x16xf32>,
        %parallel_loop3A_570 = vector.shape_cast %parallel_loop3A_569 : vector<1x1x16xf32> to vector<16xf32>
        %parallel_loop3A_571 = arith.index_cast %select_n3A_213 : i32 to index
        %parallel_loop3A_572 = arith.index_cast %parallel_loop3A_450 : i32 to index
        %parallel_loop3A_573 = arith.constant 96 : index
        %parallel_loop3A_574 = tpu.vector_load %arg10[%parallel_loop3A_571, %parallel_loop3A_572, %parallel_loop3A_573] {strides = array<i32>} : memref<3x80x128xf32, #tpu.memory_space<vmem>>, vector<1x1x16xf32>,
        %parallel_loop3A_575 = vector.shape_cast %parallel_loop3A_574 : vector<1x1x16xf32> to vector<16xf32>
        %parallel_loop3A_576 = arith.addf %parallel_loop3A_570, %parallel_loop3A_575 : vector<16xf32>
        %parallel_loop3A_577 = arith.constant 1 : i32
        %parallel_loop3A_578 = arith.index_cast %parallel_loop3A_577 : i32 to index
        %parallel_loop3A_579 = arith.index_cast %parallel_loop3A_450 : i32 to index
        %parallel_loop3A_580 = arith.constant 96 : index
        %parallel_loop3A_581 = tpu.vector_load %arg9[%parallel_loop3A_578, %parallel_loop3A_579, %parallel_loop3A_580] {strides = array<i32>} : memref<5x80x128xf32, #tpu.memory_space<vmem>>, vector<1x1x16xf32>,
        %parallel_loop3A_582 = vector.shape_cast %parallel_loop3A_581 : vector<1x1x16xf32> to vector<16xf32>
        %parallel_loop3A_583 = vector.shape_cast %parallel_loop3A_576 : vector<16xf32> to vector<1x1x16xf32>
        tpu.vector_store %arg9[%parallel_loop3A_578, %parallel_loop3A_579, %parallel_loop3A_580], %parallel_loop3A_583 {strides = array<i32>} : memref<5x80x128xf32, #tpu.memory_space<vmem>>, vector<1x1x16xf32>,
        %parallel_loop3A_584 = arith.constant 1 : i32
        %parallel_loop3A_585 = arith.index_cast %parallel_loop3A_584 : i32 to index
        %parallel_loop3A_586 = arith.index_cast %parallel_loop3A_450 : i32 to index
        %parallel_loop3A_587 = arith.constant 112 : index
        %parallel_loop3A_588 = tpu.vector_load %arg9[%parallel_loop3A_585, %parallel_loop3A_586, %parallel_loop3A_587] {strides = array<i32>} : memref<5x80x128xf32, #tpu.memory_space<vmem>>, vector<1x1x16xf32>,
        %parallel_loop3A_589 = vector.shape_cast %parallel_loop3A_588 : vector<1x1x16xf32> to vector<16xf32>
        %parallel_loop3A_590 = arith.index_cast %select_n3A_213 : i32 to index
        %parallel_loop3A_591 = arith.index_cast %parallel_loop3A_450 : i32 to index
        %parallel_loop3A_592 = arith.constant 112 : index
        %parallel_loop3A_593 = tpu.vector_load %arg10[%parallel_loop3A_590, %parallel_loop3A_591, %parallel_loop3A_592] {strides = array<i32>} : memref<3x80x128xf32, #tpu.memory_space<vmem>>, vector<1x1x16xf32>,
        %parallel_loop3A_594 = vector.shape_cast %parallel_loop3A_593 : vector<1x1x16xf32> to vector<16xf32>
        %parallel_loop3A_595 = arith.addf %parallel_loop3A_589, %parallel_loop3A_594 : vector<16xf32>
        %parallel_loop3A_596 = arith.constant 1 : i32
        %parallel_loop3A_597 = arith.index_cast %parallel_loop3A_596 : i32 to index
        %parallel_loop3A_598 = arith.index_cast %parallel_loop3A_450 : i32 to index
        %parallel_loop3A_599 = arith.constant 112 : index
        %parallel_loop3A_600 = tpu.vector_load %arg9[%parallel_loop3A_597, %parallel_loop3A_598, %parallel_loop3A_599] {strides = array<i32>} : memref<5x80x128xf32, #tpu.memory_space<vmem>>, vector<1x1x16xf32>,
        %parallel_loop3A_601 = vector.shape_cast %parallel_loop3A_600 : vector<1x1x16xf32> to vector<16xf32>
        %parallel_loop3A_602 = vector.shape_cast %parallel_loop3A_595 : vector<16xf32> to vector<1x1x16xf32>
        tpu.vector_store %arg9[%parallel_loop3A_597, %parallel_loop3A_598, %parallel_loop3A_599], %parallel_loop3A_602 {strides = array<i32>} : memref<5x80x128xf32, #tpu.memory_space<vmem>>, vector<1x1x16xf32>,
      } {sc.loop_unroll_factor = 4 : i64, sc.parallel_access}
      %mul3A_238 = arith.constant 80 : i32
      %mul3A_239 = arith.muli %add3A_190, %mul3A_238 : i32
      %add3A_240 = arith.addi %mul3A_2, %mul3A_239 : i32
      %dma_start3A_241 = arith.constant 1 : i32
      %dma_start3A_242 = arith.constant 0 : i32
      %dma_start3A_243 = arith.constant 0 : i32
      %dma_start3A_244 = tpu.memref_slice %arg9[%dma_start3A_241, %dma_start3A_242, %dma_start3A_243] : memref<5x80x128xf32, #tpu.memory_space<vmem>> -> memref<1x80x128xf32, #tpu.memory_space<vmem>>
      %dma_start3A_245 = tpu.memref_squeeze %dma_start3A_244 : memref<1x80x128xf32, #tpu.memory_space<vmem>> -> memref<80x128xf32, #tpu.memory_space<vmem>>
      %dma_start3A_246 = arith.constant 0 : i32
      %dma_start3A_247 = tpu.memref_slice %arg6[%add3A_240, %dma_start3A_246] : memref<320000x128xf32, #tpu.memory_space<hbm>> -> memref<80x128xf32, #tpu.memory_space<hbm>>
      %dma_start3A_248 = arith.constant 0 : i32
      %dma_start3A_249 = tpu.memref_slice %arg6[%add3A_240, %dma_start3A_248] : memref<320000x128xf32, #tpu.memory_space<hbm>> -> memref<80x128xf32, #tpu.memory_space<hbm>>
      %dma_start3A_250 = arith.constant 0 : i32
      %dma_start3A_251 = arith.constant 0 : i32
      %dma_start3A_252 = tpu.memref_slice %arg9[%dma_start3A_241, %dma_start3A_250, %dma_start3A_251] : memref<5x80x128xf32, #tpu.memory_space<vmem>> -> memref<1x80x128xf32, #tpu.memory_space<vmem>>
      %dma_start3A_253 = tpu.memref_squeeze %dma_start3A_252 : memref<1x80x128xf32, #tpu.memory_space<vmem>> -> memref<80x128xf32, #tpu.memory_space<vmem>>
      tpu.enqueue_dma source(%dma_start3A_253 : memref<80x128xf32, #tpu.memory_space<vmem>>) target(%dma_start3A_249 : memref<80x128xf32, #tpu.memory_space<hbm>>) target_semaphore(%arg17 : memref<!tpu.dma_semaphore, #tpu.memory_space<semaphore_mem>>)
      %add3A_254 = arith.constant 2 : i32
      %add3A_255 = arith.addi %mul3A_133, %add3A_254 : i32
      %add3A_256 = arith.constant 2 : i32
      %add3A_257 = arith.addi %add3A_255, %add3A_256 : i32
      %lt3A_258 = arith.constant 125 : i32
      %lt3A_259 = arith.cmpi slt, %add3A_257, %lt3A_258 : i32
      %convert_element_type3A_260 = arith.extui %lt3A_259 : i1 to i32
      %cond3A_261 = arith.constant 0 : i32
      %cond3A_262 = arith.cmpi ne, %convert_element_type3A_260, %cond3A_261 : i32
      scf.if %cond3A_262 {
        %ge3A = arith.constant 5 : i32
        %ge3A_450 = arith.cmpi sge, %add3A_257, %ge3A : i32
        %convert_element_type3A_451 = arith.extui %ge3A_450 : i1 to i32
        %cond3A_452 = arith.constant 0 : i32
        %cond3A_453 = arith.cmpi ne, %convert_element_type3A_451, %cond3A_452 : i32
        scf.if %cond3A_453 {
          %sub3A = arith.constant 5 : i32
          %sub3A_491 = arith.subi %add3A_257, %sub3A : i32
          %mul3A_492 = arith.constant 80 : i32
          %mul3A_493 = arith.muli %sub3A_491, %mul3A_492 : i32
          %add3A_494 = arith.addi %mul3A_2, %mul3A_493 : i32
          %dma_wait3A_495 = arith.constant 4 : i32
          %dma_wait3A_496 = arith.constant 0 : i32
          %dma_wait3A_497 = arith.constant 0 : i32
          %dma_wait3A_498 = tpu.memref_slice %arg9[%dma_wait3A_495, %dma_wait3A_496, %dma_wait3A_497] : memref<5x80x128xf32, #tpu.memory_space<vmem>> -> memref<1x80x128xf32, #tpu.memory_space<vmem>>
          %dma_wait3A_499 = tpu.memref_squeeze %dma_wait3A_498 : memref<1x80x128xf32, #tpu.memory_space<vmem>> -> memref<80x128xf32, #tpu.memory_space<vmem>>
          %dma_wait3A_500 = arith.constant 0 : i32
          %dma_wait3A_501 = tpu.memref_slice %arg6[%add3A_494, %dma_wait3A_500] : memref<320000x128xf32, #tpu.memory_space<hbm>> -> memref<80x128xf32, #tpu.memory_space<hbm>>
          %dma_wait3A_502 = arith.constant 0 : i32
          %dma_wait3A_503 = tpu.memref_slice %arg6[%add3A_494, %dma_wait3A_502] : memref<320000x128xf32, #tpu.memory_space<hbm>> -> memref<80x128xf32, #tpu.memory_space<hbm>>
          %dma_wait3A_504 = arith.constant 0 : i32
          %dma_wait3A_505 = arith.constant 0 : i32
          %dma_wait3A_506 = tpu.memref_slice %arg9[%dma_wait3A_495, %dma_wait3A_504, %dma_wait3A_505] : memref<5x80x128xf32, #tpu.memory_space<vmem>> -> memref<1x80x128xf32, #tpu.memory_space<vmem>>
          %dma_wait3A_507 = tpu.memref_squeeze %dma_wait3A_506 : memref<1x80x128xf32, #tpu.memory_space<vmem>> -> memref<80x128xf32, #tpu.memory_space<vmem>>
          tpu.wait_dma2 semaphore(%arg20 : memref<!tpu.dma_semaphore, #tpu.memory_space<semaphore_mem>>) src(%dma_wait3A_507 : memref<80x128xf32, #tpu.memory_space<vmem>>) dst(%dma_wait3A_503 : memref<80x128xf32, #tpu.memory_space<hbm>>)
        } else {
        }
        %dma_start3A_454 = arith.constant 4 : i32
        %dma_start3A_455 = arith.constant 0 : i32
        %dma_start3A_456 = arith.constant 0 : i32
        %dma_start3A_457 = tpu.memref_slice %arg9[%dma_start3A_454, %dma_start3A_455, %dma_start3A_456] : memref<5x80x128xf32, #tpu.memory_space<vmem>> -> memref<1x80x128xf32, #tpu.memory_space<vmem>>
        %dma_start3A_458 = tpu.memref_squeeze %dma_start3A_457 : memref<1x80x128xf32, #tpu.memory_space<vmem>> -> memref<80x128xf32, #tpu.memory_space<vmem>>
        %dma_start3A_459 = arith.constant 0 : i32
        %dma_start3A_460 = tpu.memref_slice %arg7[%add3A_257, %dma_start3A_459] : memref<125x80xi32, #tpu.memory_space<vmem>> -> memref<1x80xi32, #tpu.memory_space<vmem>>
        %dma_start3A_461 = tpu.memref_squeeze %dma_start3A_460 : memref<1x80xi32, #tpu.memory_space<vmem>> -> memref<80xi32, #tpu.memory_space<vmem>>
        %dma_start3A_462 = arith.constant 0 : i32
        %dma_start3A_463 = arith.constant 0 : i32
        %dma_start3A_464 = tpu.memref_slice %arg2[%dma_start3A_462, %dma_start3A_463] : memref<10000x128xf32, #tpu.memory_space<hbm>> -> memref<10000x128xf32, #tpu.memory_space<hbm>>
        tpu.enqueue_indirect_dma source(%dma_start3A_464 : memref<10000x128xf32, #tpu.memory_space<hbm>>) target(%dma_start3A_458 : memref<80x128xf32, #tpu.memory_space<vmem>>) offsets(%dma_start3A_461 : memref<80xi32, #tpu.memory_space<vmem>>) semaphore(%arg15 : memref<!tpu.dma_semaphore, #tpu.memory_space<semaphore_mem>>)
        %jit3A_465 = arith.constant 3 : i32
        %eq3A_466 = arith.constant 0 : i32
        %eq3A_467 = arith.cmpi eq, %jit3A_465, %eq3A_466 : i32
        %jit3A_468 = arith.constant 1 : i32
        %select_n3A_469 = arith.select %eq3A_467, %jit3A_468, %jit3A_465 : i32
        %rem3A_470 = arith.remsi %add3A_257, %select_n3A_469 : i32
        %ne3A_471 = arith.constant 0 : i32
        %ne3A_472 = arith.cmpi ne, %rem3A_470, %ne3A_471 : i32
        %lt3A_473 = arith.constant 0 : i32
        %lt3A_474 = arith.cmpi slt, %rem3A_470, %lt3A_473 : i32
        %lt3A_475 = arith.constant 0 : i32
        %lt3A_476 = arith.cmpi slt, %select_n3A_469, %lt3A_475 : i32
        %ne3A_477 = arith.xori %lt3A_474, %lt3A_476 : i1
        %and3A_478 = arith.andi %ne3A_477, %ne3A_472 : i1
        %add3A_479 = arith.addi %rem3A_470, %select_n3A_469 : i32
        %select_n3A_480 = arith.select %and3A_478, %add3A_479, %rem3A_470 : i32
        %dma_start3A_481 = arith.constant 0 : i32
        %dma_start3A_482 = arith.constant 0 : i32
        %dma_start3A_483 = tpu.memref_slice %arg10[%select_n3A_480, %dma_start3A_481, %dma_start3A_482] : memref<3x80x128xf32, #tpu.memory_space<vmem>> -> memref<1x80x128xf32, #tpu.memory_space<vmem>>
        %dma_start3A_484 = tpu.memref_squeeze %dma_start3A_483 : memref<1x80x128xf32, #tpu.memory_space<vmem>> -> memref<80x128xf32, #tpu.memory_space<vmem>>
        %dma_start3A_485 = arith.constant 0 : i32
        %dma_start3A_486 = tpu.memref_slice %arg8[%add3A_257, %dma_start3A_485] : memref<125x80xi32, #tpu.memory_space<vmem>> -> memref<1x80xi32, #tpu.memory_space<vmem>>
        %dma_start3A_487 = tpu.memref_squeeze %dma_start3A_486 : memref<1x80xi32, #tpu.memory_space<vmem>> -> memref<80xi32, #tpu.memory_space<vmem>>
        %dma_start3A_488 = arith.constant 0 : i32
        %dma_start3A_489 = arith.constant 0 : i32
        %dma_start3A_490 = tpu.memref_slice %arg3[%dma_start3A_488, %dma_start3A_489] : memref<10000x128xf32, #tpu.memory_space<hbm>> -> memref<10000x128xf32, #tpu.memory_space<hbm>>
        tpu.enqueue_indirect_dma source(%dma_start3A_490 : memref<10000x128xf32, #tpu.memory_space<hbm>>) target(%dma_start3A_484 : memref<80x128xf32, #tpu.memory_space<vmem>>) offsets(%dma_start3A_487 : memref<80xi32, #tpu.memory_space<vmem>>) semaphore(%arg15 : memref<!tpu.dma_semaphore, #tpu.memory_space<semaphore_mem>>)
      } else {
      }
      %jit3A_263 = arith.constant 3 : i32
      %eq3A_264 = arith.constant 0 : i32
      %eq3A_265 = arith.cmpi eq, %jit3A_263, %eq3A_264 : i32
      %jit3A_266 = arith.constant 1 : i32
      %select_n3A_267 = arith.select %eq3A_265, %jit3A_266, %jit3A_263 : i32
      %rem3A_268 = arith.remsi %add3A_255, %select_n3A_267 : i32
      %ne3A_269 = arith.constant 0 : i32
      %ne3A_270 = arith.cmpi ne, %rem3A_268, %ne3A_269 : i32
      %lt3A_271 = arith.constant 0 : i32
      %lt3A_272 = arith.cmpi slt, %rem3A_268, %lt3A_271 : i32
      %lt3A_273 = arith.constant 0 : i32
      %lt3A_274 = arith.cmpi slt, %select_n3A_267, %lt3A_273 : i32
      %ne3A_275 = arith.xori %lt3A_272, %lt3A_274 : i1
      %and3A_276 = arith.andi %ne3A_275, %ne3A_270 : i1
      %add3A_277 = arith.addi %rem3A_268, %select_n3A_267 : i32
      %select_n3A_278 = arith.select %and3A_276, %add3A_277, %rem3A_268 : i32
      %dma_wait3A_279 = arith.constant 2 : i32
      %dma_wait3A_280 = arith.constant 0 : i32
      %dma_wait3A_281 = arith.constant 0 : i32
      %dma_wait3A_282 = tpu.memref_slice %arg9[%dma_wait3A_279, %dma_wait3A_280, %dma_wait3A_281] : memref<5x80x128xf32, #tpu.memory_space<vmem>> -> memref<1x80x128xf32, #tpu.memory_space<vmem>>
      %dma_wait3A_283 = tpu.memref_squeeze %dma_wait3A_282 : memref<1x80x128xf32, #tpu.memory_space<vmem>> -> memref<80x128xf32, #tpu.memory_space<vmem>>
      %dma_wait3A_284 = arith.constant 0 : i32
      %dma_wait3A_285 = tpu.memref_slice %arg7[%add3A_255, %dma_wait3A_284] : memref<125x80xi32, #tpu.memory_space<vmem>> -> memref<1x80xi32, #tpu.memory_space<vmem>>
      %dma_wait3A_286 = tpu.memref_squeeze %dma_wait3A_285 : memref<1x80xi32, #tpu.memory_space<vmem>> -> memref<80xi32, #tpu.memory_space<vmem>>
      %dma_wait3A_287 = arith.constant 0 : i32
      %dma_wait3A_288 = arith.constant 0 : i32
      %dma_wait3A_289 = tpu.memref_slice %arg2[%dma_wait3A_287, %dma_wait3A_288] : memref<10000x128xf32, #tpu.memory_space<hbm>> -> memref<10000x128xf32, #tpu.memory_space<hbm>>
      tpu.wait_indirect_dma semaphore(%arg13 : memref<!tpu.dma_semaphore, #tpu.memory_space<semaphore_mem>>) src(%dma_wait3A_289 : memref<10000x128xf32, #tpu.memory_space<hbm>>) dst(%dma_wait3A_283 : memref<80x128xf32, #tpu.memory_space<vmem>>)
      %dma_wait3A_290 = arith.constant 0 : i32
      %dma_wait3A_291 = arith.constant 0 : i32
      %dma_wait3A_292 = tpu.memref_slice %arg10[%select_n3A_278, %dma_wait3A_290, %dma_wait3A_291] : memref<3x80x128xf32, #tpu.memory_space<vmem>> -> memref<1x80x128xf32, #tpu.memory_space<vmem>>
      %dma_wait3A_293 = tpu.memref_squeeze %dma_wait3A_292 : memref<1x80x128xf32, #tpu.memory_space<vmem>> -> memref<80x128xf32, #tpu.memory_space<vmem>>
      %dma_wait3A_294 = arith.constant 0 : i32
      %dma_wait3A_295 = tpu.memref_slice %arg8[%add3A_255, %dma_wait3A_294] : memref<125x80xi32, #tpu.memory_space<vmem>> -> memref<1x80xi32, #tpu.memory_space<vmem>>
      %dma_wait3A_296 = tpu.memref_squeeze %dma_wait3A_295 : memref<1x80xi32, #tpu.memory_space<vmem>> -> memref<80xi32, #tpu.memory_space<vmem>>
      %dma_wait3A_297 = arith.constant 0 : i32
      %dma_wait3A_298 = arith.constant 0 : i32
      %dma_wait3A_299 = tpu.memref_slice %arg3[%dma_wait3A_297, %dma_wait3A_298] : memref<10000x128xf32, #tpu.memory_space<hbm>> -> memref<10000x128xf32, #tpu.memory_space<hbm>>
      tpu.wait_indirect_dma semaphore(%arg13 : memref<!tpu.dma_semaphore, #tpu.memory_space<semaphore_mem>>) src(%dma_wait3A_299 : memref<10000x128xf32, #tpu.memory_space<hbm>>) dst(%dma_wait3A_293 : memref<80x128xf32, #tpu.memory_space<vmem>>)
      %parallel_loop3A_300 = arith.constant 0 : i32
      %parallel_loop3A_301 = arith.constant 80 : i32
      %parallel_loop3A_302 = arith.constant 1 : i32
      scf.for %parallel_loop3A_450 = %parallel_loop3A_300 to %parallel_loop3A_301 step %parallel_loop3A_302  : i32 {
        %parallel_loop3A_451 = arith.constant 2 : i32
        %parallel_loop3A_452 = arith.index_cast %parallel_loop3A_451 : i32 to index
        %parallel_loop3A_453 = arith.index_cast %parallel_loop3A_450 : i32 to index
        %parallel_loop3A_454 = arith.constant 0 : index
        %parallel_loop3A_455 = tpu.vector_load %arg9[%parallel_loop3A_452, %parallel_loop3A_453, %parallel_loop3A_454] {strides = array<i32>} : memref<5x80x128xf32, #tpu.memory_space<vmem>>, vector<1x1x16xf32>,
        %parallel_loop3A_456 = vector.shape_cast %parallel_loop3A_455 : vector<1x1x16xf32> to vector<16xf32>
        %parallel_loop3A_457 = arith.index_cast %select_n3A_278 : i32 to index
        %parallel_loop3A_458 = arith.index_cast %parallel_loop3A_450 : i32 to index
        %parallel_loop3A_459 = arith.constant 0 : index
        %parallel_loop3A_460 = tpu.vector_load %arg10[%parallel_loop3A_457, %parallel_loop3A_458, %parallel_loop3A_459] {strides = array<i32>} : memref<3x80x128xf32, #tpu.memory_space<vmem>>, vector<1x1x16xf32>,
        %parallel_loop3A_461 = vector.shape_cast %parallel_loop3A_460 : vector<1x1x16xf32> to vector<16xf32>
        %parallel_loop3A_462 = arith.addf %parallel_loop3A_456, %parallel_loop3A_461 : vector<16xf32>
        %parallel_loop3A_463 = arith.constant 2 : i32
        %parallel_loop3A_464 = arith.index_cast %parallel_loop3A_463 : i32 to index
        %parallel_loop3A_465 = arith.index_cast %parallel_loop3A_450 : i32 to index
        %parallel_loop3A_466 = arith.constant 0 : index
        %parallel_loop3A_467 = tpu.vector_load %arg9[%parallel_loop3A_464, %parallel_loop3A_465, %parallel_loop3A_466] {strides = array<i32>} : memref<5x80x128xf32, #tpu.memory_space<vmem>>, vector<1x1x16xf32>,
        %parallel_loop3A_468 = vector.shape_cast %parallel_loop3A_467 : vector<1x1x16xf32> to vector<16xf32>
        %parallel_loop3A_469 = vector.shape_cast %parallel_loop3A_462 : vector<16xf32> to vector<1x1x16xf32>
        tpu.vector_store %arg9[%parallel_loop3A_464, %parallel_loop3A_465, %parallel_loop3A_466], %parallel_loop3A_469 {strides = array<i32>} : memref<5x80x128xf32, #tpu.memory_space<vmem>>, vector<1x1x16xf32>,
        %parallel_loop3A_470 = arith.constant 2 : i32
        %parallel_loop3A_471 = arith.index_cast %parallel_loop3A_470 : i32 to index
        %parallel_loop3A_472 = arith.index_cast %parallel_loop3A_450 : i32 to index
        %parallel_loop3A_473 = arith.constant 16 : index
        %parallel_loop3A_474 = tpu.vector_load %arg9[%parallel_loop3A_471, %parallel_loop3A_472, %parallel_loop3A_473] {strides = array<i32>} : memref<5x80x128xf32, #tpu.memory_space<vmem>>, vector<1x1x16xf32>,
        %parallel_loop3A_475 = vector.shape_cast %parallel_loop3A_474 : vector<1x1x16xf32> to vector<16xf32>
        %parallel_loop3A_476 = arith.index_cast %select_n3A_278 : i32 to index
        %parallel_loop3A_477 = arith.index_cast %parallel_loop3A_450 : i32 to index
        %parallel_loop3A_478 = arith.constant 16 : index
        %parallel_loop3A_479 = tpu.vector_load %arg10[%parallel_loop3A_476, %parallel_loop3A_477, %parallel_loop3A_478] {strides = array<i32>} : memref<3x80x128xf32, #tpu.memory_space<vmem>>, vector<1x1x16xf32>,
        %parallel_loop3A_480 = vector.shape_cast %parallel_loop3A_479 : vector<1x1x16xf32> to vector<16xf32>
        %parallel_loop3A_481 = arith.addf %parallel_loop3A_475, %parallel_loop3A_480 : vector<16xf32>
        %parallel_loop3A_482 = arith.constant 2 : i32
        %parallel_loop3A_483 = arith.index_cast %parallel_loop3A_482 : i32 to index
        %parallel_loop3A_484 = arith.index_cast %parallel_loop3A_450 : i32 to index
        %parallel_loop3A_485 = arith.constant 16 : index
        %parallel_loop3A_486 = tpu.vector_load %arg9[%parallel_loop3A_483, %parallel_loop3A_484, %parallel_loop3A_485] {strides = array<i32>} : memref<5x80x128xf32, #tpu.memory_space<vmem>>, vector<1x1x16xf32>,
        %parallel_loop3A_487 = vector.shape_cast %parallel_loop3A_486 : vector<1x1x16xf32> to vector<16xf32>
        %parallel_loop3A_488 = vector.shape_cast %parallel_loop3A_481 : vector<16xf32> to vector<1x1x16xf32>
        tpu.vector_store %arg9[%parallel_loop3A_483, %parallel_loop3A_484, %parallel_loop3A_485], %parallel_loop3A_488 {strides = array<i32>} : memref<5x80x128xf32, #tpu.memory_space<vmem>>, vector<1x1x16xf32>,
        %parallel_loop3A_489 = arith.constant 2 : i32
        %parallel_loop3A_490 = arith.index_cast %parallel_loop3A_489 : i32 to index
        %parallel_loop3A_491 = arith.index_cast %parallel_loop3A_450 : i32 to index
        %parallel_loop3A_492 = arith.constant 32 : index
        %parallel_loop3A_493 = tpu.vector_load %arg9[%parallel_loop3A_490, %parallel_loop3A_491, %parallel_loop3A_492] {strides = array<i32>} : memref<5x80x128xf32, #tpu.memory_space<vmem>>, vector<1x1x16xf32>,
        %parallel_loop3A_494 = vector.shape_cast %parallel_loop3A_493 : vector<1x1x16xf32> to vector<16xf32>
        %parallel_loop3A_495 = arith.index_cast %select_n3A_278 : i32 to index
        %parallel_loop3A_496 = arith.index_cast %parallel_loop3A_450 : i32 to index
        %parallel_loop3A_497 = arith.constant 32 : index
        %parallel_loop3A_498 = tpu.vector_load %arg10[%parallel_loop3A_495, %parallel_loop3A_496, %parallel_loop3A_497] {strides = array<i32>} : memref<3x80x128xf32, #tpu.memory_space<vmem>>, vector<1x1x16xf32>,
        %parallel_loop3A_499 = vector.shape_cast %parallel_loop3A_498 : vector<1x1x16xf32> to vector<16xf32>
        %parallel_loop3A_500 = arith.addf %parallel_loop3A_494, %parallel_loop3A_499 : vector<16xf32>
        %parallel_loop3A_501 = arith.constant 2 : i32
        %parallel_loop3A_502 = arith.index_cast %parallel_loop3A_501 : i32 to index
        %parallel_loop3A_503 = arith.index_cast %parallel_loop3A_450 : i32 to index
        %parallel_loop3A_504 = arith.constant 32 : index
        %parallel_loop3A_505 = tpu.vector_load %arg9[%parallel_loop3A_502, %parallel_loop3A_503, %parallel_loop3A_504] {strides = array<i32>} : memref<5x80x128xf32, #tpu.memory_space<vmem>>, vector<1x1x16xf32>,
        %parallel_loop3A_506 = vector.shape_cast %parallel_loop3A_505 : vector<1x1x16xf32> to vector<16xf32>
        %parallel_loop3A_507 = vector.shape_cast %parallel_loop3A_500 : vector<16xf32> to vector<1x1x16xf32>
        tpu.vector_store %arg9[%parallel_loop3A_502, %parallel_loop3A_503, %parallel_loop3A_504], %parallel_loop3A_507 {strides = array<i32>} : memref<5x80x128xf32, #tpu.memory_space<vmem>>, vector<1x1x16xf32>,
        %parallel_loop3A_508 = arith.constant 2 : i32
        %parallel_loop3A_509 = arith.index_cast %parallel_loop3A_508 : i32 to index
        %parallel_loop3A_510 = arith.index_cast %parallel_loop3A_450 : i32 to index
        %parallel_loop3A_511 = arith.constant 48 : index
        %parallel_loop3A_512 = tpu.vector_load %arg9[%parallel_loop3A_509, %parallel_loop3A_510, %parallel_loop3A_511] {strides = array<i32>} : memref<5x80x128xf32, #tpu.memory_space<vmem>>, vector<1x1x16xf32>,
        %parallel_loop3A_513 = vector.shape_cast %parallel_loop3A_512 : vector<1x1x16xf32> to vector<16xf32>
        %parallel_loop3A_514 = arith.index_cast %select_n3A_278 : i32 to index
        %parallel_loop3A_515 = arith.index_cast %parallel_loop3A_450 : i32 to index
        %parallel_loop3A_516 = arith.constant 48 : index
        %parallel_loop3A_517 = tpu.vector_load %arg10[%parallel_loop3A_514, %parallel_loop3A_515, %parallel_loop3A_516] {strides = array<i32>} : memref<3x80x128xf32, #tpu.memory_space<vmem>>, vector<1x1x16xf32>,
        %parallel_loop3A_518 = vector.shape_cast %parallel_loop3A_517 : vector<1x1x16xf32> to vector<16xf32>
        %parallel_loop3A_519 = arith.addf %parallel_loop3A_513, %parallel_loop3A_518 : vector<16xf32>
        %parallel_loop3A_520 = arith.constant 2 : i32
        %parallel_loop3A_521 = arith.index_cast %parallel_loop3A_520 : i32 to index
        %parallel_loop3A_522 = arith.index_cast %parallel_loop3A_450 : i32 to index
        %parallel_loop3A_523 = arith.constant 48 : index
        %parallel_loop3A_524 = tpu.vector_load %arg9[%parallel_loop3A_521, %parallel_loop3A_522, %parallel_loop3A_523] {strides = array<i32>} : memref<5x80x128xf32, #tpu.memory_space<vmem>>, vector<1x1x16xf32>,
        %parallel_loop3A_525 = vector.shape_cast %parallel_loop3A_524 : vector<1x1x16xf32> to vector<16xf32>
        %parallel_loop3A_526 = vector.shape_cast %parallel_loop3A_519 : vector<16xf32> to vector<1x1x16xf32>
        tpu.vector_store %arg9[%parallel_loop3A_521, %parallel_loop3A_522, %parallel_loop3A_523], %parallel_loop3A_526 {strides = array<i32>} : memref<5x80x128xf32, #tpu.memory_space<vmem>>, vector<1x1x16xf32>,
        %parallel_loop3A_527 = arith.constant 2 : i32
        %parallel_loop3A_528 = arith.index_cast %parallel_loop3A_527 : i32 to index
        %parallel_loop3A_529 = arith.index_cast %parallel_loop3A_450 : i32 to index
        %parallel_loop3A_530 = arith.constant 64 : index
        %parallel_loop3A_531 = tpu.vector_load %arg9[%parallel_loop3A_528, %parallel_loop3A_529, %parallel_loop3A_530] {strides = array<i32>} : memref<5x80x128xf32, #tpu.memory_space<vmem>>, vector<1x1x16xf32>,
        %parallel_loop3A_532 = vector.shape_cast %parallel_loop3A_531 : vector<1x1x16xf32> to vector<16xf32>
        %parallel_loop3A_533 = arith.index_cast %select_n3A_278 : i32 to index
        %parallel_loop3A_534 = arith.index_cast %parallel_loop3A_450 : i32 to index
        %parallel_loop3A_535 = arith.constant 64 : index
        %parallel_loop3A_536 = tpu.vector_load %arg10[%parallel_loop3A_533, %parallel_loop3A_534, %parallel_loop3A_535] {strides = array<i32>} : memref<3x80x128xf32, #tpu.memory_space<vmem>>, vector<1x1x16xf32>,
        %parallel_loop3A_537 = vector.shape_cast %parallel_loop3A_536 : vector<1x1x16xf32> to vector<16xf32>
        %parallel_loop3A_538 = arith.addf %parallel_loop3A_532, %parallel_loop3A_537 : vector<16xf32>
        %parallel_loop3A_539 = arith.constant 2 : i32
        %parallel_loop3A_540 = arith.index_cast %parallel_loop3A_539 : i32 to index
        %parallel_loop3A_541 = arith.index_cast %parallel_loop3A_450 : i32 to index
        %parallel_loop3A_542 = arith.constant 64 : index
        %parallel_loop3A_543 = tpu.vector_load %arg9[%parallel_loop3A_540, %parallel_loop3A_541, %parallel_loop3A_542] {strides = array<i32>} : memref<5x80x128xf32, #tpu.memory_space<vmem>>, vector<1x1x16xf32>,
        %parallel_loop3A_544 = vector.shape_cast %parallel_loop3A_543 : vector<1x1x16xf32> to vector<16xf32>
        %parallel_loop3A_545 = vector.shape_cast %parallel_loop3A_538 : vector<16xf32> to vector<1x1x16xf32>
        tpu.vector_store %arg9[%parallel_loop3A_540, %parallel_loop3A_541, %parallel_loop3A_542], %parallel_loop3A_545 {strides = array<i32>} : memref<5x80x128xf32, #tpu.memory_space<vmem>>, vector<1x1x16xf32>,
        %parallel_loop3A_546 = arith.constant 2 : i32
        %parallel_loop3A_547 = arith.index_cast %parallel_loop3A_546 : i32 to index
        %parallel_loop3A_548 = arith.index_cast %parallel_loop3A_450 : i32 to index
        %parallel_loop3A_549 = arith.constant 80 : index
        %parallel_loop3A_550 = tpu.vector_load %arg9[%parallel_loop3A_547, %parallel_loop3A_548, %parallel_loop3A_549] {strides = array<i32>} : memref<5x80x128xf32, #tpu.memory_space<vmem>>, vector<1x1x16xf32>,
        %parallel_loop3A_551 = vector.shape_cast %parallel_loop3A_550 : vector<1x1x16xf32> to vector<16xf32>
        %parallel_loop3A_552 = arith.index_cast %select_n3A_278 : i32 to index
        %parallel_loop3A_553 = arith.index_cast %parallel_loop3A_450 : i32 to index
        %parallel_loop3A_554 = arith.constant 80 : index
        %parallel_loop3A_555 = tpu.vector_load %arg10[%parallel_loop3A_552, %parallel_loop3A_553, %parallel_loop3A_554] {strides = array<i32>} : memref<3x80x128xf32, #tpu.memory_space<vmem>>, vector<1x1x16xf32>,
        %parallel_loop3A_556 = vector.shape_cast %parallel_loop3A_555 : vector<1x1x16xf32> to vector<16xf32>
        %parallel_loop3A_557 = arith.addf %parallel_loop3A_551, %parallel_loop3A_556 : vector<16xf32>
        %parallel_loop3A_558 = arith.constant 2 : i32
        %parallel_loop3A_559 = arith.index_cast %parallel_loop3A_558 : i32 to index
        %parallel_loop3A_560 = arith.index_cast %parallel_loop3A_450 : i32 to index
        %parallel_loop3A_561 = arith.constant 80 : index
        %parallel_loop3A_562 = tpu.vector_load %arg9[%parallel_loop3A_559, %parallel_loop3A_560, %parallel_loop3A_561] {strides = array<i32>} : memref<5x80x128xf32, #tpu.memory_space<vmem>>, vector<1x1x16xf32>,
        %parallel_loop3A_563 = vector.shape_cast %parallel_loop3A_562 : vector<1x1x16xf32> to vector<16xf32>
        %parallel_loop3A_564 = vector.shape_cast %parallel_loop3A_557 : vector<16xf32> to vector<1x1x16xf32>
        tpu.vector_store %arg9[%parallel_loop3A_559, %parallel_loop3A_560, %parallel_loop3A_561], %parallel_loop3A_564 {strides = array<i32>} : memref<5x80x128xf32, #tpu.memory_space<vmem>>, vector<1x1x16xf32>,
        %parallel_loop3A_565 = arith.constant 2 : i32
        %parallel_loop3A_566 = arith.index_cast %parallel_loop3A_565 : i32 to index
        %parallel_loop3A_567 = arith.index_cast %parallel_loop3A_450 : i32 to index
        %parallel_loop3A_568 = arith.constant 96 : index
        %parallel_loop3A_569 = tpu.vector_load %arg9[%parallel_loop3A_566, %parallel_loop3A_567, %parallel_loop3A_568] {strides = array<i32>} : memref<5x80x128xf32, #tpu.memory_space<vmem>>, vector<1x1x16xf32>,
        %parallel_loop3A_570 = vector.shape_cast %parallel_loop3A_569 : vector<1x1x16xf32> to vector<16xf32>
        %parallel_loop3A_571 = arith.index_cast %select_n3A_278 : i32 to index
        %parallel_loop3A_572 = arith.index_cast %parallel_loop3A_450 : i32 to index
        %parallel_loop3A_573 = arith.constant 96 : index
        %parallel_loop3A_574 = tpu.vector_load %arg10[%parallel_loop3A_571, %parallel_loop3A_572, %parallel_loop3A_573] {strides = array<i32>} : memref<3x80x128xf32, #tpu.memory_space<vmem>>, vector<1x1x16xf32>,
        %parallel_loop3A_575 = vector.shape_cast %parallel_loop3A_574 : vector<1x1x16xf32> to vector<16xf32>
        %parallel_loop3A_576 = arith.addf %parallel_loop3A_570, %parallel_loop3A_575 : vector<16xf32>
        %parallel_loop3A_577 = arith.constant 2 : i32
        %parallel_loop3A_578 = arith.index_cast %parallel_loop3A_577 : i32 to index
        %parallel_loop3A_579 = arith.index_cast %parallel_loop3A_450 : i32 to index
        %parallel_loop3A_580 = arith.constant 96 : index
        %parallel_loop3A_581 = tpu.vector_load %arg9[%parallel_loop3A_578, %parallel_loop3A_579, %parallel_loop3A_580] {strides = array<i32>} : memref<5x80x128xf32, #tpu.memory_space<vmem>>, vector<1x1x16xf32>,
        %parallel_loop3A_582 = vector.shape_cast %parallel_loop3A_581 : vector<1x1x16xf32> to vector<16xf32>
        %parallel_loop3A_583 = vector.shape_cast %parallel_loop3A_576 : vector<16xf32> to vector<1x1x16xf32>
        tpu.vector_store %arg9[%parallel_loop3A_578, %parallel_loop3A_579, %parallel_loop3A_580], %parallel_loop3A_583 {strides = array<i32>} : memref<5x80x128xf32, #tpu.memory_space<vmem>>, vector<1x1x16xf32>,
        %parallel_loop3A_584 = arith.constant 2 : i32
        %parallel_loop3A_585 = arith.index_cast %parallel_loop3A_584 : i32 to index
        %parallel_loop3A_586 = arith.index_cast %parallel_loop3A_450 : i32 to index
        %parallel_loop3A_587 = arith.constant 112 : index
        %parallel_loop3A_588 = tpu.vector_load %arg9[%parallel_loop3A_585, %parallel_loop3A_586, %parallel_loop3A_587] {strides = array<i32>} : memref<5x80x128xf32, #tpu.memory_space<vmem>>, vector<1x1x16xf32>,
        %parallel_loop3A_589 = vector.shape_cast %parallel_loop3A_588 : vector<1x1x16xf32> to vector<16xf32>
        %parallel_loop3A_590 = arith.index_cast %select_n3A_278 : i32 to index
        %parallel_loop3A_591 = arith.index_cast %parallel_loop3A_450 : i32 to index
        %parallel_loop3A_592 = arith.constant 112 : index
        %parallel_loop3A_593 = tpu.vector_load %arg10[%parallel_loop3A_590, %parallel_loop3A_591, %parallel_loop3A_592] {strides = array<i32>} : memref<3x80x128xf32, #tpu.memory_space<vmem>>, vector<1x1x16xf32>,
        %parallel_loop3A_594 = vector.shape_cast %parallel_loop3A_593 : vector<1x1x16xf32> to vector<16xf32>
        %parallel_loop3A_595 = arith.addf %parallel_loop3A_589, %parallel_loop3A_594 : vector<16xf32>
        %parallel_loop3A_596 = arith.constant 2 : i32
        %parallel_loop3A_597 = arith.index_cast %parallel_loop3A_596 : i32 to index
        %parallel_loop3A_598 = arith.index_cast %parallel_loop3A_450 : i32 to index
        %parallel_loop3A_599 = arith.constant 112 : index
        %parallel_loop3A_600 = tpu.vector_load %arg9[%parallel_loop3A_597, %parallel_loop3A_598, %parallel_loop3A_599] {strides = array<i32>} : memref<5x80x128xf32, #tpu.memory_space<vmem>>, vector<1x1x16xf32>,
        %parallel_loop3A_601 = vector.shape_cast %parallel_loop3A_600 : vector<1x1x16xf32> to vector<16xf32>
        %parallel_loop3A_602 = vector.shape_cast %parallel_loop3A_595 : vector<16xf32> to vector<1x1x16xf32>
        tpu.vector_store %arg9[%parallel_loop3A_597, %parallel_loop3A_598, %parallel_loop3A_599], %parallel_loop3A_602 {strides = array<i32>} : memref<5x80x128xf32, #tpu.memory_space<vmem>>, vector<1x1x16xf32>,
      } {sc.loop_unroll_factor = 4 : i64, sc.parallel_access}
      %mul3A_303 = arith.constant 80 : i32
      %mul3A_304 = arith.muli %add3A_255, %mul3A_303 : i32
      %add3A_305 = arith.addi %mul3A_2, %mul3A_304 : i32
      %dma_start3A_306 = arith.constant 2 : i32
      %dma_start3A_307 = arith.constant 0 : i32
      %dma_start3A_308 = arith.constant 0 : i32
      %dma_start3A_309 = tpu.memref_slice %arg9[%dma_start3A_306, %dma_start3A_307, %dma_start3A_308] : memref<5x80x128xf32, #tpu.memory_space<vmem>> -> memref<1x80x128xf32, #tpu.memory_space<vmem>>
      %dma_start3A_310 = tpu.memref_squeeze %dma_start3A_309 : memref<1x80x128xf32, #tpu.memory_space<vmem>> -> memref<80x128xf32, #tpu.memory_space<vmem>>
      %dma_start3A_311 = arith.constant 0 : i32
      %dma_start3A_312 = tpu.memref_slice %arg6[%add3A_305, %dma_start3A_311] : memref<320000x128xf32, #tpu.memory_space<hbm>> -> memref<80x128xf32, #tpu.memory_space<hbm>>
      %dma_start3A_313 = arith.constant 0 : i32
      %dma_start3A_314 = tpu.memref_slice %arg6[%add3A_305, %dma_start3A_313] : memref<320000x128xf32, #tpu.memory_space<hbm>> -> memref<80x128xf32, #tpu.memory_space<hbm>>
      %dma_start3A_315 = arith.constant 0 : i32
      %dma_start3A_316 = arith.constant 0 : i32
      %dma_start3A_317 = tpu.memref_slice %arg9[%dma_start3A_306, %dma_start3A_315, %dma_start3A_316] : memref<5x80x128xf32, #tpu.memory_space<vmem>> -> memref<1x80x128xf32, #tpu.memory_space<vmem>>
      %dma_start3A_318 = tpu.memref_squeeze %dma_start3A_317 : memref<1x80x128xf32, #tpu.memory_space<vmem>> -> memref<80x128xf32, #tpu.memory_space<vmem>>
      tpu.enqueue_dma source(%dma_start3A_318 : memref<80x128xf32, #tpu.memory_space<vmem>>) target(%dma_start3A_314 : memref<80x128xf32, #tpu.memory_space<hbm>>) target_semaphore(%arg18 : memref<!tpu.dma_semaphore, #tpu.memory_space<semaphore_mem>>)
      %add3A_319 = arith.constant 3 : i32
      %add3A_320 = arith.addi %mul3A_133, %add3A_319 : i32
      %add3A_321 = arith.constant 2 : i32
      %add3A_322 = arith.addi %add3A_320, %add3A_321 : i32
      %lt3A_323 = arith.constant 125 : i32
      %lt3A_324 = arith.cmpi slt, %add3A_322, %lt3A_323 : i32
      %convert_element_type3A_325 = arith.extui %lt3A_324 : i1 to i32
      %cond3A_326 = arith.constant 0 : i32
      %cond3A_327 = arith.cmpi ne, %convert_element_type3A_325, %cond3A_326 : i32
      scf.if %cond3A_327 {
        %ge3A = arith.constant 5 : i32
        %ge3A_450 = arith.cmpi sge, %add3A_322, %ge3A : i32
        %convert_element_type3A_451 = arith.extui %ge3A_450 : i1 to i32
        %cond3A_452 = arith.constant 0 : i32
        %cond3A_453 = arith.cmpi ne, %convert_element_type3A_451, %cond3A_452 : i32
        scf.if %cond3A_453 {
          %sub3A = arith.constant 5 : i32
          %sub3A_491 = arith.subi %add3A_322, %sub3A : i32
          %mul3A_492 = arith.constant 80 : i32
          %mul3A_493 = arith.muli %sub3A_491, %mul3A_492 : i32
          %add3A_494 = arith.addi %mul3A_2, %mul3A_493 : i32
          %dma_wait3A_495 = arith.constant 0 : i32
          %dma_wait3A_496 = arith.constant 0 : i32
          %dma_wait3A_497 = arith.constant 0 : i32
          %dma_wait3A_498 = tpu.memref_slice %arg9[%dma_wait3A_495, %dma_wait3A_496, %dma_wait3A_497] : memref<5x80x128xf32, #tpu.memory_space<vmem>> -> memref<1x80x128xf32, #tpu.memory_space<vmem>>
          %dma_wait3A_499 = tpu.memref_squeeze %dma_wait3A_498 : memref<1x80x128xf32, #tpu.memory_space<vmem>> -> memref<80x128xf32, #tpu.memory_space<vmem>>
          %dma_wait3A_500 = arith.constant 0 : i32
          %dma_wait3A_501 = tpu.memref_slice %arg6[%add3A_494, %dma_wait3A_500] : memref<320000x128xf32, #tpu.memory_space<hbm>> -> memref<80x128xf32, #tpu.memory_space<hbm>>
          %dma_wait3A_502 = arith.constant 0 : i32
          %dma_wait3A_503 = tpu.memref_slice %arg6[%add3A_494, %dma_wait3A_502] : memref<320000x128xf32, #tpu.memory_space<hbm>> -> memref<80x128xf32, #tpu.memory_space<hbm>>
          %dma_wait3A_504 = arith.constant 0 : i32
          %dma_wait3A_505 = arith.constant 0 : i32
          %dma_wait3A_506 = tpu.memref_slice %arg9[%dma_wait3A_495, %dma_wait3A_504, %dma_wait3A_505] : memref<5x80x128xf32, #tpu.memory_space<vmem>> -> memref<1x80x128xf32, #tpu.memory_space<vmem>>
          %dma_wait3A_507 = tpu.memref_squeeze %dma_wait3A_506 : memref<1x80x128xf32, #tpu.memory_space<vmem>> -> memref<80x128xf32, #tpu.memory_space<vmem>>
          tpu.wait_dma2 semaphore(%arg16 : memref<!tpu.dma_semaphore, #tpu.memory_space<semaphore_mem>>) src(%dma_wait3A_507 : memref<80x128xf32, #tpu.memory_space<vmem>>) dst(%dma_wait3A_503 : memref<80x128xf32, #tpu.memory_space<hbm>>)
        } else {
        }
        %dma_start3A_454 = arith.constant 0 : i32
        %dma_start3A_455 = arith.constant 0 : i32
        %dma_start3A_456 = arith.constant 0 : i32
        %dma_start3A_457 = tpu.memref_slice %arg9[%dma_start3A_454, %dma_start3A_455, %dma_start3A_456] : memref<5x80x128xf32, #tpu.memory_space<vmem>> -> memref<1x80x128xf32, #tpu.memory_space<vmem>>
        %dma_start3A_458 = tpu.memref_squeeze %dma_start3A_457 : memref<1x80x128xf32, #tpu.memory_space<vmem>> -> memref<80x128xf32, #tpu.memory_space<vmem>>
        %dma_start3A_459 = arith.constant 0 : i32
        %dma_start3A_460 = tpu.memref_slice %arg7[%add3A_322, %dma_start3A_459] : memref<125x80xi32, #tpu.memory_space<vmem>> -> memref<1x80xi32, #tpu.memory_space<vmem>>
        %dma_start3A_461 = tpu.memref_squeeze %dma_start3A_460 : memref<1x80xi32, #tpu.memory_space<vmem>> -> memref<80xi32, #tpu.memory_space<vmem>>
        %dma_start3A_462 = arith.constant 0 : i32
        %dma_start3A_463 = arith.constant 0 : i32
        %dma_start3A_464 = tpu.memref_slice %arg2[%dma_start3A_462, %dma_start3A_463] : memref<10000x128xf32, #tpu.memory_space<hbm>> -> memref<10000x128xf32, #tpu.memory_space<hbm>>
        tpu.enqueue_indirect_dma source(%dma_start3A_464 : memref<10000x128xf32, #tpu.memory_space<hbm>>) target(%dma_start3A_458 : memref<80x128xf32, #tpu.memory_space<vmem>>) offsets(%dma_start3A_461 : memref<80xi32, #tpu.memory_space<vmem>>) semaphore(%arg11 : memref<!tpu.dma_semaphore, #tpu.memory_space<semaphore_mem>>)
        %jit3A_465 = arith.constant 3 : i32
        %eq3A_466 = arith.constant 0 : i32
        %eq3A_467 = arith.cmpi eq, %jit3A_465, %eq3A_466 : i32
        %jit3A_468 = arith.constant 1 : i32
        %select_n3A_469 = arith.select %eq3A_467, %jit3A_468, %jit3A_465 : i32
        %rem3A_470 = arith.remsi %add3A_322, %select_n3A_469 : i32
        %ne3A_471 = arith.constant 0 : i32
        %ne3A_472 = arith.cmpi ne, %rem3A_470, %ne3A_471 : i32
        %lt3A_473 = arith.constant 0 : i32
        %lt3A_474 = arith.cmpi slt, %rem3A_470, %lt3A_473 : i32
        %lt3A_475 = arith.constant 0 : i32
        %lt3A_476 = arith.cmpi slt, %select_n3A_469, %lt3A_475 : i32
        %ne3A_477 = arith.xori %lt3A_474, %lt3A_476 : i1
        %and3A_478 = arith.andi %ne3A_477, %ne3A_472 : i1
        %add3A_479 = arith.addi %rem3A_470, %select_n3A_469 : i32
        %select_n3A_480 = arith.select %and3A_478, %add3A_479, %rem3A_470 : i32
        %dma_start3A_481 = arith.constant 0 : i32
        %dma_start3A_482 = arith.constant 0 : i32
        %dma_start3A_483 = tpu.memref_slice %arg10[%select_n3A_480, %dma_start3A_481, %dma_start3A_482] : memref<3x80x128xf32, #tpu.memory_space<vmem>> -> memref<1x80x128xf32, #tpu.memory_space<vmem>>
        %dma_start3A_484 = tpu.memref_squeeze %dma_start3A_483 : memref<1x80x128xf32, #tpu.memory_space<vmem>> -> memref<80x128xf32, #tpu.memory_space<vmem>>
        %dma_start3A_485 = arith.constant 0 : i32
        %dma_start3A_486 = tpu.memref_slice %arg8[%add3A_322, %dma_start3A_485] : memref<125x80xi32, #tpu.memory_space<vmem>> -> memref<1x80xi32, #tpu.memory_space<vmem>>
        %dma_start3A_487 = tpu.memref_squeeze %dma_start3A_486 : memref<1x80xi32, #tpu.memory_space<vmem>> -> memref<80xi32, #tpu.memory_space<vmem>>
        %dma_start3A_488 = arith.constant 0 : i32
        %dma_start3A_489 = arith.constant 0 : i32
        %dma_start3A_490 = tpu.memref_slice %arg3[%dma_start3A_488, %dma_start3A_489] : memref<10000x128xf32, #tpu.memory_space<hbm>> -> memref<10000x128xf32, #tpu.memory_space<hbm>>
        tpu.enqueue_indirect_dma source(%dma_start3A_490 : memref<10000x128xf32, #tpu.memory_space<hbm>>) target(%dma_start3A_484 : memref<80x128xf32, #tpu.memory_space<vmem>>) offsets(%dma_start3A_487 : memref<80xi32, #tpu.memory_space<vmem>>) semaphore(%arg11 : memref<!tpu.dma_semaphore, #tpu.memory_space<semaphore_mem>>)
      } else {
      }
      %jit3A_328 = arith.constant 3 : i32
      %eq3A_329 = arith.constant 0 : i32
      %eq3A_330 = arith.cmpi eq, %jit3A_328, %eq3A_329 : i32
      %jit3A_331 = arith.constant 1 : i32
      %select_n3A_332 = arith.select %eq3A_330, %jit3A_331, %jit3A_328 : i32
      %rem3A_333 = arith.remsi %add3A_320, %select_n3A_332 : i32
      %ne3A_334 = arith.constant 0 : i32
      %ne3A_335 = arith.cmpi ne, %rem3A_333, %ne3A_334 : i32
      %lt3A_336 = arith.constant 0 : i32
      %lt3A_337 = arith.cmpi slt, %rem3A_333, %lt3A_336 : i32
      %lt3A_338 = arith.constant 0 : i32
      %lt3A_339 = arith.cmpi slt, %select_n3A_332, %lt3A_338 : i32
      %ne3A_340 = arith.xori %lt3A_337, %lt3A_339 : i1
      %and3A_341 = arith.andi %ne3A_340, %ne3A_335 : i1
      %add3A_342 = arith.addi %rem3A_333, %select_n3A_332 : i32
      %select_n3A_343 = arith.select %and3A_341, %add3A_342, %rem3A_333 : i32
      %dma_wait3A_344 = arith.constant 3 : i32
      %dma_wait3A_345 = arith.constant 0 : i32
      %dma_wait3A_346 = arith.constant 0 : i32
      %dma_wait3A_347 = tpu.memref_slice %arg9[%dma_wait3A_344, %dma_wait3A_345, %dma_wait3A_346] : memref<5x80x128xf32, #tpu.memory_space<vmem>> -> memref<1x80x128xf32, #tpu.memory_space<vmem>>
      %dma_wait3A_348 = tpu.memref_squeeze %dma_wait3A_347 : memref<1x80x128xf32, #tpu.memory_space<vmem>> -> memref<80x128xf32, #tpu.memory_space<vmem>>
      %dma_wait3A_349 = arith.constant 0 : i32
      %dma_wait3A_350 = tpu.memref_slice %arg7[%add3A_320, %dma_wait3A_349] : memref<125x80xi32, #tpu.memory_space<vmem>> -> memref<1x80xi32, #tpu.memory_space<vmem>>
      %dma_wait3A_351 = tpu.memref_squeeze %dma_wait3A_350 : memref<1x80xi32, #tpu.memory_space<vmem>> -> memref<80xi32, #tpu.memory_space<vmem>>
      %dma_wait3A_352 = arith.constant 0 : i32
      %dma_wait3A_353 = arith.constant 0 : i32
      %dma_wait3A_354 = tpu.memref_slice %arg2[%dma_wait3A_352, %dma_wait3A_353] : memref<10000x128xf32, #tpu.memory_space<hbm>> -> memref<10000x128xf32, #tpu.memory_space<hbm>>
      tpu.wait_indirect_dma semaphore(%arg14 : memref<!tpu.dma_semaphore, #tpu.memory_space<semaphore_mem>>) src(%dma_wait3A_354 : memref<10000x128xf32, #tpu.memory_space<hbm>>) dst(%dma_wait3A_348 : memref<80x128xf32, #tpu.memory_space<vmem>>)
      %dma_wait3A_355 = arith.constant 0 : i32
      %dma_wait3A_356 = arith.constant 0 : i32
      %dma_wait3A_357 = tpu.memref_slice %arg10[%select_n3A_343, %dma_wait3A_355, %dma_wait3A_356] : memref<3x80x128xf32, #tpu.memory_space<vmem>> -> memref<1x80x128xf32, #tpu.memory_space<vmem>>
      %dma_wait3A_358 = tpu.memref_squeeze %dma_wait3A_357 : memref<1x80x128xf32, #tpu.memory_space<vmem>> -> memref<80x128xf32, #tpu.memory_space<vmem>>
      %dma_wait3A_359 = arith.constant 0 : i32
      %dma_wait3A_360 = tpu.memref_slice %arg8[%add3A_320, %dma_wait3A_359] : memref<125x80xi32, #tpu.memory_space<vmem>> -> memref<1x80xi32, #tpu.memory_space<vmem>>
      %dma_wait3A_361 = tpu.memref_squeeze %dma_wait3A_360 : memref<1x80xi32, #tpu.memory_space<vmem>> -> memref<80xi32, #tpu.memory_space<vmem>>
      %dma_wait3A_362 = arith.constant 0 : i32
      %dma_wait3A_363 = arith.constant 0 : i32
      %dma_wait3A_364 = tpu.memref_slice %arg3[%dma_wait3A_362, %dma_wait3A_363] : memref<10000x128xf32, #tpu.memory_space<hbm>> -> memref<10000x128xf32, #tpu.memory_space<hbm>>
      tpu.wait_indirect_dma semaphore(%arg14 : memref<!tpu.dma_semaphore, #tpu.memory_space<semaphore_mem>>) src(%dma_wait3A_364 : memref<10000x128xf32, #tpu.memory_space<hbm>>) dst(%dma_wait3A_358 : memref<80x128xf32, #tpu.memory_space<vmem>>)
      %parallel_loop3A_365 = arith.constant 0 : i32
      %parallel_loop3A_366 = arith.constant 80 : i32
      %parallel_loop3A_367 = arith.constant 1 : i32
      scf.for %parallel_loop3A_450 = %parallel_loop3A_365 to %parallel_loop3A_366 step %parallel_loop3A_367  : i32 {
        %parallel_loop3A_451 = arith.constant 3 : i32
        %parallel_loop3A_452 = arith.index_cast %parallel_loop3A_451 : i32 to index
        %parallel_loop3A_453 = arith.index_cast %parallel_loop3A_450 : i32 to index
        %parallel_loop3A_454 = arith.constant 0 : index
        %parallel_loop3A_455 = tpu.vector_load %arg9[%parallel_loop3A_452, %parallel_loop3A_453, %parallel_loop3A_454] {strides = array<i32>} : memref<5x80x128xf32, #tpu.memory_space<vmem>>, vector<1x1x16xf32>,
        %parallel_loop3A_456 = vector.shape_cast %parallel_loop3A_455 : vector<1x1x16xf32> to vector<16xf32>
        %parallel_loop3A_457 = arith.index_cast %select_n3A_343 : i32 to index
        %parallel_loop3A_458 = arith.index_cast %parallel_loop3A_450 : i32 to index
        %parallel_loop3A_459 = arith.constant 0 : index
        %parallel_loop3A_460 = tpu.vector_load %arg10[%parallel_loop3A_457, %parallel_loop3A_458, %parallel_loop3A_459] {strides = array<i32>} : memref<3x80x128xf32, #tpu.memory_space<vmem>>, vector<1x1x16xf32>,
        %parallel_loop3A_461 = vector.shape_cast %parallel_loop3A_460 : vector<1x1x16xf32> to vector<16xf32>
        %parallel_loop3A_462 = arith.addf %parallel_loop3A_456, %parallel_loop3A_461 : vector<16xf32>
        %parallel_loop3A_463 = arith.constant 3 : i32
        %parallel_loop3A_464 = arith.index_cast %parallel_loop3A_463 : i32 to index
        %parallel_loop3A_465 = arith.index_cast %parallel_loop3A_450 : i32 to index
        %parallel_loop3A_466 = arith.constant 0 : index
        %parallel_loop3A_467 = tpu.vector_load %arg9[%parallel_loop3A_464, %parallel_loop3A_465, %parallel_loop3A_466] {strides = array<i32>} : memref<5x80x128xf32, #tpu.memory_space<vmem>>, vector<1x1x16xf32>,
        %parallel_loop3A_468 = vector.shape_cast %parallel_loop3A_467 : vector<1x1x16xf32> to vector<16xf32>
        %parallel_loop3A_469 = vector.shape_cast %parallel_loop3A_462 : vector<16xf32> to vector<1x1x16xf32>
        tpu.vector_store %arg9[%parallel_loop3A_464, %parallel_loop3A_465, %parallel_loop3A_466], %parallel_loop3A_469 {strides = array<i32>} : memref<5x80x128xf32, #tpu.memory_space<vmem>>, vector<1x1x16xf32>,
        %parallel_loop3A_470 = arith.constant 3 : i32
        %parallel_loop3A_471 = arith.index_cast %parallel_loop3A_470 : i32 to index
        %parallel_loop3A_472 = arith.index_cast %parallel_loop3A_450 : i32 to index
        %parallel_loop3A_473 = arith.constant 16 : index
        %parallel_loop3A_474 = tpu.vector_load %arg9[%parallel_loop3A_471, %parallel_loop3A_472, %parallel_loop3A_473] {strides = array<i32>} : memref<5x80x128xf32, #tpu.memory_space<vmem>>, vector<1x1x16xf32>,
        %parallel_loop3A_475 = vector.shape_cast %parallel_loop3A_474 : vector<1x1x16xf32> to vector<16xf32>
        %parallel_loop3A_476 = arith.index_cast %select_n3A_343 : i32 to index
        %parallel_loop3A_477 = arith.index_cast %parallel_loop3A_450 : i32 to index
        %parallel_loop3A_478 = arith.constant 16 : index
        %parallel_loop3A_479 = tpu.vector_load %arg10[%parallel_loop3A_476, %parallel_loop3A_477, %parallel_loop3A_478] {strides = array<i32>} : memref<3x80x128xf32, #tpu.memory_space<vmem>>, vector<1x1x16xf32>,
        %parallel_loop3A_480 = vector.shape_cast %parallel_loop3A_479 : vector<1x1x16xf32> to vector<16xf32>
        %parallel_loop3A_481 = arith.addf %parallel_loop3A_475, %parallel_loop3A_480 : vector<16xf32>
        %parallel_loop3A_482 = arith.constant 3 : i32
        %parallel_loop3A_483 = arith.index_cast %parallel_loop3A_482 : i32 to index
        %parallel_loop3A_484 = arith.index_cast %parallel_loop3A_450 : i32 to index
        %parallel_loop3A_485 = arith.constant 16 : index
        %parallel_loop3A_486 = tpu.vector_load %arg9[%parallel_loop3A_483, %parallel_loop3A_484, %parallel_loop3A_485] {strides = array<i32>} : memref<5x80x128xf32, #tpu.memory_space<vmem>>, vector<1x1x16xf32>,
        %parallel_loop3A_487 = vector.shape_cast %parallel_loop3A_486 : vector<1x1x16xf32> to vector<16xf32>
        %parallel_loop3A_488 = vector.shape_cast %parallel_loop3A_481 : vector<16xf32> to vector<1x1x16xf32>
        tpu.vector_store %arg9[%parallel_loop3A_483, %parallel_loop3A_484, %parallel_loop3A_485], %parallel_loop3A_488 {strides = array<i32>} : memref<5x80x128xf32, #tpu.memory_space<vmem>>, vector<1x1x16xf32>,
        %parallel_loop3A_489 = arith.constant 3 : i32
        %parallel_loop3A_490 = arith.index_cast %parallel_loop3A_489 : i32 to index
        %parallel_loop3A_491 = arith.index_cast %parallel_loop3A_450 : i32 to index
        %parallel_loop3A_492 = arith.constant 32 : index
        %parallel_loop3A_493 = tpu.vector_load %arg9[%parallel_loop3A_490, %parallel_loop3A_491, %parallel_loop3A_492] {strides = array<i32>} : memref<5x80x128xf32, #tpu.memory_space<vmem>>, vector<1x1x16xf32>,
        %parallel_loop3A_494 = vector.shape_cast %parallel_loop3A_493 : vector<1x1x16xf32> to vector<16xf32>
        %parallel_loop3A_495 = arith.index_cast %select_n3A_343 : i32 to index
        %parallel_loop3A_496 = arith.index_cast %parallel_loop3A_450 : i32 to index
        %parallel_loop3A_497 = arith.constant 32 : index
        %parallel_loop3A_498 = tpu.vector_load %arg10[%parallel_loop3A_495, %parallel_loop3A_496, %parallel_loop3A_497] {strides = array<i32>} : memref<3x80x128xf32, #tpu.memory_space<vmem>>, vector<1x1x16xf32>,
        %parallel_loop3A_499 = vector.shape_cast %parallel_loop3A_498 : vector<1x1x16xf32> to vector<16xf32>
        %parallel_loop3A_500 = arith.addf %parallel_loop3A_494, %parallel_loop3A_499 : vector<16xf32>
        %parallel_loop3A_501 = arith.constant 3 : i32
        %parallel_loop3A_502 = arith.index_cast %parallel_loop3A_501 : i32 to index
        %parallel_loop3A_503 = arith.index_cast %parallel_loop3A_450 : i32 to index
        %parallel_loop3A_504 = arith.constant 32 : index
        %parallel_loop3A_505 = tpu.vector_load %arg9[%parallel_loop3A_502, %parallel_loop3A_503, %parallel_loop3A_504] {strides = array<i32>} : memref<5x80x128xf32, #tpu.memory_space<vmem>>, vector<1x1x16xf32>,
        %parallel_loop3A_506 = vector.shape_cast %parallel_loop3A_505 : vector<1x1x16xf32> to vector<16xf32>
        %parallel_loop3A_507 = vector.shape_cast %parallel_loop3A_500 : vector<16xf32> to vector<1x1x16xf32>
        tpu.vector_store %arg9[%parallel_loop3A_502, %parallel_loop3A_503, %parallel_loop3A_504], %parallel_loop3A_507 {strides = array<i32>} : memref<5x80x128xf32, #tpu.memory_space<vmem>>, vector<1x1x16xf32>,
        %parallel_loop3A_508 = arith.constant 3 : i32
        %parallel_loop3A_509 = arith.index_cast %parallel_loop3A_508 : i32 to index
        %parallel_loop3A_510 = arith.index_cast %parallel_loop3A_450 : i32 to index
        %parallel_loop3A_511 = arith.constant 48 : index
        %parallel_loop3A_512 = tpu.vector_load %arg9[%parallel_loop3A_509, %parallel_loop3A_510, %parallel_loop3A_511] {strides = array<i32>} : memref<5x80x128xf32, #tpu.memory_space<vmem>>, vector<1x1x16xf32>,
        %parallel_loop3A_513 = vector.shape_cast %parallel_loop3A_512 : vector<1x1x16xf32> to vector<16xf32>
        %parallel_loop3A_514 = arith.index_cast %select_n3A_343 : i32 to index
        %parallel_loop3A_515 = arith.index_cast %parallel_loop3A_450 : i32 to index
        %parallel_loop3A_516 = arith.constant 48 : index
        %parallel_loop3A_517 = tpu.vector_load %arg10[%parallel_loop3A_514, %parallel_loop3A_515, %parallel_loop3A_516] {strides = array<i32>} : memref<3x80x128xf32, #tpu.memory_space<vmem>>, vector<1x1x16xf32>,
        %parallel_loop3A_518 = vector.shape_cast %parallel_loop3A_517 : vector<1x1x16xf32> to vector<16xf32>
        %parallel_loop3A_519 = arith.addf %parallel_loop3A_513, %parallel_loop3A_518 : vector<16xf32>
        %parallel_loop3A_520 = arith.constant 3 : i32
        %parallel_loop3A_521 = arith.index_cast %parallel_loop3A_520 : i32 to index
        %parallel_loop3A_522 = arith.index_cast %parallel_loop3A_450 : i32 to index
        %parallel_loop3A_523 = arith.constant 48 : index
        %parallel_loop3A_524 = tpu.vector_load %arg9[%parallel_loop3A_521, %parallel_loop3A_522, %parallel_loop3A_523] {strides = array<i32>} : memref<5x80x128xf32, #tpu.memory_space<vmem>>, vector<1x1x16xf32>,
        %parallel_loop3A_525 = vector.shape_cast %parallel_loop3A_524 : vector<1x1x16xf32> to vector<16xf32>
        %parallel_loop3A_526 = vector.shape_cast %parallel_loop3A_519 : vector<16xf32> to vector<1x1x16xf32>
        tpu.vector_store %arg9[%parallel_loop3A_521, %parallel_loop3A_522, %parallel_loop3A_523], %parallel_loop3A_526 {strides = array<i32>} : memref<5x80x128xf32, #tpu.memory_space<vmem>>, vector<1x1x16xf32>,
        %parallel_loop3A_527 = arith.constant 3 : i32
        %parallel_loop3A_528 = arith.index_cast %parallel_loop3A_527 : i32 to index
        %parallel_loop3A_529 = arith.index_cast %parallel_loop3A_450 : i32 to index
        %parallel_loop3A_530 = arith.constant 64 : index
        %parallel_loop3A_531 = tpu.vector_load %arg9[%parallel_loop3A_528, %parallel_loop3A_529, %parallel_loop3A_530] {strides = array<i32>} : memref<5x80x128xf32, #tpu.memory_space<vmem>>, vector<1x1x16xf32>,
        %parallel_loop3A_532 = vector.shape_cast %parallel_loop3A_531 : vector<1x1x16xf32> to vector<16xf32>
        %parallel_loop3A_533 = arith.index_cast %select_n3A_343 : i32 to index
        %parallel_loop3A_534 = arith.index_cast %parallel_loop3A_450 : i32 to index
        %parallel_loop3A_535 = arith.constant 64 : index
        %parallel_loop3A_536 = tpu.vector_load %arg10[%parallel_loop3A_533, %parallel_loop3A_534, %parallel_loop3A_535] {strides = array<i32>} : memref<3x80x128xf32, #tpu.memory_space<vmem>>, vector<1x1x16xf32>,
        %parallel_loop3A_537 = vector.shape_cast %parallel_loop3A_536 : vector<1x1x16xf32> to vector<16xf32>
        %parallel_loop3A_538 = arith.addf %parallel_loop3A_532, %parallel_loop3A_537 : vector<16xf32>
        %parallel_loop3A_539 = arith.constant 3 : i32
        %parallel_loop3A_540 = arith.index_cast %parallel_loop3A_539 : i32 to index
        %parallel_loop3A_541 = arith.index_cast %parallel_loop3A_450 : i32 to index
        %parallel_loop3A_542 = arith.constant 64 : index
        %parallel_loop3A_543 = tpu.vector_load %arg9[%parallel_loop3A_540, %parallel_loop3A_541, %parallel_loop3A_542] {strides = array<i32>} : memref<5x80x128xf32, #tpu.memory_space<vmem>>, vector<1x1x16xf32>,
        %parallel_loop3A_544 = vector.shape_cast %parallel_loop3A_543 : vector<1x1x16xf32> to vector<16xf32>
        %parallel_loop3A_545 = vector.shape_cast %parallel_loop3A_538 : vector<16xf32> to vector<1x1x16xf32>
        tpu.vector_store %arg9[%parallel_loop3A_540, %parallel_loop3A_541, %parallel_loop3A_542], %parallel_loop3A_545 {strides = array<i32>} : memref<5x80x128xf32, #tpu.memory_space<vmem>>, vector<1x1x16xf32>,
        %parallel_loop3A_546 = arith.constant 3 : i32
        %parallel_loop3A_547 = arith.index_cast %parallel_loop3A_546 : i32 to index
        %parallel_loop3A_548 = arith.index_cast %parallel_loop3A_450 : i32 to index
        %parallel_loop3A_549 = arith.constant 80 : index
        %parallel_loop3A_550 = tpu.vector_load %arg9[%parallel_loop3A_547, %parallel_loop3A_548, %parallel_loop3A_549] {strides = array<i32>} : memref<5x80x128xf32, #tpu.memory_space<vmem>>, vector<1x1x16xf32>,
        %parallel_loop3A_551 = vector.shape_cast %parallel_loop3A_550 : vector<1x1x16xf32> to vector<16xf32>
        %parallel_loop3A_552 = arith.index_cast %select_n3A_343 : i32 to index
        %parallel_loop3A_553 = arith.index_cast %parallel_loop3A_450 : i32 to index
        %parallel_loop3A_554 = arith.constant 80 : index
        %parallel_loop3A_555 = tpu.vector_load %arg10[%parallel_loop3A_552, %parallel_loop3A_553, %parallel_loop3A_554] {strides = array<i32>} : memref<3x80x128xf32, #tpu.memory_space<vmem>>, vector<1x1x16xf32>,
        %parallel_loop3A_556 = vector.shape_cast %parallel_loop3A_555 : vector<1x1x16xf32> to vector<16xf32>
        %parallel_loop3A_557 = arith.addf %parallel_loop3A_551, %parallel_loop3A_556 : vector<16xf32>
        %parallel_loop3A_558 = arith.constant 3 : i32
        %parallel_loop3A_559 = arith.index_cast %parallel_loop3A_558 : i32 to index
        %parallel_loop3A_560 = arith.index_cast %parallel_loop3A_450 : i32 to index
        %parallel_loop3A_561 = arith.constant 80 : index
        %parallel_loop3A_562 = tpu.vector_load %arg9[%parallel_loop3A_559, %parallel_loop3A_560, %parallel_loop3A_561] {strides = array<i32>} : memref<5x80x128xf32, #tpu.memory_space<vmem>>, vector<1x1x16xf32>,
        %parallel_loop3A_563 = vector.shape_cast %parallel_loop3A_562 : vector<1x1x16xf32> to vector<16xf32>
        %parallel_loop3A_564 = vector.shape_cast %parallel_loop3A_557 : vector<16xf32> to vector<1x1x16xf32>
        tpu.vector_store %arg9[%parallel_loop3A_559, %parallel_loop3A_560, %parallel_loop3A_561], %parallel_loop3A_564 {strides = array<i32>} : memref<5x80x128xf32, #tpu.memory_space<vmem>>, vector<1x1x16xf32>,
        %parallel_loop3A_565 = arith.constant 3 : i32
        %parallel_loop3A_566 = arith.index_cast %parallel_loop3A_565 : i32 to index
        %parallel_loop3A_567 = arith.index_cast %parallel_loop3A_450 : i32 to index
        %parallel_loop3A_568 = arith.constant 96 : index
        %parallel_loop3A_569 = tpu.vector_load %arg9[%parallel_loop3A_566, %parallel_loop3A_567, %parallel_loop3A_568] {strides = array<i32>} : memref<5x80x128xf32, #tpu.memory_space<vmem>>, vector<1x1x16xf32>,
        %parallel_loop3A_570 = vector.shape_cast %parallel_loop3A_569 : vector<1x1x16xf32> to vector<16xf32>
        %parallel_loop3A_571 = arith.index_cast %select_n3A_343 : i32 to index
        %parallel_loop3A_572 = arith.index_cast %parallel_loop3A_450 : i32 to index
        %parallel_loop3A_573 = arith.constant 96 : index
        %parallel_loop3A_574 = tpu.vector_load %arg10[%parallel_loop3A_571, %parallel_loop3A_572, %parallel_loop3A_573] {strides = array<i32>} : memref<3x80x128xf32, #tpu.memory_space<vmem>>, vector<1x1x16xf32>,
        %parallel_loop3A_575 = vector.shape_cast %parallel_loop3A_574 : vector<1x1x16xf32> to vector<16xf32>
        %parallel_loop3A_576 = arith.addf %parallel_loop3A_570, %parallel_loop3A_575 : vector<16xf32>
        %parallel_loop3A_577 = arith.constant 3 : i32
        %parallel_loop3A_578 = arith.index_cast %parallel_loop3A_577 : i32 to index
        %parallel_loop3A_579 = arith.index_cast %parallel_loop3A_450 : i32 to index
        %parallel_loop3A_580 = arith.constant 96 : index
        %parallel_loop3A_581 = tpu.vector_load %arg9[%parallel_loop3A_578, %parallel_loop3A_579, %parallel_loop3A_580] {strides = array<i32>} : memref<5x80x128xf32, #tpu.memory_space<vmem>>, vector<1x1x16xf32>,
        %parallel_loop3A_582 = vector.shape_cast %parallel_loop3A_581 : vector<1x1x16xf32> to vector<16xf32>
        %parallel_loop3A_583 = vector.shape_cast %parallel_loop3A_576 : vector<16xf32> to vector<1x1x16xf32>
        tpu.vector_store %arg9[%parallel_loop3A_578, %parallel_loop3A_579, %parallel_loop3A_580], %parallel_loop3A_583 {strides = array<i32>} : memref<5x80x128xf32, #tpu.memory_space<vmem>>, vector<1x1x16xf32>,
        %parallel_loop3A_584 = arith.constant 3 : i32
        %parallel_loop3A_585 = arith.index_cast %parallel_loop3A_584 : i32 to index
        %parallel_loop3A_586 = arith.index_cast %parallel_loop3A_450 : i32 to index
        %parallel_loop3A_587 = arith.constant 112 : index
        %parallel_loop3A_588 = tpu.vector_load %arg9[%parallel_loop3A_585, %parallel_loop3A_586, %parallel_loop3A_587] {strides = array<i32>} : memref<5x80x128xf32, #tpu.memory_space<vmem>>, vector<1x1x16xf32>,
        %parallel_loop3A_589 = vector.shape_cast %parallel_loop3A_588 : vector<1x1x16xf32> to vector<16xf32>
        %parallel_loop3A_590 = arith.index_cast %select_n3A_343 : i32 to index
        %parallel_loop3A_591 = arith.index_cast %parallel_loop3A_450 : i32 to index
        %parallel_loop3A_592 = arith.constant 112 : index
        %parallel_loop3A_593 = tpu.vector_load %arg10[%parallel_loop3A_590, %parallel_loop3A_591, %parallel_loop3A_592] {strides = array<i32>} : memref<3x80x128xf32, #tpu.memory_space<vmem>>, vector<1x1x16xf32>,
        %parallel_loop3A_594 = vector.shape_cast %parallel_loop3A_593 : vector<1x1x16xf32> to vector<16xf32>
        %parallel_loop3A_595 = arith.addf %parallel_loop3A_589, %parallel_loop3A_594 : vector<16xf32>
        %parallel_loop3A_596 = arith.constant 3 : i32
        %parallel_loop3A_597 = arith.index_cast %parallel_loop3A_596 : i32 to index
        %parallel_loop3A_598 = arith.index_cast %parallel_loop3A_450 : i32 to index
        %parallel_loop3A_599 = arith.constant 112 : index
        %parallel_loop3A_600 = tpu.vector_load %arg9[%parallel_loop3A_597, %parallel_loop3A_598, %parallel_loop3A_599] {strides = array<i32>} : memref<5x80x128xf32, #tpu.memory_space<vmem>>, vector<1x1x16xf32>,
        %parallel_loop3A_601 = vector.shape_cast %parallel_loop3A_600 : vector<1x1x16xf32> to vector<16xf32>
        %parallel_loop3A_602 = vector.shape_cast %parallel_loop3A_595 : vector<16xf32> to vector<1x1x16xf32>
        tpu.vector_store %arg9[%parallel_loop3A_597, %parallel_loop3A_598, %parallel_loop3A_599], %parallel_loop3A_602 {strides = array<i32>} : memref<5x80x128xf32, #tpu.memory_space<vmem>>, vector<1x1x16xf32>,
      } {sc.loop_unroll_factor = 4 : i64, sc.parallel_access}
      %mul3A_368 = arith.constant 80 : i32
      %mul3A_369 = arith.muli %add3A_320, %mul3A_368 : i32
      %add3A_370 = arith.addi %mul3A_2, %mul3A_369 : i32
      %dma_start3A_371 = arith.constant 3 : i32
      %dma_start3A_372 = arith.constant 0 : i32
      %dma_start3A_373 = arith.constant 0 : i32
      %dma_start3A_374 = tpu.memref_slice %arg9[%dma_start3A_371, %dma_start3A_372, %dma_start3A_373] : memref<5x80x128xf32, #tpu.memory_space<vmem>> -> memref<1x80x128xf32, #tpu.memory_space<vmem>>
      %dma_start3A_375 = tpu.memref_squeeze %dma_start3A_374 : memref<1x80x128xf32, #tpu.memory_space<vmem>> -> memref<80x128xf32, #tpu.memory_space<vmem>>
      %dma_start3A_376 = arith.constant 0 : i32
      %dma_start3A_377 = tpu.memref_slice %arg6[%add3A_370, %dma_start3A_376] : memref<320000x128xf32, #tpu.memory_space<hbm>> -> memref<80x128xf32, #tpu.memory_space<hbm>>
      %dma_start3A_378 = arith.constant 0 : i32
      %dma_start3A_379 = tpu.memref_slice %arg6[%add3A_370, %dma_start3A_378] : memref<320000x128xf32, #tpu.memory_space<hbm>> -> memref<80x128xf32, #tpu.memory_space<hbm>>
      %dma_start3A_380 = arith.constant 0 : i32
      %dma_start3A_381 = arith.constant 0 : i32
      %dma_start3A_382 = tpu.memref_slice %arg9[%dma_start3A_371, %dma_start3A_380, %dma_start3A_381] : memref<5x80x128xf32, #tpu.memory_space<vmem>> -> memref<1x80x128xf32, #tpu.memory_space<vmem>>
      %dma_start3A_383 = tpu.memref_squeeze %dma_start3A_382 : memref<1x80x128xf32, #tpu.memory_space<vmem>> -> memref<80x128xf32, #tpu.memory_space<vmem>>
      tpu.enqueue_dma source(%dma_start3A_383 : memref<80x128xf32, #tpu.memory_space<vmem>>) target(%dma_start3A_379 : memref<80x128xf32, #tpu.memory_space<hbm>>) target_semaphore(%arg19 : memref<!tpu.dma_semaphore, #tpu.memory_space<semaphore_mem>>)
      %add3A_384 = arith.constant 4 : i32
      %add3A_385 = arith.addi %mul3A_133, %add3A_384 : i32
      %add3A_386 = arith.constant 2 : i32
      %add3A_387 = arith.addi %add3A_385, %add3A_386 : i32
      %lt3A_388 = arith.constant 125 : i32
      %lt3A_389 = arith.cmpi slt, %add3A_387, %lt3A_388 : i32
      %convert_element_type3A_390 = arith.extui %lt3A_389 : i1 to i32
      %cond3A_391 = arith.constant 0 : i32
      %cond3A_392 = arith.cmpi ne, %convert_element_type3A_390, %cond3A_391 : i32
      scf.if %cond3A_392 {
        %ge3A = arith.constant 5 : i32
        %ge3A_450 = arith.cmpi sge, %add3A_387, %ge3A : i32
        %convert_element_type3A_451 = arith.extui %ge3A_450 : i1 to i32
        %cond3A_452 = arith.constant 0 : i32
        %cond3A_453 = arith.cmpi ne, %convert_element_type3A_451, %cond3A_452 : i32
        scf.if %cond3A_453 {
          %sub3A = arith.constant 5 : i32
          %sub3A_491 = arith.subi %add3A_387, %sub3A : i32
          %mul3A_492 = arith.constant 80 : i32
          %mul3A_493 = arith.muli %sub3A_491, %mul3A_492 : i32
          %add3A_494 = arith.addi %mul3A_2, %mul3A_493 : i32
          %dma_wait3A_495 = arith.constant 1 : i32
          %dma_wait3A_496 = arith.constant 0 : i32
          %dma_wait3A_497 = arith.constant 0 : i32
          %dma_wait3A_498 = tpu.memref_slice %arg9[%dma_wait3A_495, %dma_wait3A_496, %dma_wait3A_497] : memref<5x80x128xf32, #tpu.memory_space<vmem>> -> memref<1x80x128xf32, #tpu.memory_space<vmem>>
          %dma_wait3A_499 = tpu.memref_squeeze %dma_wait3A_498 : memref<1x80x128xf32, #tpu.memory_space<vmem>> -> memref<80x128xf32, #tpu.memory_space<vmem>>
          %dma_wait3A_500 = arith.constant 0 : i32
          %dma_wait3A_501 = tpu.memref_slice %arg6[%add3A_494, %dma_wait3A_500] : memref<320000x128xf32, #tpu.memory_space<hbm>> -> memref<80x128xf32, #tpu.memory_space<hbm>>
          %dma_wait3A_502 = arith.constant 0 : i32
          %dma_wait3A_503 = tpu.memref_slice %arg6[%add3A_494, %dma_wait3A_502] : memref<320000x128xf32, #tpu.memory_space<hbm>> -> memref<80x128xf32, #tpu.memory_space<hbm>>
          %dma_wait3A_504 = arith.constant 0 : i32
          %dma_wait3A_505 = arith.constant 0 : i32
          %dma_wait3A_506 = tpu.memref_slice %arg9[%dma_wait3A_495, %dma_wait3A_504, %dma_wait3A_505] : memref<5x80x128xf32, #tpu.memory_space<vmem>> -> memref<1x80x128xf32, #tpu.memory_space<vmem>>
          %dma_wait3A_507 = tpu.memref_squeeze %dma_wait3A_506 : memref<1x80x128xf32, #tpu.memory_space<vmem>> -> memref<80x128xf32, #tpu.memory_space<vmem>>
          tpu.wait_dma2 semaphore(%arg17 : memref<!tpu.dma_semaphore, #tpu.memory_space<semaphore_mem>>) src(%dma_wait3A_507 : memref<80x128xf32, #tpu.memory_space<vmem>>) dst(%dma_wait3A_503 : memref<80x128xf32, #tpu.memory_space<hbm>>)
        } else {
        }
        %dma_start3A_454 = arith.constant 1 : i32
        %dma_start3A_455 = arith.constant 0 : i32
        %dma_start3A_456 = arith.constant 0 : i32
        %dma_start3A_457 = tpu.memref_slice %arg9[%dma_start3A_454, %dma_start3A_455, %dma_start3A_456] : memref<5x80x128xf32, #tpu.memory_space<vmem>> -> memref<1x80x128xf32, #tpu.memory_space<vmem>>
        %dma_start3A_458 = tpu.memref_squeeze %dma_start3A_457 : memref<1x80x128xf32, #tpu.memory_space<vmem>> -> memref<80x128xf32, #tpu.memory_space<vmem>>
        %dma_start3A_459 = arith.constant 0 : i32
        %dma_start3A_460 = tpu.memref_slice %arg7[%add3A_387, %dma_start3A_459] : memref<125x80xi32, #tpu.memory_space<vmem>> -> memref<1x80xi32, #tpu.memory_space<vmem>>
        %dma_start3A_461 = tpu.memref_squeeze %dma_start3A_460 : memref<1x80xi32, #tpu.memory_space<vmem>> -> memref<80xi32, #tpu.memory_space<vmem>>
        %dma_start3A_462 = arith.constant 0 : i32
        %dma_start3A_463 = arith.constant 0 : i32
        %dma_start3A_464 = tpu.memref_slice %arg2[%dma_start3A_462, %dma_start3A_463] : memref<10000x128xf32, #tpu.memory_space<hbm>> -> memref<10000x128xf32, #tpu.memory_space<hbm>>
        tpu.enqueue_indirect_dma source(%dma_start3A_464 : memref<10000x128xf32, #tpu.memory_space<hbm>>) target(%dma_start3A_458 : memref<80x128xf32, #tpu.memory_space<vmem>>) offsets(%dma_start3A_461 : memref<80xi32, #tpu.memory_space<vmem>>) semaphore(%arg12 : memref<!tpu.dma_semaphore, #tpu.memory_space<semaphore_mem>>)
        %jit3A_465 = arith.constant 3 : i32
        %eq3A_466 = arith.constant 0 : i32
        %eq3A_467 = arith.cmpi eq, %jit3A_465, %eq3A_466 : i32
        %jit3A_468 = arith.constant 1 : i32
        %select_n3A_469 = arith.select %eq3A_467, %jit3A_468, %jit3A_465 : i32
        %rem3A_470 = arith.remsi %add3A_387, %select_n3A_469 : i32
        %ne3A_471 = arith.constant 0 : i32
        %ne3A_472 = arith.cmpi ne, %rem3A_470, %ne3A_471 : i32
        %lt3A_473 = arith.constant 0 : i32
        %lt3A_474 = arith.cmpi slt, %rem3A_470, %lt3A_473 : i32
        %lt3A_475 = arith.constant 0 : i32
        %lt3A_476 = arith.cmpi slt, %select_n3A_469, %lt3A_475 : i32
        %ne3A_477 = arith.xori %lt3A_474, %lt3A_476 : i1
        %and3A_478 = arith.andi %ne3A_477, %ne3A_472 : i1
        %add3A_479 = arith.addi %rem3A_470, %select_n3A_469 : i32
        %select_n3A_480 = arith.select %and3A_478, %add3A_479, %rem3A_470 : i32
        %dma_start3A_481 = arith.constant 0 : i32
        %dma_start3A_482 = arith.constant 0 : i32
        %dma_start3A_483 = tpu.memref_slice %arg10[%select_n3A_480, %dma_start3A_481, %dma_start3A_482] : memref<3x80x128xf32, #tpu.memory_space<vmem>> -> memref<1x80x128xf32, #tpu.memory_space<vmem>>
        %dma_start3A_484 = tpu.memref_squeeze %dma_start3A_483 : memref<1x80x128xf32, #tpu.memory_space<vmem>> -> memref<80x128xf32, #tpu.memory_space<vmem>>
        %dma_start3A_485 = arith.constant 0 : i32
        %dma_start3A_486 = tpu.memref_slice %arg8[%add3A_387, %dma_start3A_485] : memref<125x80xi32, #tpu.memory_space<vmem>> -> memref<1x80xi32, #tpu.memory_space<vmem>>
        %dma_start3A_487 = tpu.memref_squeeze %dma_start3A_486 : memref<1x80xi32, #tpu.memory_space<vmem>> -> memref<80xi32, #tpu.memory_space<vmem>>
        %dma_start3A_488 = arith.constant 0 : i32
        %dma_start3A_489 = arith.constant 0 : i32
        %dma_start3A_490 = tpu.memref_slice %arg3[%dma_start3A_488, %dma_start3A_489] : memref<10000x128xf32, #tpu.memory_space<hbm>> -> memref<10000x128xf32, #tpu.memory_space<hbm>>
        tpu.enqueue_indirect_dma source(%dma_start3A_490 : memref<10000x128xf32, #tpu.memory_space<hbm>>) target(%dma_start3A_484 : memref<80x128xf32, #tpu.memory_space<vmem>>) offsets(%dma_start3A_487 : memref<80xi32, #tpu.memory_space<vmem>>) semaphore(%arg12 : memref<!tpu.dma_semaphore, #tpu.memory_space<semaphore_mem>>)
      } else {
      }
      %jit3A_393 = arith.constant 3 : i32
      %eq3A_394 = arith.constant 0 : i32
      %eq3A_395 = arith.cmpi eq, %jit3A_393, %eq3A_394 : i32
      %jit3A_396 = arith.constant 1 : i32
      %select_n3A_397 = arith.select %eq3A_395, %jit3A_396, %jit3A_393 : i32
      %rem3A_398 = arith.remsi %add3A_385, %select_n3A_397 : i32
      %ne3A_399 = arith.constant 0 : i32
      %ne3A_400 = arith.cmpi ne, %rem3A_398, %ne3A_399 : i32
      %lt3A_401 = arith.constant 0 : i32
      %lt3A_402 = arith.cmpi slt, %rem3A_398, %lt3A_401 : i32
      %lt3A_403 = arith.constant 0 : i32
      %lt3A_404 = arith.cmpi slt, %select_n3A_397, %lt3A_403 : i32
      %ne3A_405 = arith.xori %lt3A_402, %lt3A_404 : i1
      %and3A_406 = arith.andi %ne3A_405, %ne3A_400 : i1
      %add3A_407 = arith.addi %rem3A_398, %select_n3A_397 : i32
      %select_n3A_408 = arith.select %and3A_406, %add3A_407, %rem3A_398 : i32
      %dma_wait3A_409 = arith.constant 4 : i32
      %dma_wait3A_410 = arith.constant 0 : i32
      %dma_wait3A_411 = arith.constant 0 : i32
      %dma_wait3A_412 = tpu.memref_slice %arg9[%dma_wait3A_409, %dma_wait3A_410, %dma_wait3A_411] : memref<5x80x128xf32, #tpu.memory_space<vmem>> -> memref<1x80x128xf32, #tpu.memory_space<vmem>>
      %dma_wait3A_413 = tpu.memref_squeeze %dma_wait3A_412 : memref<1x80x128xf32, #tpu.memory_space<vmem>> -> memref<80x128xf32, #tpu.memory_space<vmem>>
      %dma_wait3A_414 = arith.constant 0 : i32
      %dma_wait3A_415 = tpu.memref_slice %arg7[%add3A_385, %dma_wait3A_414] : memref<125x80xi32, #tpu.memory_space<vmem>> -> memref<1x80xi32, #tpu.memory_space<vmem>>
      %dma_wait3A_416 = tpu.memref_squeeze %dma_wait3A_415 : memref<1x80xi32, #tpu.memory_space<vmem>> -> memref<80xi32, #tpu.memory_space<vmem>>
      %dma_wait3A_417 = arith.constant 0 : i32
      %dma_wait3A_418 = arith.constant 0 : i32
      %dma_wait3A_419 = tpu.memref_slice %arg2[%dma_wait3A_417, %dma_wait3A_418] : memref<10000x128xf32, #tpu.memory_space<hbm>> -> memref<10000x128xf32, #tpu.memory_space<hbm>>
      tpu.wait_indirect_dma semaphore(%arg15 : memref<!tpu.dma_semaphore, #tpu.memory_space<semaphore_mem>>) src(%dma_wait3A_419 : memref<10000x128xf32, #tpu.memory_space<hbm>>) dst(%dma_wait3A_413 : memref<80x128xf32, #tpu.memory_space<vmem>>)
      %dma_wait3A_420 = arith.constant 0 : i32
      %dma_wait3A_421 = arith.constant 0 : i32
      %dma_wait3A_422 = tpu.memref_slice %arg10[%select_n3A_408, %dma_wait3A_420, %dma_wait3A_421] : memref<3x80x128xf32, #tpu.memory_space<vmem>> -> memref<1x80x128xf32, #tpu.memory_space<vmem>>
      %dma_wait3A_423 = tpu.memref_squeeze %dma_wait3A_422 : memref<1x80x128xf32, #tpu.memory_space<vmem>> -> memref<80x128xf32, #tpu.memory_space<vmem>>
      %dma_wait3A_424 = arith.constant 0 : i32
      %dma_wait3A_425 = tpu.memref_slice %arg8[%add3A_385, %dma_wait3A_424] : memref<125x80xi32, #tpu.memory_space<vmem>> -> memref<1x80xi32, #tpu.memory_space<vmem>>
      %dma_wait3A_426 = tpu.memref_squeeze %dma_wait3A_425 : memref<1x80xi32, #tpu.memory_space<vmem>> -> memref<80xi32, #tpu.memory_space<vmem>>
      %dma_wait3A_427 = arith.constant 0 : i32
      %dma_wait3A_428 = arith.constant 0 : i32
      %dma_wait3A_429 = tpu.memref_slice %arg3[%dma_wait3A_427, %dma_wait3A_428] : memref<10000x128xf32, #tpu.memory_space<hbm>> -> memref<10000x128xf32, #tpu.memory_space<hbm>>
      tpu.wait_indirect_dma semaphore(%arg15 : memref<!tpu.dma_semaphore, #tpu.memory_space<semaphore_mem>>) src(%dma_wait3A_429 : memref<10000x128xf32, #tpu.memory_space<hbm>>) dst(%dma_wait3A_423 : memref<80x128xf32, #tpu.memory_space<vmem>>)
      %parallel_loop3A_430 = arith.constant 0 : i32
      %parallel_loop3A_431 = arith.constant 80 : i32
      %parallel_loop3A_432 = arith.constant 1 : i32
      scf.for %parallel_loop3A_450 = %parallel_loop3A_430 to %parallel_loop3A_431 step %parallel_loop3A_432  : i32 {
        %parallel_loop3A_451 = arith.constant 4 : i32
        %parallel_loop3A_452 = arith.index_cast %parallel_loop3A_451 : i32 to index
        %parallel_loop3A_453 = arith.index_cast %parallel_loop3A_450 : i32 to index
        %parallel_loop3A_454 = arith.constant 0 : index
        %parallel_loop3A_455 = tpu.vector_load %arg9[%parallel_loop3A_452, %parallel_loop3A_453, %parallel_loop3A_454] {strides = array<i32>} : memref<5x80x128xf32, #tpu.memory_space<vmem>>, vector<1x1x16xf32>,
        %parallel_loop3A_456 = vector.shape_cast %parallel_loop3A_455 : vector<1x1x16xf32> to vector<16xf32>
        %parallel_loop3A_457 = arith.index_cast %select_n3A_408 : i32 to index
        %parallel_loop3A_458 = arith.index_cast %parallel_loop3A_450 : i32 to index
        %parallel_loop3A_459 = arith.constant 0 : index
        %parallel_loop3A_460 = tpu.vector_load %arg10[%parallel_loop3A_457, %parallel_loop3A_458, %parallel_loop3A_459] {strides = array<i32>} : memref<3x80x128xf32, #tpu.memory_space<vmem>>, vector<1x1x16xf32>,
        %parallel_loop3A_461 = vector.shape_cast %parallel_loop3A_460 : vector<1x1x16xf32> to vector<16xf32>
        %parallel_loop3A_462 = arith.addf %parallel_loop3A_456, %parallel_loop3A_461 : vector<16xf32>
        %parallel_loop3A_463 = arith.constant 4 : i32
        %parallel_loop3A_464 = arith.index_cast %parallel_loop3A_463 : i32 to index
        %parallel_loop3A_465 = arith.index_cast %parallel_loop3A_450 : i32 to index
        %parallel_loop3A_466 = arith.constant 0 : index
        %parallel_loop3A_467 = tpu.vector_load %arg9[%parallel_loop3A_464, %parallel_loop3A_465, %parallel_loop3A_466] {strides = array<i32>} : memref<5x80x128xf32, #tpu.memory_space<vmem>>, vector<1x1x16xf32>,
        %parallel_loop3A_468 = vector.shape_cast %parallel_loop3A_467 : vector<1x1x16xf32> to vector<16xf32>
        %parallel_loop3A_469 = vector.shape_cast %parallel_loop3A_462 : vector<16xf32> to vector<1x1x16xf32>
        tpu.vector_store %arg9[%parallel_loop3A_464, %parallel_loop3A_465, %parallel_loop3A_466], %parallel_loop3A_469 {strides = array<i32>} : memref<5x80x128xf32, #tpu.memory_space<vmem>>, vector<1x1x16xf32>,
        %parallel_loop3A_470 = arith.constant 4 : i32
        %parallel_loop3A_471 = arith.index_cast %parallel_loop3A_470 : i32 to index
        %parallel_loop3A_472 = arith.index_cast %parallel_loop3A_450 : i32 to index
        %parallel_loop3A_473 = arith.constant 16 : index
        %parallel_loop3A_474 = tpu.vector_load %arg9[%parallel_loop3A_471, %parallel_loop3A_472, %parallel_loop3A_473] {strides = array<i32>} : memref<5x80x128xf32, #tpu.memory_space<vmem>>, vector<1x1x16xf32>,
        %parallel_loop3A_475 = vector.shape_cast %parallel_loop3A_474 : vector<1x1x16xf32> to vector<16xf32>
        %parallel_loop3A_476 = arith.index_cast %select_n3A_408 : i32 to index
        %parallel_loop3A_477 = arith.index_cast %parallel_loop3A_450 : i32 to index
        %parallel_loop3A_478 = arith.constant 16 : index
        %parallel_loop3A_479 = tpu.vector_load %arg10[%parallel_loop3A_476, %parallel_loop3A_477, %parallel_loop3A_478] {strides = array<i32>} : memref<3x80x128xf32, #tpu.memory_space<vmem>>, vector<1x1x16xf32>,
        %parallel_loop3A_480 = vector.shape_cast %parallel_loop3A_479 : vector<1x1x16xf32> to vector<16xf32>
        %parallel_loop3A_481 = arith.addf %parallel_loop3A_475, %parallel_loop3A_480 : vector<16xf32>
        %parallel_loop3A_482 = arith.constant 4 : i32
        %parallel_loop3A_483 = arith.index_cast %parallel_loop3A_482 : i32 to index
        %parallel_loop3A_484 = arith.index_cast %parallel_loop3A_450 : i32 to index
        %parallel_loop3A_485 = arith.constant 16 : index
        %parallel_loop3A_486 = tpu.vector_load %arg9[%parallel_loop3A_483, %parallel_loop3A_484, %parallel_loop3A_485] {strides = array<i32>} : memref<5x80x128xf32, #tpu.memory_space<vmem>>, vector<1x1x16xf32>,
        %parallel_loop3A_487 = vector.shape_cast %parallel_loop3A_486 : vector<1x1x16xf32> to vector<16xf32>
        %parallel_loop3A_488 = vector.shape_cast %parallel_loop3A_481 : vector<16xf32> to vector<1x1x16xf32>
        tpu.vector_store %arg9[%parallel_loop3A_483, %parallel_loop3A_484, %parallel_loop3A_485], %parallel_loop3A_488 {strides = array<i32>} : memref<5x80x128xf32, #tpu.memory_space<vmem>>, vector<1x1x16xf32>,
        %parallel_loop3A_489 = arith.constant 4 : i32
        %parallel_loop3A_490 = arith.index_cast %parallel_loop3A_489 : i32 to index
        %parallel_loop3A_491 = arith.index_cast %parallel_loop3A_450 : i32 to index
        %parallel_loop3A_492 = arith.constant 32 : index
        %parallel_loop3A_493 = tpu.vector_load %arg9[%parallel_loop3A_490, %parallel_loop3A_491, %parallel_loop3A_492] {strides = array<i32>} : memref<5x80x128xf32, #tpu.memory_space<vmem>>, vector<1x1x16xf32>,
        %parallel_loop3A_494 = vector.shape_cast %parallel_loop3A_493 : vector<1x1x16xf32> to vector<16xf32>
        %parallel_loop3A_495 = arith.index_cast %select_n3A_408 : i32 to index
        %parallel_loop3A_496 = arith.index_cast %parallel_loop3A_450 : i32 to index
        %parallel_loop3A_497 = arith.constant 32 : index
        %parallel_loop3A_498 = tpu.vector_load %arg10[%parallel_loop3A_495, %parallel_loop3A_496, %parallel_loop3A_497] {strides = array<i32>} : memref<3x80x128xf32, #tpu.memory_space<vmem>>, vector<1x1x16xf32>,
        %parallel_loop3A_499 = vector.shape_cast %parallel_loop3A_498 : vector<1x1x16xf32> to vector<16xf32>
        %parallel_loop3A_500 = arith.addf %parallel_loop3A_494, %parallel_loop3A_499 : vector<16xf32>
        %parallel_loop3A_501 = arith.constant 4 : i32
        %parallel_loop3A_502 = arith.index_cast %parallel_loop3A_501 : i32 to index
        %parallel_loop3A_503 = arith.index_cast %parallel_loop3A_450 : i32 to index
        %parallel_loop3A_504 = arith.constant 32 : index
        %parallel_loop3A_505 = tpu.vector_load %arg9[%parallel_loop3A_502, %parallel_loop3A_503, %parallel_loop3A_504] {strides = array<i32>} : memref<5x80x128xf32, #tpu.memory_space<vmem>>, vector<1x1x16xf32>,
        %parallel_loop3A_506 = vector.shape_cast %parallel_loop3A_505 : vector<1x1x16xf32> to vector<16xf32>
        %parallel_loop3A_507 = vector.shape_cast %parallel_loop3A_500 : vector<16xf32> to vector<1x1x16xf32>
        tpu.vector_store %arg9[%parallel_loop3A_502, %parallel_loop3A_503, %parallel_loop3A_504], %parallel_loop3A_507 {strides = array<i32>} : memref<5x80x128xf32, #tpu.memory_space<vmem>>, vector<1x1x16xf32>,
        %parallel_loop3A_508 = arith.constant 4 : i32
        %parallel_loop3A_509 = arith.index_cast %parallel_loop3A_508 : i32 to index
        %parallel_loop3A_510 = arith.index_cast %parallel_loop3A_450 : i32 to index
        %parallel_loop3A_511 = arith.constant 48 : index
        %parallel_loop3A_512 = tpu.vector_load %arg9[%parallel_loop3A_509, %parallel_loop3A_510, %parallel_loop3A_511] {strides = array<i32>} : memref<5x80x128xf32, #tpu.memory_space<vmem>>, vector<1x1x16xf32>,
        %parallel_loop3A_513 = vector.shape_cast %parallel_loop3A_512 : vector<1x1x16xf32> to vector<16xf32>
        %parallel_loop3A_514 = arith.index_cast %select_n3A_408 : i32 to index
        %parallel_loop3A_515 = arith.index_cast %parallel_loop3A_450 : i32 to index
        %parallel_loop3A_516 = arith.constant 48 : index
        %parallel_loop3A_517 = tpu.vector_load %arg10[%parallel_loop3A_514, %parallel_loop3A_515, %parallel_loop3A_516] {strides = array<i32>} : memref<3x80x128xf32, #tpu.memory_space<vmem>>, vector<1x1x16xf32>,
        %parallel_loop3A_518 = vector.shape_cast %parallel_loop3A_517 : vector<1x1x16xf32> to vector<16xf32>
        %parallel_loop3A_519 = arith.addf %parallel_loop3A_513, %parallel_loop3A_518 : vector<16xf32>
        %parallel_loop3A_520 = arith.constant 4 : i32
        %parallel_loop3A_521 = arith.index_cast %parallel_loop3A_520 : i32 to index
        %parallel_loop3A_522 = arith.index_cast %parallel_loop3A_450 : i32 to index
        %parallel_loop3A_523 = arith.constant 48 : index
        %parallel_loop3A_524 = tpu.vector_load %arg9[%parallel_loop3A_521, %parallel_loop3A_522, %parallel_loop3A_523] {strides = array<i32>} : memref<5x80x128xf32, #tpu.memory_space<vmem>>, vector<1x1x16xf32>,
        %parallel_loop3A_525 = vector.shape_cast %parallel_loop3A_524 : vector<1x1x16xf32> to vector<16xf32>
        %parallel_loop3A_526 = vector.shape_cast %parallel_loop3A_519 : vector<16xf32> to vector<1x1x16xf32>
        tpu.vector_store %arg9[%parallel_loop3A_521, %parallel_loop3A_522, %parallel_loop3A_523], %parallel_loop3A_526 {strides = array<i32>} : memref<5x80x128xf32, #tpu.memory_space<vmem>>, vector<1x1x16xf32>,
        %parallel_loop3A_527 = arith.constant 4 : i32
        %parallel_loop3A_528 = arith.index_cast %parallel_loop3A_527 : i32 to index
        %parallel_loop3A_529 = arith.index_cast %parallel_loop3A_450 : i32 to index
        %parallel_loop3A_530 = arith.constant 64 : index
        %parallel_loop3A_531 = tpu.vector_load %arg9[%parallel_loop3A_528, %parallel_loop3A_529, %parallel_loop3A_530] {strides = array<i32>} : memref<5x80x128xf32, #tpu.memory_space<vmem>>, vector<1x1x16xf32>,
        %parallel_loop3A_532 = vector.shape_cast %parallel_loop3A_531 : vector<1x1x16xf32> to vector<16xf32>
        %parallel_loop3A_533 = arith.index_cast %select_n3A_408 : i32 to index
        %parallel_loop3A_534 = arith.index_cast %parallel_loop3A_450 : i32 to index
        %parallel_loop3A_535 = arith.constant 64 : index
        %parallel_loop3A_536 = tpu.vector_load %arg10[%parallel_loop3A_533, %parallel_loop3A_534, %parallel_loop3A_535] {strides = array<i32>} : memref<3x80x128xf32, #tpu.memory_space<vmem>>, vector<1x1x16xf32>,
        %parallel_loop3A_537 = vector.shape_cast %parallel_loop3A_536 : vector<1x1x16xf32> to vector<16xf32>
        %parallel_loop3A_538 = arith.addf %parallel_loop3A_532, %parallel_loop3A_537 : vector<16xf32>
        %parallel_loop3A_539 = arith.constant 4 : i32
        %parallel_loop3A_540 = arith.index_cast %parallel_loop3A_539 : i32 to index
        %parallel_loop3A_541 = arith.index_cast %parallel_loop3A_450 : i32 to index
        %parallel_loop3A_542 = arith.constant 64 : index
        %parallel_loop3A_543 = tpu.vector_load %arg9[%parallel_loop3A_540, %parallel_loop3A_541, %parallel_loop3A_542] {strides = array<i32>} : memref<5x80x128xf32, #tpu.memory_space<vmem>>, vector<1x1x16xf32>,
        %parallel_loop3A_544 = vector.shape_cast %parallel_loop3A_543 : vector<1x1x16xf32> to vector<16xf32>
        %parallel_loop3A_545 = vector.shape_cast %parallel_loop3A_538 : vector<16xf32> to vector<1x1x16xf32>
        tpu.vector_store %arg9[%parallel_loop3A_540, %parallel_loop3A_541, %parallel_loop3A_542], %parallel_loop3A_545 {strides = array<i32>} : memref<5x80x128xf32, #tpu.memory_space<vmem>>, vector<1x1x16xf32>,
        %parallel_loop3A_546 = arith.constant 4 : i32
        %parallel_loop3A_547 = arith.index_cast %parallel_loop3A_546 : i32 to index
        %parallel_loop3A_548 = arith.index_cast %parallel_loop3A_450 : i32 to index
        %parallel_loop3A_549 = arith.constant 80 : index
        %parallel_loop3A_550 = tpu.vector_load %arg9[%parallel_loop3A_547, %parallel_loop3A_548, %parallel_loop3A_549] {strides = array<i32>} : memref<5x80x128xf32, #tpu.memory_space<vmem>>, vector<1x1x16xf32>,
        %parallel_loop3A_551 = vector.shape_cast %parallel_loop3A_550 : vector<1x1x16xf32> to vector<16xf32>
        %parallel_loop3A_552 = arith.index_cast %select_n3A_408 : i32 to index
        %parallel_loop3A_553 = arith.index_cast %parallel_loop3A_450 : i32 to index
        %parallel_loop3A_554 = arith.constant 80 : index
        %parallel_loop3A_555 = tpu.vector_load %arg10[%parallel_loop3A_552, %parallel_loop3A_553, %parallel_loop3A_554] {strides = array<i32>} : memref<3x80x128xf32, #tpu.memory_space<vmem>>, vector<1x1x16xf32>,
        %parallel_loop3A_556 = vector.shape_cast %parallel_loop3A_555 : vector<1x1x16xf32> to vector<16xf32>
        %parallel_loop3A_557 = arith.addf %parallel_loop3A_551, %parallel_loop3A_556 : vector<16xf32>
        %parallel_loop3A_558 = arith.constant 4 : i32
        %parallel_loop3A_559 = arith.index_cast %parallel_loop3A_558 : i32 to index
        %parallel_loop3A_560 = arith.index_cast %parallel_loop3A_450 : i32 to index
        %parallel_loop3A_561 = arith.constant 80 : index
        %parallel_loop3A_562 = tpu.vector_load %arg9[%parallel_loop3A_559, %parallel_loop3A_560, %parallel_loop3A_561] {strides = array<i32>} : memref<5x80x128xf32, #tpu.memory_space<vmem>>, vector<1x1x16xf32>,
        %parallel_loop3A_563 = vector.shape_cast %parallel_loop3A_562 : vector<1x1x16xf32> to vector<16xf32>
        %parallel_loop3A_564 = vector.shape_cast %parallel_loop3A_557 : vector<16xf32> to vector<1x1x16xf32>
        tpu.vector_store %arg9[%parallel_loop3A_559, %parallel_loop3A_560, %parallel_loop3A_561], %parallel_loop3A_564 {strides = array<i32>} : memref<5x80x128xf32, #tpu.memory_space<vmem>>, vector<1x1x16xf32>,
        %parallel_loop3A_565 = arith.constant 4 : i32
        %parallel_loop3A_566 = arith.index_cast %parallel_loop3A_565 : i32 to index
        %parallel_loop3A_567 = arith.index_cast %parallel_loop3A_450 : i32 to index
        %parallel_loop3A_568 = arith.constant 96 : index
        %parallel_loop3A_569 = tpu.vector_load %arg9[%parallel_loop3A_566, %parallel_loop3A_567, %parallel_loop3A_568] {strides = array<i32>} : memref<5x80x128xf32, #tpu.memory_space<vmem>>, vector<1x1x16xf32>,
        %parallel_loop3A_570 = vector.shape_cast %parallel_loop3A_569 : vector<1x1x16xf32> to vector<16xf32>
        %parallel_loop3A_571 = arith.index_cast %select_n3A_408 : i32 to index
        %parallel_loop3A_572 = arith.index_cast %parallel_loop3A_450 : i32 to index
        %parallel_loop3A_573 = arith.constant 96 : index
        %parallel_loop3A_574 = tpu.vector_load %arg10[%parallel_loop3A_571, %parallel_loop3A_572, %parallel_loop3A_573] {strides = array<i32>} : memref<3x80x128xf32, #tpu.memory_space<vmem>>, vector<1x1x16xf32>,
        %parallel_loop3A_575 = vector.shape_cast %parallel_loop3A_574 : vector<1x1x16xf32> to vector<16xf32>
        %parallel_loop3A_576 = arith.addf %parallel_loop3A_570, %parallel_loop3A_575 : vector<16xf32>
        %parallel_loop3A_577 = arith.constant 4 : i32
        %parallel_loop3A_578 = arith.index_cast %parallel_loop3A_577 : i32 to index
        %parallel_loop3A_579 = arith.index_cast %parallel_loop3A_450 : i32 to index
        %parallel_loop3A_580 = arith.constant 96 : index
        %parallel_loop3A_581 = tpu.vector_load %arg9[%parallel_loop3A_578, %parallel_loop3A_579, %parallel_loop3A_580] {strides = array<i32>} : memref<5x80x128xf32, #tpu.memory_space<vmem>>, vector<1x1x16xf32>,
        %parallel_loop3A_582 = vector.shape_cast %parallel_loop3A_581 : vector<1x1x16xf32> to vector<16xf32>
        %parallel_loop3A_583 = vector.shape_cast %parallel_loop3A_576 : vector<16xf32> to vector<1x1x16xf32>
        tpu.vector_store %arg9[%parallel_loop3A_578, %parallel_loop3A_579, %parallel_loop3A_580], %parallel_loop3A_583 {strides = array<i32>} : memref<5x80x128xf32, #tpu.memory_space<vmem>>, vector<1x1x16xf32>,
        %parallel_loop3A_584 = arith.constant 4 : i32
        %parallel_loop3A_585 = arith.index_cast %parallel_loop3A_584 : i32 to index
        %parallel_loop3A_586 = arith.index_cast %parallel_loop3A_450 : i32 to index
        %parallel_loop3A_587 = arith.constant 112 : index
        %parallel_loop3A_588 = tpu.vector_load %arg9[%parallel_loop3A_585, %parallel_loop3A_586, %parallel_loop3A_587] {strides = array<i32>} : memref<5x80x128xf32, #tpu.memory_space<vmem>>, vector<1x1x16xf32>,
        %parallel_loop3A_589 = vector.shape_cast %parallel_loop3A_588 : vector<1x1x16xf32> to vector<16xf32>
        %parallel_loop3A_590 = arith.index_cast %select_n3A_408 : i32 to index
        %parallel_loop3A_591 = arith.index_cast %parallel_loop3A_450 : i32 to index
        %parallel_loop3A_592 = arith.constant 112 : index
        %parallel_loop3A_593 = tpu.vector_load %arg10[%parallel_loop3A_590, %parallel_loop3A_591, %parallel_loop3A_592] {strides = array<i32>} : memref<3x80x128xf32, #tpu.memory_space<vmem>>, vector<1x1x16xf32>,
        %parallel_loop3A_594 = vector.shape_cast %parallel_loop3A_593 : vector<1x1x16xf32> to vector<16xf32>
        %parallel_loop3A_595 = arith.addf %parallel_loop3A_589, %parallel_loop3A_594 : vector<16xf32>
        %parallel_loop3A_596 = arith.constant 4 : i32
        %parallel_loop3A_597 = arith.index_cast %parallel_loop3A_596 : i32 to index
        %parallel_loop3A_598 = arith.index_cast %parallel_loop3A_450 : i32 to index
        %parallel_loop3A_599 = arith.constant 112 : index
        %parallel_loop3A_600 = tpu.vector_load %arg9[%parallel_loop3A_597, %parallel_loop3A_598, %parallel_loop3A_599] {strides = array<i32>} : memref<5x80x128xf32, #tpu.memory_space<vmem>>, vector<1x1x16xf32>,
        %parallel_loop3A_601 = vector.shape_cast %parallel_loop3A_600 : vector<1x1x16xf32> to vector<16xf32>
        %parallel_loop3A_602 = vector.shape_cast %parallel_loop3A_595 : vector<16xf32> to vector<1x1x16xf32>
        tpu.vector_store %arg9[%parallel_loop3A_597, %parallel_loop3A_598, %parallel_loop3A_599], %parallel_loop3A_602 {strides = array<i32>} : memref<5x80x128xf32, #tpu.memory_space<vmem>>, vector<1x1x16xf32>,
      } {sc.loop_unroll_factor = 4 : i64, sc.parallel_access}
      %mul3A_433 = arith.constant 80 : i32
      %mul3A_434 = arith.muli %add3A_385, %mul3A_433 : i32
      %add3A_435 = arith.addi %mul3A_2, %mul3A_434 : i32
      %dma_start3A_436 = arith.constant 4 : i32
      %dma_start3A_437 = arith.constant 0 : i32
      %dma_start3A_438 = arith.constant 0 : i32
      %dma_start3A_439 = tpu.memref_slice %arg9[%dma_start3A_436, %dma_start3A_437, %dma_start3A_438] : memref<5x80x128xf32, #tpu.memory_space<vmem>> -> memref<1x80x128xf32, #tpu.memory_space<vmem>>
      %dma_start3A_440 = tpu.memref_squeeze %dma_start3A_439 : memref<1x80x128xf32, #tpu.memory_space<vmem>> -> memref<80x128xf32, #tpu.memory_space<vmem>>
      %dma_start3A_441 = arith.constant 0 : i32
      %dma_start3A_442 = tpu.memref_slice %arg6[%add3A_435, %dma_start3A_441] : memref<320000x128xf32, #tpu.memory_space<hbm>> -> memref<80x128xf32, #tpu.memory_space<hbm>>
      %dma_start3A_443 = arith.constant 0 : i32
      %dma_start3A_444 = tpu.memref_slice %arg6[%add3A_435, %dma_start3A_443] : memref<320000x128xf32, #tpu.memory_space<hbm>> -> memref<80x128xf32, #tpu.memory_space<hbm>>
      %dma_start3A_445 = arith.constant 0 : i32
      %dma_start3A_446 = arith.constant 0 : i32
      %dma_start3A_447 = tpu.memref_slice %arg9[%dma_start3A_436, %dma_start3A_445, %dma_start3A_446] : memref<5x80x128xf32, #tpu.memory_space<vmem>> -> memref<1x80x128xf32, #tpu.memory_space<vmem>>
      %dma_start3A_448 = tpu.memref_squeeze %dma_start3A_447 : memref<1x80x128xf32, #tpu.memory_space<vmem>> -> memref<80x128xf32, #tpu.memory_space<vmem>>
      tpu.enqueue_dma source(%dma_start3A_448 : memref<80x128xf32, #tpu.memory_space<vmem>>) target(%dma_start3A_444 : memref<80x128xf32, #tpu.memory_space<hbm>>) target_semaphore(%arg20 : memref<!tpu.dma_semaphore, #tpu.memory_space<semaphore_mem>>)
      %scan3A_449 = arith.constant 0 : i32
      scf.yield %scan3A_449 : i32
    }
    %scan3A_55 = arith.constant 25 : i32
    %add3A_56 = arith.constant 9600 : i32
    %add3A_57 = arith.addi %mul3A_2, %add3A_56 : i32
    %dma_wait3A = arith.constant 0 : i32
    %dma_wait3A_58 = arith.constant 0 : i32
    %dma_wait3A_59 = arith.constant 0 : i32
    %dma_wait3A_60 = tpu.memref_slice %arg9[%dma_wait3A, %dma_wait3A_58, %dma_wait3A_59] : memref<5x80x128xf32, #tpu.memory_space<vmem>> -> memref<1x80x128xf32, #tpu.memory_space<vmem>>
    %dma_wait3A_61 = tpu.memref_squeeze %dma_wait3A_60 : memref<1x80x128xf32, #tpu.memory_space<vmem>> -> memref<80x128xf32, #tpu.memory_space<vmem>>
    %dma_wait3A_62 = arith.constant 0 : i32
    %dma_wait3A_63 = tpu.memref_slice %arg6[%add3A_57, %dma_wait3A_62] : memref<320000x128xf32, #tpu.memory_space<hbm>> -> memref<80x128xf32, #tpu.memory_space<hbm>>
    %dma_wait3A_64 = arith.constant 0 : i32
    %dma_wait3A_65 = tpu.memref_slice %arg6[%add3A_57, %dma_wait3A_64] : memref<320000x128xf32, #tpu.memory_space<hbm>> -> memref<80x128xf32, #tpu.memory_space<hbm>>
    %dma_wait3A_66 = arith.constant 0 : i32
    %dma_wait3A_67 = arith.constant 0 : i32
    %dma_wait3A_68 = tpu.memref_slice %arg9[%dma_wait3A, %dma_wait3A_66, %dma_wait3A_67] : memref<5x80x128xf32, #tpu.memory_space<vmem>> -> memref<1x80x128xf32, #tpu.memory_space<vmem>>
    %dma_wait3A_69 = tpu.memref_squeeze %dma_wait3A_68 : memref<1x80x128xf32, #tpu.memory_space<vmem>> -> memref<80x128xf32, #tpu.memory_space<vmem>>
    tpu.wait_dma2 semaphore(%arg16 : memref<!tpu.dma_semaphore, #tpu.memory_space<semaphore_mem>>) src(%dma_wait3A_69 : memref<80x128xf32, #tpu.memory_space<vmem>>) dst(%dma_wait3A_65 : memref<80x128xf32, #tpu.memory_space<hbm>>)
    %add3A_70 = arith.constant 9680 : i32
    %add3A_71 = arith.addi %mul3A_2, %add3A_70 : i32
    %dma_wait3A_72 = arith.constant 1 : i32
    %dma_wait3A_73 = arith.constant 0 : i32
    %dma_wait3A_74 = arith.constant 0 : i32
    %dma_wait3A_75 = tpu.memref_slice %arg9[%dma_wait3A_72, %dma_wait3A_73, %dma_wait3A_74] : memref<5x80x128xf32, #tpu.memory_space<vmem>> -> memref<1x80x128xf32, #tpu.memory_space<vmem>>
    %dma_wait3A_76 = tpu.memref_squeeze %dma_wait3A_75 : memref<1x80x128xf32, #tpu.memory_space<vmem>> -> memref<80x128xf32, #tpu.memory_space<vmem>>
    %dma_wait3A_77 = arith.constant 0 : i32
    %dma_wait3A_78 = tpu.memref_slice %arg6[%add3A_71, %dma_wait3A_77] : memref<320000x128xf32, #tpu.memory_space<hbm>> -> memref<80x128xf32, #tpu.memory_space<hbm>>
    %dma_wait3A_79 = arith.constant 0 : i32
    %dma_wait3A_80 = tpu.memref_slice %arg6[%add3A_71, %dma_wait3A_79] : memref<320000x128xf32, #tpu.memory_space<hbm>> -> memref<80x128xf32, #tpu.memory_space<hbm>>
    %dma_wait3A_81 = arith.constant 0 : i32
    %dma_wait3A_82 = arith.constant 0 : i32
    %dma_wait3A_83 = tpu.memref_slice %arg9[%dma_wait3A_72, %dma_wait3A_81, %dma_wait3A_82] : memref<5x80x128xf32, #tpu.memory_space<vmem>> -> memref<1x80x128xf32, #tpu.memory_space<vmem>>
    %dma_wait3A_84 = tpu.memref_squeeze %dma_wait3A_83 : memref<1x80x128xf32, #tpu.memory_space<vmem>> -> memref<80x128xf32, #tpu.memory_space<vmem>>
    tpu.wait_dma2 semaphore(%arg17 : memref<!tpu.dma_semaphore, #tpu.memory_space<semaphore_mem>>) src(%dma_wait3A_84 : memref<80x128xf32, #tpu.memory_space<vmem>>) dst(%dma_wait3A_80 : memref<80x128xf32, #tpu.memory_space<hbm>>)
    %add3A_85 = arith.constant 9760 : i32
    %add3A_86 = arith.addi %mul3A_2, %add3A_85 : i32
    %dma_wait3A_87 = arith.constant 2 : i32
    %dma_wait3A_88 = arith.constant 0 : i32
    %dma_wait3A_89 = arith.constant 0 : i32
    %dma_wait3A_90 = tpu.memref_slice %arg9[%dma_wait3A_87, %dma_wait3A_88, %dma_wait3A_89] : memref<5x80x128xf32, #tpu.memory_space<vmem>> -> memref<1x80x128xf32, #tpu.memory_space<vmem>>
    %dma_wait3A_91 = tpu.memref_squeeze %dma_wait3A_90 : memref<1x80x128xf32, #tpu.memory_space<vmem>> -> memref<80x128xf32, #tpu.memory_space<vmem>>
    %dma_wait3A_92 = arith.constant 0 : i32
    %dma_wait3A_93 = tpu.memref_slice %arg6[%add3A_86, %dma_wait3A_92] : memref<320000x128xf32, #tpu.memory_space<hbm>> -> memref<80x128xf32, #tpu.memory_space<hbm>>
    %dma_wait3A_94 = arith.constant 0 : i32
    %dma_wait3A_95 = tpu.memref_slice %arg6[%add3A_86, %dma_wait3A_94] : memref<320000x128xf32, #tpu.memory_space<hbm>> -> memref<80x128xf32, #tpu.memory_space<hbm>>
    %dma_wait3A_96 = arith.constant 0 : i32
    %dma_wait3A_97 = arith.constant 0 : i32
    %dma_wait3A_98 = tpu.memref_slice %arg9[%dma_wait3A_87, %dma_wait3A_96, %dma_wait3A_97] : memref<5x80x128xf32, #tpu.memory_space<vmem>> -> memref<1x80x128xf32, #tpu.memory_space<vmem>>
    %dma_wait3A_99 = tpu.memref_squeeze %dma_wait3A_98 : memref<1x80x128xf32, #tpu.memory_space<vmem>> -> memref<80x128xf32, #tpu.memory_space<vmem>>
    tpu.wait_dma2 semaphore(%arg18 : memref<!tpu.dma_semaphore, #tpu.memory_space<semaphore_mem>>) src(%dma_wait3A_99 : memref<80x128xf32, #tpu.memory_space<vmem>>) dst(%dma_wait3A_95 : memref<80x128xf32, #tpu.memory_space<hbm>>)
    %add3A_100 = arith.constant 9840 : i32
    %add3A_101 = arith.addi %mul3A_2, %add3A_100 : i32
    %dma_wait3A_102 = arith.constant 3 : i32
    %dma_wait3A_103 = arith.constant 0 : i32
    %dma_wait3A_104 = arith.constant 0 : i32
    %dma_wait3A_105 = tpu.memref_slice %arg9[%dma_wait3A_102, %dma_wait3A_103, %dma_wait3A_104] : memref<5x80x128xf32, #tpu.memory_space<vmem>> -> memref<1x80x128xf32, #tpu.memory_space<vmem>>
    %dma_wait3A_106 = tpu.memref_squeeze %dma_wait3A_105 : memref<1x80x128xf32, #tpu.memory_space<vmem>> -> memref<80x128xf32, #tpu.memory_space<vmem>>
    %dma_wait3A_107 = arith.constant 0 : i32
    %dma_wait3A_108 = tpu.memref_slice %arg6[%add3A_101, %dma_wait3A_107] : memref<320000x128xf32, #tpu.memory_space<hbm>> -> memref<80x128xf32, #tpu.memory_space<hbm>>
    %dma_wait3A_109 = arith.constant 0 : i32
    %dma_wait3A_110 = tpu.memref_slice %arg6[%add3A_101, %dma_wait3A_109] : memref<320000x128xf32, #tpu.memory_space<hbm>> -> memref<80x128xf32, #tpu.memory_space<hbm>>
    %dma_wait3A_111 = arith.constant 0 : i32
    %dma_wait3A_112 = arith.constant 0 : i32
    %dma_wait3A_113 = tpu.memref_slice %arg9[%dma_wait3A_102, %dma_wait3A_111, %dma_wait3A_112] : memref<5x80x128xf32, #tpu.memory_space<vmem>> -> memref<1x80x128xf32, #tpu.memory_space<vmem>>
    %dma_wait3A_114 = tpu.memref_squeeze %dma_wait3A_113 : memref<1x80x128xf32, #tpu.memory_space<vmem>> -> memref<80x128xf32, #tpu.memory_space<vmem>>
    tpu.wait_dma2 semaphore(%arg19 : memref<!tpu.dma_semaphore, #tpu.memory_space<semaphore_mem>>) src(%dma_wait3A_114 : memref<80x128xf32, #tpu.memory_space<vmem>>) dst(%dma_wait3A_110 : memref<80x128xf32, #tpu.memory_space<hbm>>)
    %add3A_115 = arith.constant 9920 : i32
    %add3A_116 = arith.addi %mul3A_2, %add3A_115 : i32
    %dma_wait3A_117 = arith.constant 4 : i32
    %dma_wait3A_118 = arith.constant 0 : i32
    %dma_wait3A_119 = arith.constant 0 : i32
    %dma_wait3A_120 = tpu.memref_slice %arg9[%dma_wait3A_117, %dma_wait3A_118, %dma_wait3A_119] : memref<5x80x128xf32, #tpu.memory_space<vmem>> -> memref<1x80x128xf32, #tpu.memory_space<vmem>>
    %dma_wait3A_121 = tpu.memref_squeeze %dma_wait3A_120 : memref<1x80x128xf32, #tpu.memory_space<vmem>> -> memref<80x128xf32, #tpu.memory_space<vmem>>
    %dma_wait3A_122 = arith.constant 0 : i32
    %dma_wait3A_123 = tpu.memref_slice %arg6[%add3A_116, %dma_wait3A_122] : memref<320000x128xf32, #tpu.memory_space<hbm>> -> memref<80x128xf32, #tpu.memory_space<hbm>>
    %dma_wait3A_124 = arith.constant 0 : i32
    %dma_wait3A_125 = tpu.memref_slice %arg6[%add3A_116, %dma_wait3A_124] : memref<320000x128xf32, #tpu.memory_space<hbm>> -> memref<80x128xf32, #tpu.memory_space<hbm>>
    %dma_wait3A_126 = arith.constant 0 : i32
    %dma_wait3A_127 = arith.constant 0 : i32
    %dma_wait3A_128 = tpu.memref_slice %arg9[%dma_wait3A_117, %dma_wait3A_126, %dma_wait3A_127] : memref<5x80x128xf32, #tpu.memory_space<vmem>> -> memref<1x80x128xf32, #tpu.memory_space<vmem>>
    %dma_wait3A_129 = tpu.memref_squeeze %dma_wait3A_128 : memref<1x80x128xf32, #tpu.memory_space<vmem>> -> memref<80x128xf32, #tpu.memory_space<vmem>>
    tpu.wait_dma2 semaphore(%arg20 : memref<!tpu.dma_semaphore, #tpu.memory_space<semaphore_mem>>) src(%dma_wait3A_129 : memref<80x128xf32, #tpu.memory_space<vmem>>) dst(%dma_wait3A_125 : memref<80x128xf32, #tpu.memory_space<hbm>>)
    return
  }
}

module attributes {stable_mosaic.version = 14 : i64} {
  func.func @_project_body(%arg0: memref<10000x128xf32, #tpu.memory_space<vmem>>, %arg1: memref<128x128xf32, #tpu.memory_space<vmem>>, %arg2: memref<128x128xf32, #tpu.memory_space<vmem>>, %arg3: memref<10000x128xf32, #tpu.memory_space<vmem>>, %arg4: memref<10000x128xf32, #tpu.memory_space<vmem>>) attributes {dimension_semantics = [], scalar_prefetch = 0 : i64, scratch_operands = 0 : i64, tpu.core_type = #tpu.core_type<tc>} {
    %get3A = arith.constant 0 : index
    %get3A_0 = arith.constant 0 : index
    %get3A_1 = vector.load %arg0[%get3A, %get3A_0] : memref<10000x128xf32, #tpu.memory_space<vmem>>, vector<10000x128xf32>
    %get3A_2 = arith.constant 0 : index
    %get3A_3 = arith.constant 0 : index
    %get3A_4 = vector.load %arg1[%get3A_2, %get3A_3] : memref<128x128xf32, #tpu.memory_space<vmem>>, vector<128x128xf32>
    %dot_general3A = arith.constant dense<0.000000e+00> : vector<10000x128xf32>
    %dot_general3A_5 = tpu.matmul %get3A_1, %get3A_4, %dot_general3A {dimension_numbers = #tpu.dot_dimension_numbers<[1], [0], [0], [1], [0, 0, 1, 1], [], []>, transpose_lhs_hint = false} : vector<10000x128xf32>, vector<128x128xf32>, vector<10000x128xf32> -> vector<10000x128xf32>
    %swap3A = arith.constant 0 : index
    %swap3A_6 = arith.constant 0 : index
    %swap3A_7 = vector.load %arg3[%swap3A, %swap3A_6] : memref<10000x128xf32, #tpu.memory_space<vmem>>, vector<10000x128xf32>
    tpu.vector_store %arg3[%swap3A, %swap3A_6], %dot_general3A_5 {strides = array<i32>} : memref<10000x128xf32, #tpu.memory_space<vmem>>, vector<10000x128xf32>,
    %get3A_8 = arith.constant 0 : index
    %get3A_9 = arith.constant 0 : index
    %get3A_10 = vector.load %arg2[%get3A_8, %get3A_9] : memref<128x128xf32, #tpu.memory_space<vmem>>, vector<128x128xf32>
    %dot_general3A_11 = arith.constant dense<0.000000e+00> : vector<10000x128xf32>
    %dot_general3A_12 = tpu.matmul %get3A_1, %get3A_10, %dot_general3A_11 {dimension_numbers = #tpu.dot_dimension_numbers<[1], [0], [0], [1], [0, 0, 1, 1], [], []>, transpose_lhs_hint = false} : vector<10000x128xf32>, vector<128x128xf32>, vector<10000x128xf32> -> vector<10000x128xf32>
    %swap3A_13 = arith.constant 0 : index
    %swap3A_14 = arith.constant 0 : index
    %swap3A_15 = vector.load %arg4[%swap3A_13, %swap3A_14] : memref<10000x128xf32, #tpu.memory_space<vmem>>, vector<10000x128xf32>
    tpu.vector_store %arg4[%swap3A_13, %swap3A_14], %dot_general3A_12 {strides = array<i32>} : memref<10000x128xf32, #tpu.memory_space<vmem>>, vector<10000x128xf32>,
    return
  }
}

module attributes {stable_mosaic.version = 14 : i64} {
  func.func @_combine_body(%arg0: i32, %arg1: memref<8000x128xf32, #tpu.memory_space<vmem>>, %arg2: memref<8000x16xf32, #tpu.memory_space<vmem>>, %arg3: memref<16x128xf32, #tpu.memory_space<vmem>>, %arg4: memref<8000x128xf32, #tpu.memory_space<vmem>>) attributes {dimension_semantics = [#tpu.dimension_semantics<arbitrary>], iteration_bounds = array<i64: 40>, scalar_prefetch = 0 : i64, scratch_operands = 0 : i64, tpu.core_type = #tpu.core_type<tc>, window_params = [{transform_indices = @transform_0, window_bounds = array<i64: 8000, 128>}, {transform_indices = @transform_1, window_bounds = array<i64: 8000, 16>}, {pipeline_mode = #tpu.pipeline_mode<synchronous>, transform_indices = @transform_2, window_bounds = array<i64: 16, 128>}, {transform_indices = @transform_3, window_bounds = array<i64: 8000, 128>}]} {
    %get3A = arith.constant 0 : index
    %get3A_0 = arith.constant 0 : index
    %get3A_1 = vector.load %arg1[%get3A, %get3A_0] : memref<8000x128xf32, #tpu.memory_space<vmem>>, vector<8000x128xf32>
    %get3A_2 = arith.constant 0 : index
    %get3A_3 = arith.constant 0 : index
    %get3A_4 = vector.load %arg2[%get3A_2, %get3A_3] : memref<8000x16xf32, #tpu.memory_space<vmem>>, vector<8000x16xf32>
    %get3A_5 = arith.constant 0 : index
    %get3A_6 = arith.constant 0 : index
    %get3A_7 = vector.load %arg3[%get3A_5, %get3A_6] : memref<16x128xf32, #tpu.memory_space<vmem>>, vector<16x128xf32>
    %dot_general3A = arith.constant dense<0.000000e+00> : vector<8000x128xf32>
    %dot_general3A_8 = tpu.matmul %get3A_4, %get3A_7, %dot_general3A {dimension_numbers = #tpu.dot_dimension_numbers<[1], [0], [0], [1], [0, 0, 1, 1], [], []>, transpose_lhs_hint = false} : vector<8000x16xf32>, vector<16x128xf32>, vector<8000x128xf32> -> vector<8000x128xf32>
    %add3A = arith.addf %get3A_1, %dot_general3A_8 : vector<8000x128xf32>
    %logistic3A = arith.negf %add3A : vector<8000x128xf32>
    %logistic3A_9 = math.exp %logistic3A : vector<8000x128xf32>
    %logistic3A_10 = arith.constant 1.000000e+00 : f32
    %logistic3A_11 = vector.broadcast %logistic3A_10 : f32 to vector<8000x128xf32>
    %logistic3A_12 = arith.addf %logistic3A_11, %logistic3A_9 : vector<8000x128xf32>
    %logistic3A_13 = arith.divf %logistic3A_11, %logistic3A_12 : vector<8000x128xf32>
    %mul3A = arith.mulf %add3A, %logistic3A_13 : vector<8000x128xf32>
    %swap3A = arith.constant 0 : index
    %swap3A_14 = arith.constant 0 : index
    %swap3A_15 = vector.load %arg4[%swap3A, %swap3A_14] : memref<8000x128xf32, #tpu.memory_space<vmem>>, vector<8000x128xf32>
    tpu.vector_store %arg4[%swap3A, %swap3A_14], %mul3A {strides = array<i32>} : memref<8000x128xf32, #tpu.memory_space<vmem>>, vector<8000x128xf32>,
    return
  }
  func.func @transform_0(%arg0: i32) -> (i32, i32) {
    %c0_i32 = arith.constant 0 : i32
    %c0_i32_0 = arith.constant 0 : i32
    return %arg0, %c0_i32 : i32, i32
  }
  func.func @transform_1(%arg0: i32) -> (i32, i32) {
    %c0_i32 = arith.constant 0 : i32
    %c0_i32_0 = arith.constant 0 : i32
    return %arg0, %c0_i32 : i32, i32
  }
  func.func @transform_2(%arg0: i32) -> (i32, i32) {
    %c0_i32 = arith.constant 0 : i32
    %c0_i32_0 = arith.constant 0 : i32
    %c0_i32_1 = arith.constant 0 : i32
    return %c0_i32, %c0_i32_0 : i32, i32
  }
  func.func @transform_3(%arg0: i32) -> (i32, i32) {
    %c0_i32 = arith.constant 0 : i32
    %c0_i32_0 = arith.constant 0 : i32
    return %arg0, %c0_i32 : i32, i32
  }
}

</mosaic_0001>

<sc_bundles>
// kernel: kernel.5.cloned.1.call-start
scs
__scs_entry_jumppad:
0x0: {  	(pc) =	sbr.rel $0x88, $3  }
0x1: {  	(tag) =	ssettag $0x0;
	lr =	simm.s32 $0x1  }
0x2: {  	[smem:$0x3F9D] =	sst lr;
	_ =	strace $0xD0000000  }
0x3: {  	_ = 	snop  }
0x4: {  	_ = 	snop  }
0x5: {  	_ = 	snop  }
0x6: {  	_ = 	snop  }
0x7: {  	_ = 	snop  }
__scs_overlays_trampoline_lowered:
0x8: {  	[smem:$0x3FAC] =	sst s0  }
0x9: {  	[smem:$0x3FAD] =	sst s1  }
0xa: {  	[smem:$0x3FAE] =	sst s2  }
0xb: {  	[smem:$0x3FAF] =	sst s3  }
0xc: {  	[smem:$0x3FB0] =	sst s4  }
0xd: {  	[smem:$0x3FB1] =	sst s5  }
0xe: {  	[smem:$0x3FB2] =	sst s6  }
0xf: {  	[smem:$0x3FB3] =	sst s7  }
0x10: {  	[smem:$0x3FB4] =	sst s8  }
0x11: {  	[smem:$0x3FB5] =	sst s9;
	s0 =	simm.s32 @!p0 $0x0  }
0x12: {  	s1 =	sld [smem:$0x3F9B];
	s0 =	simm.s32 @p0 $0x1  }
0x13: {  	[smem:$0x3FB6] =	sst s0;
	s0 =	simm.s32 @!p1 $0x0  }
0x14: {  	s2 =	sld [smem:$0x3F9A];
	s0 =	simm.s32 @p1 $0x1  }
0x15: {  	[smem:$0x3FB7] =	sst s0;
	s0 =	simm.s32 @!p2 $0x0  }
0x16: {  	s3 =	sld [smem:$0x3FDB];
	s0 =	simm.s32 @p2 $0x1  }
0x17: {  	s4 =	simm.s32 $0x1BF5;
	[smem:$0x3FB9] =	sst s0  }
0x18: {  	s0 =	sld [smem:$0x3F9C];
	_ =	swait.ge [sflag:s4], $0x0  }
0x19: {  	s7 =	sld [smem:$0x3F9D]  }
0x1a: {  	s8 =	sadd.s32 $0xFFFFE003, lr  }
0x1b: {  	s9 =	sadd.s32 $0xFFFFFEF7, lr;
	s5 =	simm.s32 $0xFFFFFFFF;
	p2 =	slt.u32 s8, $0xFFFFF086  }
0x1c: {  	p1 =	slt.u32 s9, $0xF7A;
	s5 =	simm.s32 @!p2 $0x0  }
0x1d: {  	s5 =	simm.s32 @p1 $0x1;
	p0 =	seq.s32 s7, s2  }
0x1e: {  	s7 =	smul.u32 @!p0 $0xF7A, s2;
	p2 =	seq.s32 @!p0 s5, $0x0  }
0x1f: {  	s9 =	smul.u32 $0xF7A, s1;
	s8 =	simm.s32 @!p0 $0x1BF5;
	p2 =	por !p2, p0  }
0x20: {  	[sflag:s8] =	ssyncset.s32 @!p0 $0xFFFFF086;
	s6 =	sadd.s32 @!p0 s3, s7;
	s7 =	simm.s32 @!p0 $0x108  }
0x21: {  	s3 =	sadd.s32 s3, s9;
	s6 =	sadd.s32 @!p0 $0x88, s6;
	s7 =	simm.s32 @p2 $0x1082  }
0x22: {  	[simem:s7], [sflag:s8] =	dma.local @!p0 [hbm:s6], $0xF7A  }
0x23: {  	s9 =	sor.u32 $0xD0000000, s2;
	s6 =	simm.s32 $0x108;
	_ =	swait.ge @!p0 [sflag:s8], $0x0  }
0x24: {  	s3 =	sadd.s32 $0x88, s3;
	s6 =	simm.s32 @!p1 $0x1082;
	[sflag:s4] =	ssyncset.s32 $0xFFFFF086  }
0x25: {  	[simem:s6], [sflag:s4] =	dma.local [hbm:s3], $0xF7A  }
0x26: {  	[smem:$0x3F9D] =	sst s1;
	(tag) =	ssettag s2;
	_ =	strace s9  }
0x27: {  	s1 =	sld [smem:$0x3FAD]  }
0x28: {  	s2 =	sld [smem:$0x3FAE]  }
0x29: {  	s4 =	sld [smem:$0x3FB0]  }
0x2a: {  	p0 =	seq.s32 s5, $0x0;
	s5 =	sld [smem:$0x3FB1]  }
0x2b: {  	s6 =	sld [smem:$0x3FB2]  }
0x2c: {  	s7 =	sld [smem:$0x3FB3]  }
0x2d: {  	s3 =	simm.s32 $0x108;
	s8 =	sld [smem:$0x3FB4]  }
0x2e: {  	s3 =	simm.s32 @!p0 $0x1082;
	s9 =	sld [smem:$0x3FB5]  }
0x2f: {  	lr =	sadd.s32 s0, s3;
	s0 =	sld [smem:$0x3FAC]  }
0x30: {  	s3 =	sld [smem:$0x3FAF]  }
0x31: {  	[smem:$0x3FB8] =	sst s10  }
0x32: {  	s10 =	sld [smem:$0x3FB6];
	_ =	sdelay $0x3  }
0x33: {  	p0 =	seq.s32 s10, $0x1;
	s10 =	sld [smem:$0x3FB8];
	_ =	sdelay $0x3  }
0x34: {  	[smem:$0x3FB8] =	sst s10  }
0x35: {  	s10 =	sld [smem:$0x3FB7];
	_ =	sdelay $0x3  }
0x36: {  	p1 =	seq.s32 s10, $0x1;
	s10 =	sld [smem:$0x3FB8];
	_ =	sdelay $0x3  }
0x37: {  	[smem:$0x3FB8] =	sst s10  }
0x38: {  	s10 =	sld [smem:$0x3FB9]  }
0x39: {  	_ = 	snop;
	(pc) =	sbr.ind lr, $3  }
0x3a: {  	_ = 	snop  }
0x3b: {  	_ = 	snop  }
0x3c: {  	p2 =	seq.s32 s10, $0x1;
	s10 =	sld [smem:$0x3FB8]  }
0x3d: {  	_ =	shalt  }
0x3e: {  	_ =	shalt  }
0x3f: {  	_ =	shalt  }
0x40: {  	_ =	shalt  }
0x41: {  	_ =	shalt  }
0x42: {  	_ =	shalt  }
0x43: {  	_ =	shalt  }
0x44: {  	_ =	shalt  }
0x45: {  	_ =	shalt  }
0x46: {  	_ =	shalt  }
0x47: {  	_ =	shalt  }
0x48: {  	_ =	shalt  }
0x49: {  	_ =	shalt  }
0x4a: {  	_ =	shalt  }
0x4b: {  	_ =	shalt  }
0x4c: {  	_ =	shalt  }
0x4d: {  	_ =	shalt  }
0x4e: {  	_ =	shalt  }
0x4f: {  	_ =	shalt  }
0x50: {  	_ =	shalt  }
0x51: {  	_ =	shalt  }
0x52: {  	_ =	shalt  }
0x53: {  	_ =	shalt  }
0x54: {  	_ =	shalt  }
0x55: {  	_ =	shalt  }
0x56: {  	_ =	shalt  }
0x57: {  	_ =	shalt  }
0x58: {  	_ =	shalt  }
0x59: {  	_ =	shalt  }
0x5a: {  	_ =	shalt  }
0x5b: {  	_ =	shalt  }
0x5c: {  	_ =	shalt  }
0x5d: {  	_ =	shalt  }
0x5e: {  	_ =	shalt  }
0x5f: {  	_ =	shalt  }
0x60: {  	_ =	shalt  }
0x61: {  	_ =	shalt  }
0x62: {  	_ =	shalt  }
0x63: {  	_ =	shalt  }
0x64: {  	_ =	shalt  }
0x65: {  	_ =	shalt  }
0x66: {  	_ =	shalt  }
0x67: {  	_ =	shalt  }
0x68: {  	_ =	shalt  }
0x69: {  	_ =	shalt  }
0x6a: {  	_ =	shalt  }
0x6b: {  	_ =	shalt  }
0x6c: {  	_ =	shalt  }
0x6d: {  	_ =	shalt  }
0x6e: {  	_ =	shalt  }
0x6f: {  	_ =	shalt  }
0x70: {  	_ =	shalt  }
0x71: {  	_ =	shalt  }
0x72: {  	_ =	shalt  }
0x73: {  	_ =	shalt  }
0x74: {  	_ =	shalt  }
0x75: {  	_ =	shalt  }
0x76: {  	_ =	shalt  }
0x77: {  	_ =	shalt  }
0x78: {  	_ =	shalt  }
0x79: {  	_ =	shalt  }
0x7a: {  	_ =	shalt  }
0x7b: {  	_ =	shalt  }
0x7c: {  	_ =	shalt  }
0x7d: {  	_ =	shalt  }
0x7e: {  	_ =	shalt  }
0x7f: {  	_ =	shalt  }
0x80: {  	_ =	shalt  }
0x81: {  	_ =	shalt  }
0x82: {  	_ =	shalt  }
0x83: {  	_ =	shalt  }
0x84: {  	_ =	shalt  }
0x85: {  	_ =	shalt  }
0x86: {  	_ =	shalt  }
0x87: {  	_ =	shalt  }
.Lfunc_end0:
.L_simem_size_0:
called_computation_lowered:
.L_overlay_start_0:
0x88: {  	s2 =	sld [smem:$0x3FD9]  }
0x89: {  	s3 =	sld [smem:$0x3FFE];
	_ =	sdelay $0x1  }
0x8a: {  	s1 =	srdreg.scid  }
0x8b: {  	s0 =	sand.u32 $0x1, s1  }
0x8c: {  	s17 =	sshll.u32 s0, $0xA;
	s2 =	sadd.s32 s3, s2  }
0x8d: {  	s2 =	sadd.s32 s2, s17  }
0x8e: {  	[smem:$0x3FC4] =	sst s2  }
0x8f: {  	_ = 	snop  }
0x90: {  	s2 =	sld [smem:$0x3FD0];
	(tm) =	ssettm $0x1  }
0x91: {  	s18 =	sld [smem:$0x3FFB];
	_ =	sdelay $0x3  }
0x92: {  	_ =	strace s18  }
0x93: {  	s3 =	sld [smem:$0x3FFC];
	_ =	sdelay $0x3  }
0x94: {  	_ =	strace s3  }
0x95: {  	s3 =	sld [smem:$0x3FFD];
	_ =	sdelay $0x3  }
0x96: {  	_ =	strace s3  }
0x97: {  	_ =	strace $0x8FFFFFFF  }
0x98: {  	s19 =	sld [smem:$0x3FDB];
	_ =	sdelay $0x1  }
0x99: {  	s4 =	simm.s32 $_scs_section_size  }
0x9a: {  	s5 =	simm.s32 $_size__tile_overlayer_lowered;
	s6 =	simm.s32 $_tile_overlayer_lowered  }
0x9b: {  	s22 =	simm.s32 $0x1BFF;
	s21 =	sshll.u32 s6, $0x1;
	s3 =	sadd.s32 s4, s19  }
0x9c: {  	s7 =	simm.s32 $0x0;
	s20 =	sshll.u32 s5, $0x1;
	s5 =	sadd.s32 s21, s3  }
0x9d: {  	[timem:s7], [sflag:s22] =	dma.local [hbm:s5], s20  }
0x9e: {  	_ =	swait.ge [sflag:s22], s20  }
0x9f: {  	s4 =	ssub.s32 $0x0, s20;
	[sflag:s22] =	ssyncset.done $0x0  }
0xa0: {  	[sflag:s22] =	ssyncadd.s32 s4;
	_ =	sdelay $0x1  }
0xa1: {  	s23 =	simm.s32 $0x1B8B  }
0xa2: {  	_ =	swait.ge [sflag:s23], $0x1  }
0xa3: {  	[sflag:s23] =	ssyncset.done $0x0  }
0xa4: {  	s25 =	simm.s32 $0x1B8E;
	s24 =	sld [smem:$0x3FFE];
	[sflag:s23] =	ssyncadd.s32 $0xFFFFFFFF  }
0xa5: {  	s26 =	simm.s32 $execute0_lowered;
	[smem:$0x3FD2] =	sst s25  }
0xa6: {  	s5 =	sshll.u32 s26, $0x1;
	_ =	strace $0x80000046;
	[dreg:$0x1] =	wrdreg $0xFFFFFFFF  }
0xa7: {  	s28 =	simm.s32 $_size_execute0_lowered;
	s3 =	sadd.s32 s3, s5;
	[dreg:$0x0] =	wrdreg $0x0  }
0xa8: {  	s5 =	sshll.u32 s28, $0x1;
	[dreg:$0x2] =	wrdreg s3  }
0xa9: {  	[dreg:$0x3] =	wrdreg s5  }
0xaa: {  	[dreg:$0x4] =	wrdreg $0xC0  }
0xab: {  	_ =	task [dreg:s7], $0x5FFFF  }
0xac: {  	[dreg:$0x1] =	wrdreg $0xFFFFFFFF  }
0xad: {  	[dreg:$0x0] =	wrdreg $0x60  }
0xae: {  	[dreg:$0x2] =	wrdreg s2  }
0xaf: {  	[dreg:$0x3] =	wrdreg s24  }
0xb0: {  	[dreg:$0x4] =	wrdreg $0x9  }
0xb1: {  	_ =	task.clear_ibuf [dreg:s7], $0x5FFFF;
	_ =	strace $0x90000046  }
0xb2: {  	s29 =	simm.s32 $0x9;
	_ =	strace $0x80000048  }
0xb3: {  	_ =	swait.ge [sflag:s29], $0x1  }
0xb4: {  	[sflag:s29] =	ssyncadd.s32 $0xFFFFFFFF  }
0xb5: {  	_ =	strace $0x90000048  }
0xb6: {  	_ =	sfence  }
0xb7: {  	s30 =	sld [smem:$0x0];
	_ =	sdelay $0x2  }
0xb8: {  	s31 =	sshll.u32 s1, $0xD;
	s1 =	sshrl.u32 s1, $0x2  }
0xb9: {  	s3 =	sand.u32 $0x4000, s31;
	s1 =	sadd.s32 s1, s30  }
0xba: {  	s0 =	sor.u32 s3, s0;
	s1 =	sshll.u32 s1, $0x11  }
0xbb: {  	s0 =	sor.u32 s1, s0  }
0xbc: {  	s0 =	sadd.s32 $0x8F2B, s0  }
0xbd: {  	[sflag:s0] =	ssyncadd.remote.s32 $0x1  }
0xbe: {  	_ =	sfence.sel $0xFFFF  }
0xbf: {  	[dreg:$0x0] =	wrdreg $0xFFFFFFFF;
	(pc) =	sbr.abs _section_cstart, $3  }
0xc0: {  	[dreg:$0x1] =	wrdreg $0xFFFFFFFF  }
0xc1: {  	_ =	task.clear_ibuf [dreg:s7], $0x2FFFF;
	_ =	strace $0x9FFFFFFF  }
0xc2: {  	(tm) =	ssettm $0x7FFFFFFF  }
0xc3: {  	_ =	shalt  }
tec
execute0_lowered:
.L_overlay_start_1:
0x0: {  	(tag) =	ssettag $0x1  }
0x1: {  	s1 =	rddreg [dreg:$0x0]  }
0x2: {  	s0 =	rddreg [dreg:$0x1];
	s3 =	simm.s32 $0x0;
	s2 =	srdreg.scid  }
0x3: {  	s4 =	stileid.u32;
	s12 =	simm.s32 $0x50;
	s18 =	simm.s32 $0xD000  }
0x4: {  	s19 =	simm.s32 $0x1;
	s20 =	simm.s32 $0xF800;
	s21 =	simm.s32 $0x2  }
0x5: {  	s22 =	simm.s32 $0x12000;
	s2 =	sand.u32 $0x1, s2;
	s4 =	sshll.u32 s4, $0x1  }
0x6: {  	s23 =	simm.s32 $0x3;
	[smem:$0x7FF] =	sst s3;
	s6 =	sor.u32 s2, s4  }
0x7: {  	s24 =	simm.s32 $0x4;
	_ =	strace $0x80000047;
	s5 =	sshll.u32 s6, $0xB  }
0x8: {  	s4 =	sadd.s32 $0x20600, s0;
	s2 =	ssub.s32 $0x2, s2;
	s7 =	sadd.s32 s5, s0  }
0x9: {  	s29 =	sshrl.u32 s2, $0x1;
	s5 =	sadd.s32 $0x47800, s0;
	s30 =	sadd.s32 $0x10600, s7  }
0xa: {  	s0 =	ssub.s32 s2, s29;
	s31 =	sadd.s32 $0x600, s7;
	[dreg:$0x3] =	wrdreg s30  }
0xb: {  	s25 =	simm.s32 $0x5;
	s0 =	smax.u32 s0, $0x1;
	[dreg:$0x4] =	wrdreg s31  }
0xc: {  	s6 =	smul.u32 $0x2710, s6;
	s7 =	simm.s32 $0x0;
	[dreg:$0x5] =	wrdreg s0  }
.LBB2_1:
0xd: {  	[dreg:$0x6] =	wrdreg s7  }
0xe: {  	s0 =	rddreg [dreg:$0x3];
	s2 =	simm.s32 $0xB  }
0xf: {  	[tilespmem:s3], [sflag:$0xB] =	stream.linear.gather [hbm4b:s0+s3], $0x3E80, $0x38;
	[tilespmem:$0x1C000] =	vst v63  }
0x10: {  	_ =	swait.ge [sflag:s2], $0x3E80  }
0x11: {  	[sflag:s2] =	ssyncset.done $0x0  }
0x12: {  	s17 =	simm.s32 $0x4000;
	s16 =	rddreg [dreg:$0x4];
	[sflag:s2] =	ssyncadd.s32 $0xFFFFC180  }
0x13: {  	[tilespmem:s17], [sflag:$0xB] =	stream.linear.gather [hbm4b:s16+s3], $0x3E80, $0x38;
	[tilespmem:$0x1C000] =	vst v63  }
0x14: {  	_ =	swait.ge [sflag:s2], $0x3E80  }
0x15: {  	s26 =	simm.s32 $0x8000;
	[sflag:s2] =	ssyncset.done $0x0  }
0x16: {  	s28 =	simm.s32 $0x80;
	s29 =	simm.s32 $0xA800;
	[sflag:s2] =	ssyncadd.s32 $0xFFFFC180  }
0x17: {  	[tilespmem:s26], [sflag:$0x1] =	stream.indirect.gather [hbm4b:s1+s12], $0x80, s3, s12, $0xb8;
	[tilespmem:$0x1C000] =	vst v63  }
0x18: {  	s30 =	simm.s32 $0x4080;
	s31 =	simm.s32 $0x17000;
	s2 =	simm.s32 $0x14800  }
0x19: {  	[tilespmem:s2], [sflag:$0x1] =	stream.indirect.gather [hbm4b:s4+s12], $0x80, s17, s12, $0xb8;
	[tilespmem:$0x1C000] =	vst v63  }
0x1a: {  	s14 =	simm.s32 $0x4;
	s11 =	simm.s32 $0x1;
	s7 =	simm.s32 $0x0  }
0x1b: {  	[tilespmem:s29], [sflag:$0x2] =	stream.indirect.gather [hbm4b:s1+s12], $0x80, s28, s12, $0xb8;
	[tilespmem:$0x1C000] =	vst v63  }
0x1c: {  	s8 =	simm.s32 $0x0;
	s16 =	simm.s32 $0x3;
	s17 =	simm.s32 $0x2  }
0x1d: {  	[tilespmem:s31], [sflag:$0x2] =	stream.indirect.gather [hbm4b:s4+s12], $0x80, s30, s12, $0xb8;
	[tilespmem:$0x1C000] =	vst v63  }
.LBB2_2:
0x1e: {  	s9 =	smul.u32 $0x5, s8;
	_ =	sdelay $0x1  }
0x1f: {  	s28 =	sadd.s32 $0x2, s9  }
0x20: {  	s0 =	sand.u32 $0xFF, s28  }
0x21: {  	s0 =	smul.u32 $0xAB, s0;
	_ =	sdelay $0x1  }
0x22: {  	s10 =	smulhi.u32 $0xAAAAAAAB, s7;
	s0 =	sshrl.u32 s0, $0x9  }
0x23: {  	p0 =	seq.s32 s8, $0x0;
	s0 =	smul.u32 $0x3, s0  }
0x24: {  	s13 =	simm.s32 @!p0 $0x8  }
0x25: {  	s10 =	sshrl.u32 s10, $0x1;
	_ =	swait.ge @!p0 [sflag:s13], $0x2800;
	s0 =	ssub.s32 s28, s0  }
0x26: {  	s10 =	smul.u32 $0xFFFE2000, s10;
	[sflag:s13] =	ssyncset.done @!p0 $0x0;
	s0 =	sand.u32 $0xFF, s0  }
0x27: {  	s26 =	sshll.u32 s28, $0x7;
	[sflag:s13] =	ssyncadd.s32 @!p0 $0xFFFFD800;
	s0 =	smul.u32 $0xA000, s0  }
0x28: {  	[tilespmem:s18], [sflag:$0x3] =	stream.indirect.gather [hbm4b:s1+s12], $0x80, s26, s12, $0xb8;
	[tilespmem:$0x1C000] =	vst v63  }
0x29: {  	s0 =	sshrl.u32 s0, $0x2  }
0x2a: {  	s13 =	sadd.s32 $0x4000, s26;
	s10 =	sshra.s32 s10, $0x2;
	s0 =	sadd.s32 $0x14800, s0  }
0x2b: {  	[tilespmem:s0], [sflag:$0x3] =	stream.indirect.gather [hbm4b:s4+s12], $0x80, s13, s12, $0xb8;
	[tilespmem:$0x1C000] =	vst v63  }
0x2c: {  	s13 =	sadd.s32 s10, s2;
	_ =	swait.ge [sflag:s19], $0x2800  }
0x2d: {  	v0 =	vmov s13;
	[sflag:s19] =	ssyncset.done $0x0  }
0x2e: {  	[sflag:s19] =	ssyncadd.s32 $0xFFFFD800  }
0x2f: {  	_ =	swait.ge [sflag:s19], $0x2800  }
0x30: {  	[sflag:s19] =	ssyncset.done $0x0  }
0x31: {  	s29 =	simm.s32 $0x0;
	[sflag:s19] =	ssyncadd.s32 $0xFFFFD800  }
0x32: {  	v1 =	vld.idx.msk [tilespmem:v0+s29+$0x180 ss:$0x1], $0xffff  }
0x33: {  	v2 =	vld [tilespmem:s29+$0x8180]  }
0x34: {  	v3 =	vld.idx.msk [tilespmem:v0+s29+$0x0 ss:$0x1], $0xffff  }
0x35: {  	v4 =	vld.idx.msk [tilespmem:v0+s29+$0x80 ss:$0x1], $0xffff  }
0x36: {  	v5 =	vld.idx.msk [tilespmem:v0+s29+$0x100 ss:$0x1], $0xffff  }
0x37: {  	v6 =	vld [tilespmem:s29+$0x8000]  }
0x38: {  	v7 =	vld [tilespmem:s29+$0x8100]  }
0x39: {  	v8 =	vld [tilespmem:s29+$0x8190]  }
0x3a: {  	v9 =	vld [tilespmem:s29+$0x8010]  }
0x3b: {  	v1 =	vadd.f32 v1, v2;
	v2 =	vld [tilespmem:s29+$0x8080]  }
0x3c: {  	v10 =	vld [tilespmem:s29+$0x80B0]  }
0x3d: {  	v11 =	vld [tilespmem:s29+$0x8130];
	v3 =	vadd.f32 v3, v6;
	[tilespmem:s29+$0x8180] =	vst v1  }
0x3e: {  	v1 =	vld.idx.msk [tilespmem:v0+s29+$0x190 ss:$0x1], $0xffff  }
0x3f: {  	[tilespmem:s29+$0x8000] =	vst v3;
	v3 =	vadd.f32 v5, v7;
	v5 =	vld [tilespmem:s29+$0x8110]  }
0x40: {  	v6 =	vld.idx.msk [tilespmem:v0+s29+$0x10 ss:$0x1], $0xffff;
	v2 =	vadd.f32 v4, v2  }
0x41: {  	[tilespmem:s29+$0x8100] =	vst v3;
	v4 =	vld [tilespmem:s29+$0x8090]  }
0x42: {  	v3 =	vld.idx.msk [tilespmem:v0+s29+$0x110 ss:$0x1], $0xffff;
	[tilespmem:s29+$0x8080] =	vst v2  }
0x43: {  	v1 =	vadd.f32 v1, v8;
	v2 =	vld.idx.msk [tilespmem:v0+s29+$0x90 ss:$0x1], $0xffff  }
0x44: {  	v7 =	vld [tilespmem:s29+$0x81A0]  }
0x45: {  	v8 =	vld [tilespmem:s29+$0x8020];
	v6 =	vadd.f32 v6, v9;
	[tilespmem:s29+$0x8190] =	vst v1  }
0x46: {  	v1 =	vld.idx.msk [tilespmem:v0+s29+$0x1A0 ss:$0x1], $0xffff  }
0x47: {  	v9 =	vld [tilespmem:s29+$0x80A0];
	[tilespmem:s29+$0x8010] =	vst v6;
	v3 =	vadd.f32 v3, v5  }
0x48: {  	v5 =	vld.idx.msk [tilespmem:v0+s29+$0x20 ss:$0x1], $0xffff;
	v2 =	vadd.f32 v2, v4  }
0x49: {  	[tilespmem:s29+$0x8110] =	vst v3;
	v4 =	vld [tilespmem:s29+$0x8120]  }
0x4a: {  	v3 =	vld.idx.msk [tilespmem:v0+s29+$0x120 ss:$0x1], $0xffff;
	[tilespmem:s29+$0x8090] =	vst v2  }
0x4b: {  	v1 =	vadd.f32 v1, v7;
	v2 =	vld.idx.msk [tilespmem:v0+s29+$0xA0 ss:$0x1], $0xffff  }
0x4c: {  	v12 =	vld [tilespmem:s29+$0x8050]  }
0x4d: {  	v7 =	vld [tilespmem:s29+$0x81B0];
	v5 =	vadd.f32 v5, v8;
	[tilespmem:s29+$0x81A0] =	vst v1  }
0x4e: {  	v1 =	vld.idx.msk [tilespmem:v0+s29+$0x1B0 ss:$0x1], $0xffff  }
0x4f: {  	v6 =	vld [tilespmem:s29+$0x8030];
	[tilespmem:s29+$0x8020] =	vst v5;
	v3 =	vadd.f32 v3, v4  }
0x50: {  	v4 =	vld.idx.msk [tilespmem:v0+s29+$0x30 ss:$0x1], $0xffff;
	v2 =	vadd.f32 v2, v9  }
0x51: {  	v13 =	vld [tilespmem:s29+$0x81D0];
	[tilespmem:s29+$0x8120] =	vst v3  }
0x52: {  	v3 =	vld.idx.msk [tilespmem:v0+s29+$0x130 ss:$0x1], $0xffff;
	[tilespmem:s29+$0x80A0] =	vst v2  }
0x53: {  	v1 =	vadd.f32 v1, v7;
	v2 =	vld.idx.msk [tilespmem:v0+s29+$0xB0 ss:$0x1], $0xffff  }
0x54: {  	v8 =	vld [tilespmem:s29+$0x8040]  }
0x55: {  	v5 =	vld [tilespmem:s29+$0x81C0];
	v4 =	vadd.f32 v4, v6;
	[tilespmem:s29+$0x81B0] =	vst v1  }
0x56: {  	v1 =	vld.idx.msk [tilespmem:v0+s29+$0x1C0 ss:$0x1], $0xffff  }
0x57: {  	v9 =	vld [tilespmem:s29+$0x80C0];
	[tilespmem:s29+$0x8030] =	vst v4;
	v3 =	vadd.f32 v3, v11  }
0x58: {  	v6 =	vld.idx.msk [tilespmem:v0+s29+$0x40 ss:$0x1], $0xffff;
	v2 =	vadd.f32 v2, v10  }
0x59: {  	v7 =	vld [tilespmem:s29+$0x8140];
	[tilespmem:s29+$0x8130] =	vst v3  }
0x5a: {  	v3 =	vld.idx.msk [tilespmem:v0+s29+$0x140 ss:$0x1], $0xffff;
	[tilespmem:s29+$0x80B0] =	vst v2  }
0x5b: {  	v1 =	vadd.f32 v1, v5;
	v2 =	vld.idx.msk [tilespmem:v0+s29+$0xC0 ss:$0x1], $0xffff  }
0x5c: {  	v63 =	vld [tilespmem:s29+$0x81E0]  }
0x5d: {  	v11 =	vld [tilespmem:s29+$0x8150];
	v8 =	vadd.f32 v6, v8;
	[tilespmem:s29+$0x81C0] =	vst v1  }
0x5e: {  	v1 =	vld.idx.msk [tilespmem:v0+s29+$0x1D0 ss:$0x1], $0xffff  }
0x5f: {  	v4 =	vld [tilespmem:s29+$0x8060];
	[tilespmem:s29+$0x8040] =	vst v8;
	v3 =	vadd.f32 v3, v7  }
0x60: {  	v7 =	vld.idx.msk [tilespmem:v0+s29+$0x50 ss:$0x1], $0xffff;
	v2 =	vadd.f32 v2, v9  }
0x61: {  	v10 =	vld [tilespmem:s29+$0x80D0];
	[tilespmem:s29+$0x8140] =	vst v3  }
0x62: {  	v3 =	vld.idx.msk [tilespmem:v0+s29+$0x150 ss:$0x1], $0xffff;
	[tilespmem:s29+$0x80C0] =	vst v2  }
0x63: {  	s15 =	smulhi.u32 $0xAAAAAAAB, s14;
	v1 =	vadd.f32 v1, v13;
	v2 =	vld.idx.msk [tilespmem:v0+s29+$0xD0 ss:$0x1], $0xffff  }
0x64: {  	s18 =	smulhi.u32 $0xAAAAAAAB, s16;
	v5 =	vld [tilespmem:s29+$0x80E0]  }
0x65: {  	s26 =	smulhi.u32 $0xAAAAAAAB, s17;
	v6 =	vld [tilespmem:s29+$0x8160];
	v7 =	vadd.f32 v7, v12;
	[tilespmem:s29+$0x81D0] =	vst v1  }
0x66: {  	s0 =	sshrl.u32 s15, $0x1;
	s15 =	smulhi.u32 $0xAAAAAAAB, s11;
	v9 =	vld.idx.msk [tilespmem:v0+s29+$0x1E0 ss:$0x1], $0xffff  }
0x67: {  	s10 =	sshrl.u32 s18, $0x1;
	s0 =	smul.u32 $0xFFFE2000, s0;
	v1 =	vld [tilespmem:s29+$0x8070];
	[tilespmem:s29+$0x8050] =	vst v7;
	v3 =	vadd.f32 v3, v11  }
0x68: {  	s10 =	smul.u32 $0xFFFE2000, s10;
	s13 =	sshrl.u32 s26, $0x1;
	v7 =	vld.idx.msk [tilespmem:v0+s29+$0x60 ss:$0x1], $0xffff;
	v8 =	vadd.f32 v2, v10  }
0x69: {  	s13 =	smul.u32 $0xFFFE2000, s13;
	s15 =	sshrl.u32 s15, $0x1;
	[tilespmem:s29+$0x8150] =	vst v3;
	v3 =	vld [tilespmem:s29+$0x8170]  }
0x6a: {  	s0 =	sshra.s32 s0, $0x2;
	s15 =	smul.u32 $0xFFFE2000, s15;
	v2 =	vld [tilespmem:s29+$0x80F0];
	[tilespmem:s29+$0x80D0] =	vst v8  }
0x6b: {  	s30 =	simm.s32 $0x0;
	s10 =	sshra.s32 s10, $0x2;
	s26 =	sadd.s32 s0, s2;
	v8 =	vld.idx.msk [tilespmem:v0+s29+$0xE0 ss:$0x1], $0xffff;
	v10 =	vadd.f32 v9, v63  }
0x6c: {  	s13 =	sshra.s32 s13, $0x2;
	s31 =	sadd.s32 s10, s2;
	s18 =	sshra.s32 s15, $0x2;
	v9 =	vld.idx.msk [tilespmem:v0+s29+$0x160 ss:$0x1], $0xffff  }
0x6d: {  	s10 =	sadd.s32 s13, s2;
	s13 =	simm.s32 $0x800;
	s0 =	sadd.s32 s18, s2;
	[tilespmem:s29+$0x81E0] =	vst v10;
	v10 =	vld [tilespmem:s29+$0x81F0]  }
.LBB2_3:
0x6e: {  	s15 =	sshra.s32 s13, $0x2;
	s30 =	sadd.s32 $0x4, s30;
	v11 =	vld.idx.msk [tilespmem:v0+s29+$0x1F0 ss:$0x1], $0xffff  }
0x6f: {  	v4 =	vadd.f32 v7, v4;
	v12 =	vld.idx.msk [tilespmem:v0+s15+$0x180 ss:$0x1], $0xffff;
	p1 =	slt.u32 s30, $0x4C  }
0x70: {  	v5 =	vadd.f32 v8, v5;
	v7 =	vld [tilespmem:s15+$0x8180]  }
0x71: {  	v8 =	vld.idx.msk [tilespmem:v0+s15+$0x0 ss:$0x1], $0xffff;
	[tilespmem:s29+$0x8060] =	vst v4;
	v4 =	vadd.f32 v9, v6  }
0x72: {  	v6 =	vld.idx.msk [tilespmem:v0+s15+$0x80 ss:$0x1], $0xffff;
	[tilespmem:s29+$0x80E0] =	vst v5  }
0x73: {  	v5 =	vld.idx.msk [tilespmem:v0+s15+$0x100 ss:$0x1], $0xffff;
	[tilespmem:s29+$0x8160] =	vst v4  }
0x74: {  	v9 =	vadd.f32 v11, v10;
	v4 =	vld [tilespmem:s15+$0x8000]  }
0x75: {  	v10 =	vld [tilespmem:s15+$0x8080];
	v7 =	vadd.f32 v12, v7  }
0x76: {  	v11 =	vld [tilespmem:s15+$0x8100];
	[tilespmem:s29+$0x81F0] =	vst v9  }
0x77: {  	v9 =	vld [tilespmem:s15+$0x8010];
	[tilespmem:s15+$0x8180] =	vst v7  }
0x78: {  	v7 =	vld.idx.msk [tilespmem:v0+s15+$0x190 ss:$0x1], $0xffff  }
0x79: {  	v4 =	vadd.f32 v8, v4;
	v8 =	vld [tilespmem:s15+$0x8190]  }
0x7a: {  	v6 =	vadd.f32 v6, v10;
	v10 =	vld [tilespmem:s15+$0x8090]  }
0x7b: {  	[tilespmem:s15+$0x8000] =	vst v4;
	v4 =	vadd.f32 v5, v11;
	v5 =	vld [tilespmem:s15+$0x8110]  }
0x7c: {  	v11 =	vld.idx.msk [tilespmem:v0+s15+$0x10 ss:$0x1], $0xffff;
	[tilespmem:s15+$0x8080] =	vst v6  }
0x7d: {  	v6 =	vld.idx.msk [tilespmem:v0+s15+$0x90 ss:$0x1], $0xffff;
	[tilespmem:s15+$0x8100] =	vst v4  }
0x7e: {  	v4 =	vld.idx.msk [tilespmem:v0+s15+$0x110 ss:$0x1], $0xffff;
	v7 =	vadd.f32 v7, v8  }
0x7f: {  	v8 =	vld [tilespmem:s15+$0x8020]  }
0x80: {  	v12 =	vld [tilespmem:s15+$0x80A0];
	[tilespmem:s15+$0x8190] =	vst v7  }
0x81: {  	v7 =	vld.idx.msk [tilespmem:v0+s15+$0x1A0 ss:$0x1], $0xffff  }
0x82: {  	v9 =	vadd.f32 v11, v9;
	v11 =	vld [tilespmem:s15+$0x81A0]  }
0x83: {  	v6 =	vadd.f32 v6, v10;
	v10 =	vld [tilespmem:s15+$0x8120]  }
0x84: {  	v4 =	vadd.f32 v4, v5;
	[tilespmem:s15+$0x8010] =	vst v9;
	v9 =	vld [tilespmem:s15+$0x8030]  }
0x85: {  	v5 =	vld.idx.msk [tilespmem:v0+s15+$0x20 ss:$0x1], $0xffff;
	[tilespmem:s15+$0x8090] =	vst v6  }
0x86: {  	v6 =	vld.idx.msk [tilespmem:v0+s15+$0xA0 ss:$0x1], $0xffff;
	[tilespmem:s15+$0x8110] =	vst v4  }
0x87: {  	v4 =	vld.idx.msk [tilespmem:v0+s15+$0x120 ss:$0x1], $0xffff;
	v7 =	vadd.f32 v7, v11  }
0x88: {  	v11 =	vld [tilespmem:s15+$0x80B0]  }
0x89: {  	v13 =	vld [tilespmem:s15+$0x8130];
	[tilespmem:s15+$0x81A0] =	vst v7  }
0x8a: {  	v7 =	vld.idx.msk [tilespmem:v0+s15+$0x1B0 ss:$0x1], $0xffff  }
0x8b: {  	v5 =	vadd.f32 v5, v8;
	v8 =	vld [tilespmem:s15+$0x81B0]  }
0x8c: {  	v6 =	vadd.f32 v6, v12;
	v14 =	vld [tilespmem:s15+$0x8040]  }
0x8d: {  	v4 =	vadd.f32 v4, v10;
	[tilespmem:s15+$0x8020] =	vst v5;
	v12 =	vld [tilespmem:s15+$0x80C0]  }
0x8e: {  	v5 =	vld.idx.msk [tilespmem:v0+s15+$0x30 ss:$0x1], $0xffff;
	[tilespmem:s15+$0x80A0] =	vst v6  }
0x8f: {  	v6 =	vld.idx.msk [tilespmem:v0+s15+$0xB0 ss:$0x1], $0xffff;
	[tilespmem:s15+$0x8120] =	vst v4  }
0x90: {  	v4 =	vld.idx.msk [tilespmem:v0+s15+$0x130 ss:$0x1], $0xffff;
	v7 =	vadd.f32 v7, v8  }
0x91: {  	v8 =	vld [tilespmem:s15+$0x8140]  }
0x92: {  	v10 =	vld [tilespmem:s15+$0x8050];
	[tilespmem:s15+$0x81B0] =	vst v7  }
0x93: {  	v7 =	vld.idx.msk [tilespmem:v0+s15+$0x1C0 ss:$0x1], $0xffff  }
0x94: {  	v5 =	vadd.f32 v5, v9;
	v9 =	vld [tilespmem:s15+$0x81C0]  }
0x95: {  	v6 =	vadd.f32 v6, v11;
	v11 =	vld [tilespmem:s15+$0x80D0]  }
0x96: {  	v4 =	vadd.f32 v4, v13;
	[tilespmem:s15+$0x8030] =	vst v5;
	v13 =	vld [tilespmem:s15+$0x8150]  }
0x97: {  	v15 =	vld.idx.msk [tilespmem:v0+s15+$0x40 ss:$0x1], $0xffff;
	[tilespmem:s15+$0x80B0] =	vst v6  }
0x98: {  	v6 =	vld.idx.msk [tilespmem:v0+s15+$0xC0 ss:$0x1], $0xffff;
	[tilespmem:s15+$0x8130] =	vst v4  }
0x99: {  	v16 =	vld.idx.msk [tilespmem:v0+s15+$0x140 ss:$0x1], $0xffff;
	v7 =	vadd.f32 v7, v9  }
0x9a: {  	v4 =	vld [tilespmem:s15+$0x8060]  }
0x9b: {  	v5 =	vld [tilespmem:s15+$0x80E0];
	[tilespmem:s15+$0x81C0] =	vst v7  }
0x9c: {  	v7 =	vld.idx.msk [tilespmem:v0+s15+$0x1D0 ss:$0x1], $0xffff  }
0x9d: {  	v9 =	vadd.f32 v15, v14;
	v14 =	vld [tilespmem:s15+$0x81D0]  }
0x9e: {  	v12 =	vadd.f32 v6, v12;
	v6 =	vld [tilespmem:s15+$0x8160]  }
0x9f: {  	v8 =	vadd.f32 v16, v8;
	[tilespmem:s15+$0x8040] =	vst v9;
	v9 =	vld.idx.msk [tilespmem:v0+s29+$0x70 ss:$0x1], $0xffff  }
0xa0: {  	v15 =	vld.idx.msk [tilespmem:v0+s15+$0x50 ss:$0x1], $0xffff;
	[tilespmem:s15+$0x80C0] =	vst v12  }
0xa1: {  	v12 =	vld.idx.msk [tilespmem:v0+s15+$0xD0 ss:$0x1], $0xffff;
	[tilespmem:s15+$0x8140] =	vst v8  }
0xa2: {  	v8 =	vld.idx.msk [tilespmem:v0+s15+$0x150 ss:$0x1], $0xffff;
	v7 =	vadd.f32 v7, v14  }
0xa3: {  	v14 =	vld.idx.msk [tilespmem:v0+s29+$0xF0 ss:$0x1], $0xffff  }
0xa4: {  	[tilespmem:s15+$0x81D0] =	vst v7;
	v16 =	vld.idx.msk [tilespmem:v0+s29+$0x170 ss:$0x1], $0xffff  }
0xa5: {  	v7 =	vadd.f32 v9, v1;
	v17 =	vld.idx.msk [tilespmem:v0+s15+$0x1E0 ss:$0x1], $0xffff  }
0xa6: {  	v9 =	vadd.f32 v15, v10;
	v10 =	vld [tilespmem:s15+$0x81E0]  }
0xa7: {  	v11 =	vadd.f32 v12, v11;
	v1 =	vld [tilespmem:s15+$0x8070];
	[tilespmem:s29+$0x8070] =	vst v7  }
0xa8: {  	[tilespmem:s15+$0x8050] =	vst v9;
	v12 =	vld [tilespmem:s15+$0x80F0];
	v9 =	vadd.f32 v8, v13  }
.Ltmp0:
0xa9: {  	v2 =	vadd.f32 v14, v2;
	v7 =	vld.idx.msk [tilespmem:v0+s15+$0x60 ss:$0x1], $0xffff;
	[tilespmem:s15+$0x80D0] =	vst v11;
	(pc) =	sbr.rel @p1 .LBB2_3-.Ltmp0, $4  }
0xaa: {  	v11 =	vadd.f32 v16, v3;
	v8 =	vld.idx.msk [tilespmem:v0+s15+$0xE0 ss:$0x1], $0xffff;
	[tilespmem:s15+$0x8150] =	vst v9  }
0xab: {  	v9 =	vld.idx.msk [tilespmem:v0+s15+$0x160 ss:$0x1], $0xffff;
	v10 =	vadd.f32 v17, v10;
	[tilespmem:s29+$0x80F0] =	vst v2  }
0xac: {  	v3 =	vld [tilespmem:s15+$0x8170];
	[tilespmem:s29+$0x8170] =	vst v11;
	s29 =	smov.u32 s15  }
0xad: {  	s13 =	sadd.s32 $0x800, s13;
	[tilespmem:s29+$0x81E0] =	vst v10;
	v10 =	vld [tilespmem:s29+$0x81F0];
	v2 =	vmov v12  }
0xae: {  	_ =	sdelay $0x1  }
0xaf: {  	v4 =	vadd.f32 v7, v4  }
0xb0: {  	v5 =	vadd.f32 v8, v5  }
0xb1: {  	v7 =	vld.idx.msk [tilespmem:v0+s29+$0x1F0 ss:$0x1], $0xffff;
	[tilespmem:s29+$0x8060] =	vst v4;
	v4 =	vadd.f32 v9, v6  }
0xb2: {  	[tilespmem:s29+$0x80E0] =	vst v5;
	v5 =	vld.idx.msk [tilespmem:v0+s29+$0x70 ss:$0x1], $0xffff  }
0xb3: {  	[tilespmem:s29+$0x8160] =	vst v4;
	v4 =	vld.idx.msk [tilespmem:v0+s29+$0xF0 ss:$0x1], $0xffff  }
0xb4: {  	v0 =	vld.idx.msk [tilespmem:v0+s29+$0x170 ss:$0x1], $0xffff;
	_ =	sdelay $0x1  }
0xb5: {  	v6 =	vadd.f32 v7, v10  }
0xb6: {  	s13 =	smul.u32 $0x190, s8;
	v1 =	vadd.f32 v5, v1  }
0xb7: {  	[tilespmem:s29+$0x81F0] =	vst v6;
	v2 =	vadd.f32 v4, v2  }
0xb8: {  	s13 =	sadd.s32 s6, s13;
	[tilespmem:s29+$0x8070] =	vst v1;
	v0 =	vadd.f32 v0, v3  }
0xb9: {  	s30 =	sadd.s32 $0x3, s9;
	s13 =	sshll.u32 s13, $0x4;
	[tilespmem:s29+$0x80F0] =	vst v2  }
0xba: {  	s18 =	simm.s32 $0x8000;
	s15 =	smulhi.u32 $0xAAAAAAAB, s30;
	s13 =	sadd.s32 s5, s13;
	[tilespmem:s29+$0x8170] =	vst v0  }
0xbb: {  	[hbm4b:s13+s3] =	stream.linear.scatter [tilespmem:s18], [sflag:$0x6], $0x2800, $0x38;
	[tilespmem:$0x1C000] =	vst v63  }
0xbc: {  	s18 =	sshrl.u32 s15, $0x1  }
0xbd: {  	s15 =	simm.s32 @!p0 $0x9;
	s13 =	smul.u32 $0x3, s18  }
0xbe: {  	_ =	swait.ge @!p0 [sflag:s15], $0x2800  }
0xbf: {  	[sflag:s15] =	ssyncset.done @!p0 $0x0;
	s13 =	ssub.s32 s30, s13  }
0xc0: {  	s18 =	sshll.u32 s30, $0x7;
	[sflag:s15] =	ssyncadd.s32 @!p0 $0xFFFFD800;
	s13 =	smul.u32 $0xA000, s13  }
0xc1: {  	[tilespmem:s20], [sflag:$0x4] =	stream.indirect.gather [hbm4b:s1+s12], $0x80, s18, s12, $0xb8;
	[tilespmem:$0x1C000] =	vst v63  }
0xc2: {  	s13 =	sshrl.u32 s13, $0x2  }
0xc3: {  	s15 =	sadd.s32 $0x4000, s18;
	s13 =	sadd.s32 $0x14800, s13  }
0xc4: {  	[tilespmem:s13], [sflag:$0x4] =	stream.indirect.gather [hbm4b:s4+s12], $0x80, s15, s12, $0xb8;
	[tilespmem:$0x1C000] =	vst v63  }
0xc5: {  	_ =	swait.ge [sflag:s21], $0x2800  }
0xc6: {  	v0 =	vmov s0;
	[sflag:s21] =	ssyncset.done $0x0  }
0xc7: {  	[sflag:s21] =	ssyncadd.s32 $0xFFFFD800  }
0xc8: {  	_ =	swait.ge [sflag:s21], $0x2800  }
0xc9: {  	[sflag:s21] =	ssyncset.done $0x0  }
0xca: {  	s0 =	simm.s32 $0x0;
	[sflag:s21] =	ssyncadd.s32 $0xFFFFD800  }
0xcb: {  	v1 =	vld.idx.msk [tilespmem:v0+s0+$0x2980 ss:$0x1], $0xffff  }
0xcc: {  	v2 =	vld [tilespmem:s0+$0xA980]  }
0xcd: {  	v3 =	vld.idx.msk [tilespmem:v0+s0+$0x2800 ss:$0x1], $0xffff  }
0xce: {  	v4 =	vld.idx.msk [tilespmem:v0+s0+$0x2880 ss:$0x1], $0xffff  }
0xcf: {  	v5 =	vld.idx.msk [tilespmem:v0+s0+$0x2900 ss:$0x1], $0xffff  }
0xd0: {  	v6 =	vld [tilespmem:s0+$0xA800]  }
0xd1: {  	v7 =	vld [tilespmem:s0+$0xA900]  }
0xd2: {  	v8 =	vld [tilespmem:s0+$0xA990]  }
0xd3: {  	v9 =	vld [tilespmem:s0+$0xA810]  }
0xd4: {  	v1 =	vadd.f32 v1, v2;
	v2 =	vld [tilespmem:s0+$0xA880]  }
0xd5: {  	v10 =	vld [tilespmem:s0+$0xA8B0]  }
0xd6: {  	v11 =	vld [tilespmem:s0+$0xA930];
	v3 =	vadd.f32 v3, v6;
	[tilespmem:s0+$0xA980] =	vst v1  }
0xd7: {  	v1 =	vld.idx.msk [tilespmem:v0+s0+$0x2990 ss:$0x1], $0xffff  }
0xd8: {  	[tilespmem:s0+$0xA800] =	vst v3;
	v3 =	vadd.f32 v5, v7;
	v5 =	vld [tilespmem:s0+$0xA910]  }
0xd9: {  	v6 =	vld.idx.msk [tilespmem:v0+s0+$0x2810 ss:$0x1], $0xffff;
	v2 =	vadd.f32 v4, v2  }
0xda: {  	[tilespmem:s0+$0xA900] =	vst v3;
	v4 =	vld [tilespmem:s0+$0xA890]  }
0xdb: {  	v3 =	vld.idx.msk [tilespmem:v0+s0+$0x2910 ss:$0x1], $0xffff;
	[tilespmem:s0+$0xA880] =	vst v2  }
0xdc: {  	v1 =	vadd.f32 v1, v8;
	v2 =	vld.idx.msk [tilespmem:v0+s0+$0x2890 ss:$0x1], $0xffff  }
0xdd: {  	v7 =	vld [tilespmem:s0+$0xA9A0]  }
0xde: {  	v8 =	vld [tilespmem:s0+$0xA820];
	v6 =	vadd.f32 v6, v9;
	[tilespmem:s0+$0xA990] =	vst v1  }
0xdf: {  	v1 =	vld.idx.msk [tilespmem:v0+s0+$0x29A0 ss:$0x1], $0xffff  }
0xe0: {  	v9 =	vld [tilespmem:s0+$0xA8A0];
	[tilespmem:s0+$0xA810] =	vst v6;
	v3 =	vadd.f32 v3, v5  }
0xe1: {  	v5 =	vld.idx.msk [tilespmem:v0+s0+$0x2820 ss:$0x1], $0xffff;
	v2 =	vadd.f32 v2, v4  }
0xe2: {  	[tilespmem:s0+$0xA910] =	vst v3;
	v4 =	vld [tilespmem:s0+$0xA920]  }
0xe3: {  	v3 =	vld.idx.msk [tilespmem:v0+s0+$0x2920 ss:$0x1], $0xffff;
	[tilespmem:s0+$0xA890] =	vst v2  }
0xe4: {  	v1 =	vadd.f32 v1, v7;
	v2 =	vld.idx.msk [tilespmem:v0+s0+$0x28A0 ss:$0x1], $0xffff  }
0xe5: {  	v12 =	vld [tilespmem:s0+$0xA850]  }
0xe6: {  	v7 =	vld [tilespmem:s0+$0xA9B0];
	[tilespmem:s0+$0xA9A0] =	vst v1  }
0xe7: {  	v5 =	vadd.f32 v5, v8;
	v1 =	vld.idx.msk [tilespmem:v0+s0+$0x29B0 ss:$0x1], $0xffff  }
0xe8: {  	v13 =	vld [tilespmem:s0+$0xA9D0];
	v3 =	vadd.f32 v3, v4  }
0xe9: {  	v6 =	vld [tilespmem:s0+$0xA830];
	[tilespmem:s0+$0xA820] =	vst v5;
	v2 =	vadd.f32 v2, v9  }
0xea: {  	v4 =	vld.idx.msk [tilespmem:v0+s0+$0x2830 ss:$0x1], $0xffff;
	[tilespmem:s0+$0xA920] =	vst v3  }
0xeb: {  	v3 =	vld.idx.msk [tilespmem:v0+s0+$0x2930 ss:$0x1], $0xffff;
	[tilespmem:s0+$0xA8A0] =	vst v2  }
0xec: {  	v1 =	vadd.f32 v1, v7;
	v2 =	vld.idx.msk [tilespmem:v0+s0+$0x28B0 ss:$0x1], $0xffff  }
0xed: {  	v8 =	vld [tilespmem:s0+$0xA840]  }
0xee: {  	v5 =	vld [tilespmem:s0+$0xA9C0];
	[tilespmem:s0+$0xA9B0] =	vst v1  }
0xef: {  	v4 =	vadd.f32 v4, v6;
	v1 =	vld.idx.msk [tilespmem:v0+s0+$0x29C0 ss:$0x1], $0xffff  }
0xf0: {  	v9 =	vld [tilespmem:s0+$0xA8C0];
	v3 =	vadd.f32 v3, v11  }
0xf1: {  	v7 =	vld [tilespmem:s0+$0xA940];
	[tilespmem:s0+$0xA830] =	vst v4;
	v2 =	vadd.f32 v2, v10  }
0xf2: {  	v6 =	vld.idx.msk [tilespmem:v0+s0+$0x2840 ss:$0x1], $0xffff;
	[tilespmem:s0+$0xA930] =	vst v3  }
0xf3: {  	v3 =	vld.idx.msk [tilespmem:v0+s0+$0x2940 ss:$0x1], $0xffff;
	[tilespmem:s0+$0xA8B0] =	vst v2  }
0xf4: {  	v1 =	vadd.f32 v1, v5;
	v2 =	vld.idx.msk [tilespmem:v0+s0+$0x28C0 ss:$0x1], $0xffff  }
0xf5: {  	v14 =	vld [tilespmem:s0+$0xA9E0]  }
0xf6: {  	v11 =	vld [tilespmem:s0+$0xA950];
	[tilespmem:s0+$0xA9C0] =	vst v1  }
0xf7: {  	v8 =	vadd.f32 v6, v8;
	v1 =	vld.idx.msk [tilespmem:v0+s0+$0x29D0 ss:$0x1], $0xffff  }
0xf8: {  	v4 =	vld [tilespmem:s0+$0xA860];
	v3 =	vadd.f32 v3, v7  }
0xf9: {  	v10 =	vld [tilespmem:s0+$0xA8D0];
	[tilespmem:s0+$0xA840] =	vst v8;
	v2 =	vadd.f32 v2, v9  }
0xfa: {  	v7 =	vld.idx.msk [tilespmem:v0+s0+$0x2850 ss:$0x1], $0xffff;
	[tilespmem:s0+$0xA940] =	vst v3  }
0xfb: {  	v8 =	vld.idx.msk [tilespmem:v0+s0+$0x2950 ss:$0x1], $0xffff;
	[tilespmem:s0+$0xA8C0] =	vst v2  }
0xfc: {  	v1 =	vadd.f32 v1, v13;
	v2 =	vld.idx.msk [tilespmem:v0+s0+$0x28D0 ss:$0x1], $0xffff  }
0xfd: {  	v5 =	vld [tilespmem:s0+$0xA8E0]  }
0xfe: {  	v6 =	vld [tilespmem:s0+$0xA960];
	[tilespmem:s0+$0xA9D0] =	vst v1  }
0xff: {  	v3 =	vadd.f32 v7, v12;
	v63 =	vld.idx.msk [tilespmem:v0+s0+$0x29E0 ss:$0x1], $0xffff  }
0x100: {  	v1 =	vld [tilespmem:s0+$0xA870];
	v8 =	vadd.f32 v8, v11  }
0x101: {  	[tilespmem:s0+$0xA850] =	vst v3;
	v3 =	vld [tilespmem:s0+$0xA8F0];
	v2 =	vadd.f32 v2, v10  }
0x102: {  	v7 =	vld.idx.msk [tilespmem:v0+s0+$0x2860 ss:$0x1], $0xffff;
	[tilespmem:s0+$0xA950] =	vst v8  }
0x103: {  	v10 =	vld.idx.msk [tilespmem:v0+s0+$0x2960 ss:$0x1], $0xffff;
	[tilespmem:s0+$0xA8D0] =	vst v2  }
0x104: {  	v9 =	vld.idx.msk [tilespmem:v0+s0+$0x28E0 ss:$0x1], $0xffff;
	v8 =	vadd.f32 v63, v14  }
0x105: {  	v2 =	vld [tilespmem:s0+$0xA970]  }
0x106: {  	s29 =	sadd.s32 $0x1, s9;
	s13 =	simm.s32 $0x0;
	s15 =	simm.s32 $0x800;
	[tilespmem:s0+$0xA9E0] =	vst v8;
	v8 =	vld [tilespmem:s0+$0xA9F0]  }
.LBB2_5:
0x107: {  	s18 =	sshra.s32 s15, $0x2;
	s13 =	sadd.s32 $0x4, s13;
	v11 =	vld.idx.msk [tilespmem:v0+s0+$0x29F0 ss:$0x1], $0xffff  }
0x108: {  	v4 =	vadd.f32 v7, v4;
	v12 =	vld.idx.msk [tilespmem:v0+s18+$0x2980 ss:$0x1], $0xffff;
	p1 =	slt.u32 s13, $0x4C  }
0x109: {  	v5 =	vadd.f32 v9, v5;
	v7 =	vld [tilespmem:s18+$0xA980]  }
0x10a: {  	v9 =	vld.idx.msk [tilespmem:v0+s18+$0x2800 ss:$0x1], $0xffff;
	[tilespmem:s0+$0xA860] =	vst v4;
	v4 =	vadd.f32 v10, v6  }
0x10b: {  	v6 =	vld.idx.msk [tilespmem:v0+s18+$0x2880 ss:$0x1], $0xffff;
	[tilespmem:s0+$0xA8E0] =	vst v5  }
0x10c: {  	v5 =	vld.idx.msk [tilespmem:v0+s18+$0x2900 ss:$0x1], $0xffff;
	[tilespmem:s0+$0xA960] =	vst v4  }
0x10d: {  	v8 =	vadd.f32 v11, v8;
	v4 =	vld [tilespmem:s18+$0xA800]  }
0x10e: {  	v10 =	vld [tilespmem:s18+$0xA880];
	v7 =	vadd.f32 v12, v7  }
0x10f: {  	v11 =	vld [tilespmem:s18+$0xA900];
	[tilespmem:s0+$0xA9F0] =	vst v8  }
0x110: {  	v8 =	vld [tilespmem:s18+$0xA810];
	[tilespmem:s18+$0xA980] =	vst v7  }
0x111: {  	v7 =	vld.idx.msk [tilespmem:v0+s18+$0x2990 ss:$0x1], $0xffff  }
0x112: {  	v4 =	vadd.f32 v9, v4;
	v9 =	vld [tilespmem:s18+$0xA990]  }
0x113: {  	v6 =	vadd.f32 v6, v10;
	v10 =	vld [tilespmem:s18+$0xA890]  }
0x114: {  	[tilespmem:s18+$0xA800] =	vst v4;
	v4 =	vadd.f32 v5, v11;
	v5 =	vld [tilespmem:s18+$0xA910]  }
0x115: {  	v11 =	vld.idx.msk [tilespmem:v0+s18+$0x2810 ss:$0x1], $0xffff;
	[tilespmem:s18+$0xA880] =	vst v6  }
0x116: {  	v6 =	vld.idx.msk [tilespmem:v0+s18+$0x2890 ss:$0x1], $0xffff;
	[tilespmem:s18+$0xA900] =	vst v4  }
0x117: {  	v4 =	vld.idx.msk [tilespmem:v0+s18+$0x2910 ss:$0x1], $0xffff;
	v7 =	vadd.f32 v7, v9  }
0x118: {  	v9 =	vld [tilespmem:s18+$0xA820]  }
0x119: {  	v12 =	vld [tilespmem:s18+$0xA8A0];
	[tilespmem:s18+$0xA990] =	vst v7  }
0x11a: {  	v7 =	vld.idx.msk [tilespmem:v0+s18+$0x29A0 ss:$0x1], $0xffff  }
0x11b: {  	v8 =	vadd.f32 v11, v8;
	v11 =	vld [tilespmem:s18+$0xA9A0]  }
0x11c: {  	v6 =	vadd.f32 v6, v10;
	v10 =	vld [tilespmem:s18+$0xA920]  }
0x11d: {  	v4 =	vadd.f32 v4, v5;
	[tilespmem:s18+$0xA810] =	vst v8;
	v8 =	vld [tilespmem:s18+$0xA830]  }
0x11e: {  	v5 =	vld.idx.msk [tilespmem:v0+s18+$0x2820 ss:$0x1], $0xffff;
	[tilespmem:s18+$0xA890] =	vst v6  }
0x11f: {  	v6 =	vld.idx.msk [tilespmem:v0+s18+$0x28A0 ss:$0x1], $0xffff;
	[tilespmem:s18+$0xA910] =	vst v4  }
0x120: {  	v4 =	vld.idx.msk [tilespmem:v0+s18+$0x2920 ss:$0x1], $0xffff;
	v7 =	vadd.f32 v7, v11  }
0x121: {  	v11 =	vld [tilespmem:s18+$0xA8B0]  }
0x122: {  	v13 =	vld [tilespmem:s18+$0xA930];
	[tilespmem:s18+$0xA9A0] =	vst v7  }
0x123: {  	v7 =	vld.idx.msk [tilespmem:v0+s18+$0x29B0 ss:$0x1], $0xffff  }
0x124: {  	v5 =	vadd.f32 v5, v9;
	v9 =	vld [tilespmem:s18+$0xA9B0]  }
0x125: {  	v6 =	vadd.f32 v6, v12;
	v14 =	vld [tilespmem:s18+$0xA840]  }
0x126: {  	v4 =	vadd.f32 v4, v10;
	[tilespmem:s18+$0xA820] =	vst v5;
	v12 =	vld [tilespmem:s18+$0xA8C0]  }
0x127: {  	v5 =	vld.idx.msk [tilespmem:v0+s18+$0x2830 ss:$0x1], $0xffff;
	[tilespmem:s18+$0xA8A0] =	vst v6  }
0x128: {  	v6 =	vld.idx.msk [tilespmem:v0+s18+$0x28B0 ss:$0x1], $0xffff;
	[tilespmem:s18+$0xA920] =	vst v4  }
0x129: {  	v4 =	vld.idx.msk [tilespmem:v0+s18+$0x2930 ss:$0x1], $0xffff;
	v7 =	vadd.f32 v7, v9  }
0x12a: {  	v9 =	vld [tilespmem:s18+$0xA940]  }
0x12b: {  	v10 =	vld [tilespmem:s18+$0xA850];
	[tilespmem:s18+$0xA9B0] =	vst v7  }
0x12c: {  	v7 =	vld.idx.msk [tilespmem:v0+s18+$0x29C0 ss:$0x1], $0xffff  }
0x12d: {  	v5 =	vadd.f32 v5, v8;
	v8 =	vld [tilespmem:s18+$0xA9C0]  }
0x12e: {  	v6 =	vadd.f32 v6, v11;
	v11 =	vld [tilespmem:s18+$0xA8D0]  }
0x12f: {  	v4 =	vadd.f32 v4, v13;
	[tilespmem:s18+$0xA830] =	vst v5;
	v13 =	vld [tilespmem:s18+$0xA950]  }
0x130: {  	v15 =	vld.idx.msk [tilespmem:v0+s18+$0x2840 ss:$0x1], $0xffff;
	[tilespmem:s18+$0xA8B0] =	vst v6  }
0x131: {  	v6 =	vld.idx.msk [tilespmem:v0+s18+$0x28C0 ss:$0x1], $0xffff;
	[tilespmem:s18+$0xA930] =	vst v4  }
0x132: {  	v16 =	vld.idx.msk [tilespmem:v0+s18+$0x2940 ss:$0x1], $0xffff;
	v7 =	vadd.f32 v7, v8  }
0x133: {  	v4 =	vld [tilespmem:s18+$0xA860]  }
0x134: {  	v5 =	vld [tilespmem:s18+$0xA8E0];
	[tilespmem:s18+$0xA9C0] =	vst v7  }
0x135: {  	v7 =	vld.idx.msk [tilespmem:v0+s18+$0x29D0 ss:$0x1], $0xffff  }
0x136: {  	v8 =	vadd.f32 v15, v14;
	v14 =	vld [tilespmem:s18+$0xA9D0]  }
0x137: {  	v12 =	vadd.f32 v6, v12;
	v6 =	vld [tilespmem:s18+$0xA960]  }
0x138: {  	[tilespmem:s18+$0xA840] =	vst v8;
	v8 =	vadd.f32 v16, v9;
	v9 =	vld.idx.msk [tilespmem:v0+s0+$0x2870 ss:$0x1], $0xffff  }
0x139: {  	v15 =	vld.idx.msk [tilespmem:v0+s18+$0x2850 ss:$0x1], $0xffff;
	[tilespmem:s18+$0xA8C0] =	vst v12  }
0x13a: {  	v12 =	vld.idx.msk [tilespmem:v0+s18+$0x28D0 ss:$0x1], $0xffff;
	[tilespmem:s18+$0xA940] =	vst v8  }
0x13b: {  	v8 =	vld.idx.msk [tilespmem:v0+s18+$0x2950 ss:$0x1], $0xffff;
	v7 =	vadd.f32 v7, v14  }
0x13c: {  	v14 =	vld.idx.msk [tilespmem:v0+s0+$0x28F0 ss:$0x1], $0xffff  }
0x13d: {  	[tilespmem:s18+$0xA9D0] =	vst v7;
	v16 =	vld.idx.msk [tilespmem:v0+s0+$0x2970 ss:$0x1], $0xffff  }
0x13e: {  	v7 =	vadd.f32 v9, v1;
	v17 =	vld.idx.msk [tilespmem:v0+s18+$0x29E0 ss:$0x1], $0xffff  }
0x13f: {  	v9 =	vadd.f32 v15, v10;
	v15 =	vld [tilespmem:s18+$0xA9E0]  }
0x140: {  	v10 =	vadd.f32 v12, v11;
	v1 =	vld [tilespmem:s18+$0xA870];
	[tilespmem:s0+$0xA870] =	vst v7  }
0x141: {  	v8 =	vadd.f32 v8, v13;
	[tilespmem:s18+$0xA850] =	vst v9;
	v11 =	vld [tilespmem:s18+$0xA8F0]  }
.Ltmp1:
0x142: {  	v3 =	vadd.f32 v14, v3;
	v7 =	vld.idx.msk [tilespmem:v0+s18+$0x2860 ss:$0x1], $0xffff;
	[tilespmem:s18+$0xA8D0] =	vst v10;
	(pc) =	sbr.rel @p1 .LBB2_5-.Ltmp1, $4  }
0x143: {  	v9 =	vld.idx.msk [tilespmem:v0+s18+$0x28E0 ss:$0x1], $0xffff;
	[tilespmem:s18+$0xA950] =	vst v8;
	v8 =	vadd.f32 v16, v2  }
0x144: {  	v10 =	vld.idx.msk [tilespmem:v0+s18+$0x2960 ss:$0x1], $0xffff;
	v12 =	vadd.f32 v17, v15;
	[tilespmem:s0+$0xA8F0] =	vst v3  }
0x145: {  	v2 =	vld [tilespmem:s18+$0xA970];
	[tilespmem:s0+$0xA970] =	vst v8;
	s0 =	smov.u32 s18  }
0x146: {  	s15 =	sadd.s32 $0x800, s15;
	[tilespmem:s0+$0xA9E0] =	vst v12;
	v8 =	vld [tilespmem:s0+$0xA9F0];
	v3 =	vmov v11  }
0x147: {  	_ =	sdelay $0x1  }
0x148: {  	v4 =	vadd.f32 v7, v4  }
0x149: {  	v5 =	vadd.f32 v9, v5  }
0x14a: {  	v7 =	vld.idx.msk [tilespmem:v0+s0+$0x29F0 ss:$0x1], $0xffff;
	[tilespmem:s0+$0xA860] =	vst v4;
	v4 =	vadd.f32 v10, v6  }
0x14b: {  	[tilespmem:s0+$0xA8E0] =	vst v5;
	v5 =	vld.idx.msk [tilespmem:v0+s0+$0x2870 ss:$0x1], $0xffff  }
0x14c: {  	[tilespmem:s0+$0xA960] =	vst v4;
	v4 =	vld.idx.msk [tilespmem:v0+s0+$0x28F0 ss:$0x1], $0xffff  }
0x14d: {  	v0 =	vld.idx.msk [tilespmem:v0+s0+$0x2970 ss:$0x1], $0xffff;
	_ =	sdelay $0x1  }
0x14e: {  	v6 =	vadd.f32 v7, v8  }
0x14f: {  	s13 =	smul.u32 $0x50, s29;
	v1 =	vadd.f32 v5, v1  }
0x150: {  	[tilespmem:s0+$0xA9F0] =	vst v6;
	v3 =	vadd.f32 v4, v3  }
0x151: {  	s13 =	sadd.s32 s6, s13;
	[tilespmem:s0+$0xA870] =	vst v1;
	v0 =	vadd.f32 v0, v2  }
0x152: {  	s29 =	sadd.s32 $0x4, s9;
	s13 =	sshll.u32 s13, $0x4;
	[tilespmem:s0+$0xA8F0] =	vst v3  }
0x153: {  	s15 =	simm.s32 $0xA800;
	s18 =	smulhi.u32 $0xAAAAAAAB, s29;
	s13 =	sadd.s32 s5, s13;
	[tilespmem:s0+$0xA970] =	vst v0  }
0x154: {  	[hbm4b:s13+s3] =	stream.linear.scatter [tilespmem:s15], [sflag:$0x7], $0x2800, $0x38;
	[tilespmem:$0x1C000] =	vst v63  }
0x155: {  	s15 =	sshrl.u32 s18, $0x1  }
0x156: {  	s13 =	simm.s32 @!p0 $0xA;
	s0 =	smul.u32 $0x3, s15  }
0x157: {  	_ =	swait.ge @!p0 [sflag:s13], $0x2800  }
0x158: {  	[sflag:s13] =	ssyncset.done @!p0 $0x0;
	s0 =	ssub.s32 s29, s0  }
0x159: {  	s18 =	sshll.u32 s29, $0x7;
	[sflag:s13] =	ssyncadd.s32 @!p0 $0xFFFFD800;
	s0 =	smul.u32 $0xA000, s0  }
0x15a: {  	[tilespmem:s22], [sflag:$0x5] =	stream.indirect.gather [hbm4b:s1+s12], $0x80, s18, s12, $0xb8;
	[tilespmem:$0x1C000] =	vst v63  }
0x15b: {  	s0 =	sshrl.u32 s0, $0x2  }
0x15c: {  	s13 =	sadd.s32 $0x4000, s18;
	s0 =	sadd.s32 $0x14800, s0  }
0x15d: {  	[tilespmem:s0], [sflag:$0x5] =	stream.indirect.gather [hbm4b:s4+s12], $0x80, s13, s12, $0xb8;
	[tilespmem:$0x1C000] =	vst v63  }
0x15e: {  	_ =	swait.ge [sflag:s23], $0x2800  }
0x15f: {  	v0 =	vmov s10;
	[sflag:s23] =	ssyncset.done $0x0  }
0x160: {  	[sflag:s23] =	ssyncadd.s32 $0xFFFFD800  }
0x161: {  	_ =	swait.ge [sflag:s23], $0x2800  }
0x162: {  	[sflag:s23] =	ssyncset.done $0x0  }
0x163: {  	s0 =	simm.s32 $0x0;
	[sflag:s23] =	ssyncadd.s32 $0xFFFFD800  }
0x164: {  	v1 =	vld.idx.msk [tilespmem:v0+s0+$0x5180 ss:$0x1], $0xffff  }
0x165: {  	v2 =	vld [tilespmem:s0+$0xD180]  }
0x166: {  	v3 =	vld.idx.msk [tilespmem:v0+s0+$0x5000 ss:$0x1], $0xffff  }
0x167: {  	v4 =	vld.idx.msk [tilespmem:v0+s0+$0x5080 ss:$0x1], $0xffff  }
0x168: {  	v5 =	vld.idx.msk [tilespmem:v0+s0+$0x5100 ss:$0x1], $0xffff  }
0x169: {  	v6 =	vld [tilespmem:s0+$0xD000]  }
0x16a: {  	v7 =	vld [tilespmem:s0+$0xD100]  }
0x16b: {  	v8 =	vld [tilespmem:s0+$0xD190]  }
0x16c: {  	v9 =	vld [tilespmem:s0+$0xD010]  }
0x16d: {  	v1 =	vadd.f32 v1, v2;
	v2 =	vld [tilespmem:s0+$0xD080]  }
0x16e: {  	v10 =	vld [tilespmem:s0+$0xD0B0]  }
0x16f: {  	v11 =	vld [tilespmem:s0+$0xD130];
	v3 =	vadd.f32 v3, v6;
	[tilespmem:s0+$0xD180] =	vst v1  }
0x170: {  	v1 =	vld.idx.msk [tilespmem:v0+s0+$0x5190 ss:$0x1], $0xffff  }
0x171: {  	[tilespmem:s0+$0xD000] =	vst v3;
	v3 =	vadd.f32 v5, v7;
	v5 =	vld [tilespmem:s0+$0xD110]  }
0x172: {  	v6 =	vld.idx.msk [tilespmem:v0+s0+$0x5010 ss:$0x1], $0xffff;
	v2 =	vadd.f32 v4, v2  }
0x173: {  	[tilespmem:s0+$0xD100] =	vst v3;
	v4 =	vld [tilespmem:s0+$0xD090]  }
0x174: {  	v3 =	vld.idx.msk [tilespmem:v0+s0+$0x5110 ss:$0x1], $0xffff;
	[tilespmem:s0+$0xD080] =	vst v2  }
0x175: {  	v1 =	vadd.f32 v1, v8;
	v2 =	vld.idx.msk [tilespmem:v0+s0+$0x5090 ss:$0x1], $0xffff  }
0x176: {  	v7 =	vld [tilespmem:s0+$0xD1A0]  }
0x177: {  	v8 =	vld [tilespmem:s0+$0xD020];
	v6 =	vadd.f32 v6, v9;
	[tilespmem:s0+$0xD190] =	vst v1  }
0x178: {  	v1 =	vld.idx.msk [tilespmem:v0+s0+$0x51A0 ss:$0x1], $0xffff  }
0x179: {  	v9 =	vld [tilespmem:s0+$0xD0A0];
	[tilespmem:s0+$0xD010] =	vst v6;
	v3 =	vadd.f32 v3, v5  }
0x17a: {  	v5 =	vld.idx.msk [tilespmem:v0+s0+$0x5020 ss:$0x1], $0xffff;
	v2 =	vadd.f32 v2, v4  }
0x17b: {  	[tilespmem:s0+$0xD110] =	vst v3;
	v4 =	vld [tilespmem:s0+$0xD120]  }
0x17c: {  	v3 =	vld.idx.msk [tilespmem:v0+s0+$0x5120 ss:$0x1], $0xffff;
	[tilespmem:s0+$0xD090] =	vst v2  }
0x17d: {  	v1 =	vadd.f32 v1, v7;
	v2 =	vld.idx.msk [tilespmem:v0+s0+$0x50A0 ss:$0x1], $0xffff  }
0x17e: {  	v12 =	vld [tilespmem:s0+$0xD050]  }
0x17f: {  	v7 =	vld [tilespmem:s0+$0xD1B0];
	[tilespmem:s0+$0xD1A0] =	vst v1  }
0x180: {  	v5 =	vadd.f32 v5, v8;
	v1 =	vld.idx.msk [tilespmem:v0+s0+$0x51B0 ss:$0x1], $0xffff  }
0x181: {  	v13 =	vld [tilespmem:s0+$0xD1D0];
	v3 =	vadd.f32 v3, v4  }
0x182: {  	v6 =	vld [tilespmem:s0+$0xD030];
	[tilespmem:s0+$0xD020] =	vst v5;
	v2 =	vadd.f32 v2, v9  }
0x183: {  	v4 =	vld.idx.msk [tilespmem:v0+s0+$0x5030 ss:$0x1], $0xffff;
	[tilespmem:s0+$0xD120] =	vst v3  }
0x184: {  	v3 =	vld.idx.msk [tilespmem:v0+s0+$0x5130 ss:$0x1], $0xffff;
	[tilespmem:s0+$0xD0A0] =	vst v2  }
0x185: {  	v1 =	vadd.f32 v1, v7;
	v2 =	vld.idx.msk [tilespmem:v0+s0+$0x50B0 ss:$0x1], $0xffff  }
0x186: {  	v8 =	vld [tilespmem:s0+$0xD040]  }
0x187: {  	v5 =	vld [tilespmem:s0+$0xD1C0];
	[tilespmem:s0+$0xD1B0] =	vst v1  }
0x188: {  	v4 =	vadd.f32 v4, v6;
	v1 =	vld.idx.msk [tilespmem:v0+s0+$0x51C0 ss:$0x1], $0xffff  }
0x189: {  	v9 =	vld [tilespmem:s0+$0xD0C0];
	v3 =	vadd.f32 v3, v11  }
0x18a: {  	v7 =	vld [tilespmem:s0+$0xD140];
	[tilespmem:s0+$0xD030] =	vst v4;
	v2 =	vadd.f32 v2, v10  }
0x18b: {  	v6 =	vld.idx.msk [tilespmem:v0+s0+$0x5040 ss:$0x1], $0xffff;
	[tilespmem:s0+$0xD130] =	vst v3  }
0x18c: {  	v3 =	vld.idx.msk [tilespmem:v0+s0+$0x5140 ss:$0x1], $0xffff;
	[tilespmem:s0+$0xD0B0] =	vst v2  }
0x18d: {  	v1 =	vadd.f32 v1, v5;
	v2 =	vld.idx.msk [tilespmem:v0+s0+$0x50C0 ss:$0x1], $0xffff  }
0x18e: {  	v14 =	vld [tilespmem:s0+$0xD1E0]  }
0x18f: {  	v11 =	vld [tilespmem:s0+$0xD150];
	[tilespmem:s0+$0xD1C0] =	vst v1  }
0x190: {  	v8 =	vadd.f32 v6, v8;
	v1 =	vld.idx.msk [tilespmem:v0+s0+$0x51D0 ss:$0x1], $0xffff  }
0x191: {  	v4 =	vld [tilespmem:s0+$0xD060];
	v3 =	vadd.f32 v3, v7  }
0x192: {  	v10 =	vld [tilespmem:s0+$0xD0D0];
	[tilespmem:s0+$0xD040] =	vst v8;
	v2 =	vadd.f32 v2, v9  }
0x193: {  	v7 =	vld.idx.msk [tilespmem:v0+s0+$0x5050 ss:$0x1], $0xffff;
	[tilespmem:s0+$0xD140] =	vst v3  }
0x194: {  	v8 =	vld.idx.msk [tilespmem:v0+s0+$0x5150 ss:$0x1], $0xffff;
	[tilespmem:s0+$0xD0C0] =	vst v2  }
0x195: {  	v1 =	vadd.f32 v1, v13;
	v2 =	vld.idx.msk [tilespmem:v0+s0+$0x50D0 ss:$0x1], $0xffff  }
0x196: {  	v5 =	vld [tilespmem:s0+$0xD0E0]  }
0x197: {  	v6 =	vld [tilespmem:s0+$0xD160];
	[tilespmem:s0+$0xD1D0] =	vst v1  }
0x198: {  	v3 =	vadd.f32 v7, v12;
	v63 =	vld.idx.msk [tilespmem:v0+s0+$0x51E0 ss:$0x1], $0xffff  }
0x199: {  	v1 =	vld [tilespmem:s0+$0xD070];
	v8 =	vadd.f32 v8, v11  }
0x19a: {  	[tilespmem:s0+$0xD050] =	vst v3;
	v3 =	vld [tilespmem:s0+$0xD0F0];
	v2 =	vadd.f32 v2, v10  }
0x19b: {  	v7 =	vld.idx.msk [tilespmem:v0+s0+$0x5060 ss:$0x1], $0xffff;
	[tilespmem:s0+$0xD150] =	vst v8  }
0x19c: {  	v10 =	vld.idx.msk [tilespmem:v0+s0+$0x5160 ss:$0x1], $0xffff;
	[tilespmem:s0+$0xD0D0] =	vst v2  }
0x19d: {  	v9 =	vld.idx.msk [tilespmem:v0+s0+$0x50E0 ss:$0x1], $0xffff;
	v8 =	vadd.f32 v63, v14  }
0x19e: {  	v2 =	vld [tilespmem:s0+$0xD170]  }
0x19f: {  	s10 =	simm.s32 $0x0;
	s18 =	simm.s32 $0xD000;
	s13 =	simm.s32 $0x800;
	[tilespmem:s0+$0xD1E0] =	vst v8;
	v8 =	vld [tilespmem:s0+$0xD1F0]  }
.LBB2_7:
0x1a0: {  	s15 =	sshra.s32 s13, $0x2;
	s10 =	sadd.s32 $0x4, s10;
	v11 =	vld.idx.msk [tilespmem:v0+s0+$0x51F0 ss:$0x1], $0xffff  }
0x1a1: {  	v4 =	vadd.f32 v7, v4;
	v12 =	vld.idx.msk [tilespmem:v0+s15+$0x5180 ss:$0x1], $0xffff;
	p0 =	slt.u32 s10, $0x4C  }
0x1a2: {  	v5 =	vadd.f32 v9, v5;
	v7 =	vld [tilespmem:s15+$0xD180]  }
0x1a3: {  	v9 =	vld.idx.msk [tilespmem:v0+s15+$0x5000 ss:$0x1], $0xffff;
	[tilespmem:s0+$0xD060] =	vst v4;
	v4 =	vadd.f32 v10, v6  }
0x1a4: {  	v6 =	vld.idx.msk [tilespmem:v0+s15+$0x5080 ss:$0x1], $0xffff;
	[tilespmem:s0+$0xD0E0] =	vst v5  }
0x1a5: {  	v5 =	vld.idx.msk [tilespmem:v0+s15+$0x5100 ss:$0x1], $0xffff;
	[tilespmem:s0+$0xD160] =	vst v4  }
0x1a6: {  	v8 =	vadd.f32 v11, v8;
	v4 =	vld [tilespmem:s15+$0xD000]  }
0x1a7: {  	v10 =	vld [tilespmem:s15+$0xD080];
	v7 =	vadd.f32 v12, v7  }
0x1a8: {  	v11 =	vld [tilespmem:s15+$0xD100];
	[tilespmem:s0+$0xD1F0] =	vst v8  }
0x1a9: {  	v8 =	vld [tilespmem:s15+$0xD010];
	[tilespmem:s15+$0xD180] =	vst v7  }
0x1aa: {  	v7 =	vld.idx.msk [tilespmem:v0+s15+$0x5190 ss:$0x1], $0xffff  }
0x1ab: {  	v4 =	vadd.f32 v9, v4;
	v9 =	vld [tilespmem:s15+$0xD190]  }
0x1ac: {  	v6 =	vadd.f32 v6, v10;
	v10 =	vld [tilespmem:s15+$0xD090]  }
0x1ad: {  	[tilespmem:s15+$0xD000] =	vst v4;
	v4 =	vadd.f32 v5, v11;
	v5 =	vld [tilespmem:s15+$0xD110]  }
0x1ae: {  	v11 =	vld.idx.msk [tilespmem:v0+s15+$0x5010 ss:$0x1], $0xffff;
	[tilespmem:s15+$0xD080] =	vst v6  }
0x1af: {  	v6 =	vld.idx.msk [tilespmem:v0+s15+$0x5090 ss:$0x1], $0xffff;
	[tilespmem:s15+$0xD100] =	vst v4  }
0x1b0: {  	v4 =	vld.idx.msk [tilespmem:v0+s15+$0x5110 ss:$0x1], $0xffff;
	v7 =	vadd.f32 v7, v9  }
0x1b1: {  	v9 =	vld [tilespmem:s15+$0xD020]  }
0x1b2: {  	v12 =	vld [tilespmem:s15+$0xD0A0];
	[tilespmem:s15+$0xD190] =	vst v7  }
0x1b3: {  	v7 =	vld.idx.msk [tilespmem:v0+s15+$0x51A0 ss:$0x1], $0xffff  }
0x1b4: {  	v8 =	vadd.f32 v11, v8;
	v11 =	vld [tilespmem:s15+$0xD1A0]  }
0x1b5: {  	v6 =	vadd.f32 v6, v10;
	v10 =	vld [tilespmem:s15+$0xD120]  }
0x1b6: {  	v4 =	vadd.f32 v4, v5;
	[tilespmem:s15+$0xD010] =	vst v8;
	v8 =	vld [tilespmem:s15+$0xD030]  }
0x1b7: {  	v5 =	vld.idx.msk [tilespmem:v0+s15+$0x5020 ss:$0x1], $0xffff;
	[tilespmem:s15+$0xD090] =	vst v6  }
0x1b8: {  	v6 =	vld.idx.msk [tilespmem:v0+s15+$0x50A0 ss:$0x1], $0xffff;
	[tilespmem:s15+$0xD110] =	vst v4  }
0x1b9: {  	v4 =	vld.idx.msk [tilespmem:v0+s15+$0x5120 ss:$0x1], $0xffff;
	v7 =	vadd.f32 v7, v11  }
0x1ba: {  	v11 =	vld [tilespmem:s15+$0xD0B0]  }
0x1bb: {  	v13 =	vld [tilespmem:s15+$0xD130];
	[tilespmem:s15+$0xD1A0] =	vst v7  }
0x1bc: {  	v7 =	vld.idx.msk [tilespmem:v0+s15+$0x51B0 ss:$0x1], $0xffff  }
0x1bd: {  	v5 =	vadd.f32 v5, v9;
	v9 =	vld [tilespmem:s15+$0xD1B0]  }
0x1be: {  	v6 =	vadd.f32 v6, v12;
	v14 =	vld [tilespmem:s15+$0xD040]  }
0x1bf: {  	v4 =	vadd.f32 v4, v10;
	[tilespmem:s15+$0xD020] =	vst v5;
	v12 =	vld [tilespmem:s15+$0xD0C0]  }
0x1c0: {  	v5 =	vld.idx.msk [tilespmem:v0+s15+$0x5030 ss:$0x1], $0xffff;
	[tilespmem:s15+$0xD0A0] =	vst v6  }
0x1c1: {  	v6 =	vld.idx.msk [tilespmem:v0+s15+$0x50B0 ss:$0x1], $0xffff;
	[tilespmem:s15+$0xD120] =	vst v4  }
0x1c2: {  	v4 =	vld.idx.msk [tilespmem:v0+s15+$0x5130 ss:$0x1], $0xffff;
	v7 =	vadd.f32 v7, v9  }
0x1c3: {  	v9 =	vld [tilespmem:s15+$0xD140]  }
0x1c4: {  	v10 =	vld [tilespmem:s15+$0xD050];
	[tilespmem:s15+$0xD1B0] =	vst v7  }
0x1c5: {  	v7 =	vld.idx.msk [tilespmem:v0+s15+$0x51C0 ss:$0x1], $0xffff  }
0x1c6: {  	v5 =	vadd.f32 v5, v8;
	v8 =	vld [tilespmem:s15+$0xD1C0]  }
0x1c7: {  	v6 =	vadd.f32 v6, v11;
	v11 =	vld [tilespmem:s15+$0xD0D0]  }
0x1c8: {  	v4 =	vadd.f32 v4, v13;
	[tilespmem:s15+$0xD030] =	vst v5;
	v13 =	vld [tilespmem:s15+$0xD150]  }
0x1c9: {  	v15 =	vld.idx.msk [tilespmem:v0+s15+$0x5040 ss:$0x1], $0xffff;
	[tilespmem:s15+$0xD0B0] =	vst v6  }
0x1ca: {  	v6 =	vld.idx.msk [tilespmem:v0+s15+$0x50C0 ss:$0x1], $0xffff;
	[tilespmem:s15+$0xD130] =	vst v4  }
0x1cb: {  	v16 =	vld.idx.msk [tilespmem:v0+s15+$0x5140 ss:$0x1], $0xffff;
	v7 =	vadd.f32 v7, v8  }
0x1cc: {  	v4 =	vld [tilespmem:s15+$0xD060]  }
0x1cd: {  	v5 =	vld [tilespmem:s15+$0xD0E0];
	[tilespmem:s15+$0xD1C0] =	vst v7  }
0x1ce: {  	v7 =	vld.idx.msk [tilespmem:v0+s15+$0x51D0 ss:$0x1], $0xffff  }
0x1cf: {  	v8 =	vadd.f32 v15, v14;
	v14 =	vld [tilespmem:s15+$0xD1D0]  }
0x1d0: {  	v12 =	vadd.f32 v6, v12;
	v6 =	vld [tilespmem:s15+$0xD160]  }
0x1d1: {  	[tilespmem:s15+$0xD040] =	vst v8;
	v8 =	vadd.f32 v16, v9;
	v9 =	vld.idx.msk [tilespmem:v0+s0+$0x5070 ss:$0x1], $0xffff  }
0x1d2: {  	v15 =	vld.idx.msk [tilespmem:v0+s15+$0x5050 ss:$0x1], $0xffff;
	[tilespmem:s15+$0xD0C0] =	vst v12  }
0x1d3: {  	v12 =	vld.idx.msk [tilespmem:v0+s15+$0x50D0 ss:$0x1], $0xffff;
	[tilespmem:s15+$0xD140] =	vst v8  }
0x1d4: {  	v8 =	vld.idx.msk [tilespmem:v0+s15+$0x5150 ss:$0x1], $0xffff;
	v7 =	vadd.f32 v7, v14  }
0x1d5: {  	v14 =	vld.idx.msk [tilespmem:v0+s0+$0x50F0 ss:$0x1], $0xffff  }
0x1d6: {  	[tilespmem:s15+$0xD1D0] =	vst v7;
	v16 =	vld.idx.msk [tilespmem:v0+s0+$0x5170 ss:$0x1], $0xffff  }
0x1d7: {  	v7 =	vadd.f32 v9, v1;
	v17 =	vld.idx.msk [tilespmem:v0+s15+$0x51E0 ss:$0x1], $0xffff  }
0x1d8: {  	v9 =	vadd.f32 v15, v10;
	v15 =	vld [tilespmem:s15+$0xD1E0]  }
0x1d9: {  	v10 =	vadd.f32 v12, v11;
	v1 =	vld [tilespmem:s15+$0xD070];
	[tilespmem:s0+$0xD070] =	vst v7  }
0x1da: {  	v8 =	vadd.f32 v8, v13;
	[tilespmem:s15+$0xD050] =	vst v9;
	v11 =	vld [tilespmem:s15+$0xD0F0]  }
.Ltmp2:
0x1db: {  	v3 =	vadd.f32 v14, v3;
	v7 =	vld.idx.msk [tilespmem:v0+s15+$0x5060 ss:$0x1], $0xffff;
	[tilespmem:s15+$0xD0D0] =	vst v10;
	(pc) =	sbr.rel @p0 .LBB2_7-.Ltmp2, $4  }
0x1dc: {  	v9 =	vld.idx.msk [tilespmem:v0+s15+$0x50E0 ss:$0x1], $0xffff;
	[tilespmem:s15+$0xD150] =	vst v8;
	v8 =	vadd.f32 v16, v2  }
0x1dd: {  	v10 =	vld.idx.msk [tilespmem:v0+s15+$0x5160 ss:$0x1], $0xffff;
	v12 =	vadd.f32 v17, v15;
	[tilespmem:s0+$0xD0F0] =	vst v3  }
0x1de: {  	v2 =	vld [tilespmem:s15+$0xD170];
	[tilespmem:s0+$0xD170] =	vst v8;
	s0 =	smov.u32 s15  }
0x1df: {  	s13 =	sadd.s32 $0x800, s13;
	[tilespmem:s0+$0xD1E0] =	vst v12;
	v8 =	vld [tilespmem:s0+$0xD1F0];
	v3 =	vmov v11  }
0x1e0: {  	_ =	sdelay $0x1  }
0x1e1: {  	v4 =	vadd.f32 v7, v4  }
0x1e2: {  	v5 =	vadd.f32 v9, v5  }
0x1e3: {  	v7 =	vld.idx.msk [tilespmem:v0+s0+$0x51F0 ss:$0x1], $0xffff;
	s10 =	smul.u32 $0x50, s28;
	[tilespmem:s0+$0xD060] =	vst v4;
	v4 =	vadd.f32 v10, v6  }
0x1e4: {  	[tilespmem:s0+$0xD0E0] =	vst v5;
	v5 =	vld.idx.msk [tilespmem:v0+s0+$0x5070 ss:$0x1], $0xffff  }
0x1e5: {  	p0 =	seq.s32 s8, $0x18;
	s10 =	sadd.s32 s6, s10;
	[tilespmem:s0+$0xD160] =	vst v4;
	v4 =	vld.idx.msk [tilespmem:v0+s0+$0x50F0 ss:$0x1], $0xffff  }
0x1e6: {  	s13 =	sadd.s32 @!p0 $0x5, s9;
	s10 =	sshll.u32 s10, $0x4;
	v0 =	vld.idx.msk [tilespmem:v0+s0+$0x5170 ss:$0x1], $0xffff  }
0x1e7: {  	s28 =	sadd.s32 s5, s10;
	s10 =	smulhi.u32 @!p0 $0xAAAAAAAB, s13  }
0x1e8: {  	v6 =	vadd.f32 v7, v8  }
0x1e9: {  	s10 =	sshrl.u32 @!p0 s10, $0x1;
	v1 =	vadd.f32 v5, v1  }
0x1ea: {  	[tilespmem:s0+$0xD1F0] =	vst v6;
	s10 =	smul.u32 @!p0 $0x3, s10;
	v3 =	vadd.f32 v4, v3  }
0x1eb: {  	[tilespmem:s0+$0xD070] =	vst v1;
	v0 =	vadd.f32 v0, v2  }
0x1ec: {  	s10 =	ssub.s32 @!p0 s13, s10;
	[tilespmem:s0+$0xD0F0] =	vst v3  }
0x1ed: {  	s10 =	smul.u32 @!p0 $0xA000, s10;
	[tilespmem:s0+$0xD170] =	vst v0;
	s0 =	simm.s32 @!p0 $0x6  }
0x1ee: {  	[hbm4b:s28+s3] =	stream.linear.scatter [tilespmem:s18], [sflag:$0x8], $0x2800, $0x38;
	[tilespmem:$0x1C000] =	vst v63  }
0x1ef: {  	_ =	swait.ge @!p0 [sflag:s0], $0x2800  }
0x1f0: {  	s15 =	simm.s32 @!p0 $0x8000;
	s10 =	sshrl.u32 @!p0 s10, $0x2;
	[sflag:s0] =	ssyncset.done @!p0 $0x0  }
0x1f1: {  	[sflag:s0] =	ssyncadd.s32 @!p0 $0xFFFFD800;
	s0 =	sshll.u32 @!p0 s13, $0x7;
	s13 =	simm.s32 @!p0 $0x50  }
0x1f2: {  	[tilespmem:s15], [sflag:$0x1] =	stream.indirect.gather @!p0 [hbm4b:s1+s13], $0x80, s0, s13, $0xb8;
	[tilespmem:$0x1C000] =	vst v63  }
0x1f3: {  	s10 =	sadd.s32 @!p0 $0x14800, s10;
	s0 =	sadd.s32 @!p0 $0x4000, s0  }
0x1f4: {  	[tilespmem:s10], [sflag:$0x1] =	stream.indirect.gather @!p0 [hbm4b:s4+s13], $0x80, s0, s13, $0xb8;
	[tilespmem:$0x1C000] =	vst v63  }
0x1f5: {  	_ =	swait.ge [sflag:s24], $0x2800  }
0x1f6: {  	v0 =	vmov s31;
	[sflag:s24] =	ssyncset.done $0x0  }
0x1f7: {  	[sflag:s24] =	ssyncadd.s32 $0xFFFFD800  }
0x1f8: {  	_ =	swait.ge [sflag:s24], $0x2800  }
0x1f9: {  	[sflag:s24] =	ssyncset.done $0x0  }
0x1fa: {  	s0 =	simm.s32 $0x0;
	[sflag:s24] =	ssyncadd.s32 $0xFFFFD800  }
0x1fb: {  	v1 =	vld.idx.msk [tilespmem:v0+s0+$0x7980 ss:$0x1], $0xffff  }
0x1fc: {  	v2 =	vld [tilespmem:s0+$0xF980]  }
0x1fd: {  	v3 =	vld.idx.msk [tilespmem:v0+s0+$0x7800 ss:$0x1], $0xffff  }
0x1fe: {  	v4 =	vld.idx.msk [tilespmem:v0+s0+$0x7880 ss:$0x1], $0xffff  }
0x1ff: {  	v5 =	vld.idx.msk [tilespmem:v0+s0+$0x7900 ss:$0x1], $0xffff  }
0x200: {  	v6 =	vld [tilespmem:s0+$0xF800]  }
0x201: {  	v7 =	vld [tilespmem:s0+$0xF900]  }
0x202: {  	v8 =	vld [tilespmem:s0+$0xF990]  }
0x203: {  	v9 =	vld [tilespmem:s0+$0xF810]  }
0x204: {  	v1 =	vadd.f32 v1, v2;
	v2 =	vld [tilespmem:s0+$0xF880]  }
0x205: {  	v10 =	vld [tilespmem:s0+$0xF8B0]  }
0x206: {  	v11 =	vld [tilespmem:s0+$0xF930];
	v3 =	vadd.f32 v3, v6;
	[tilespmem:s0+$0xF980] =	vst v1  }
0x207: {  	v1 =	vld.idx.msk [tilespmem:v0+s0+$0x7990 ss:$0x1], $0xffff  }
0x208: {  	[tilespmem:s0+$0xF800] =	vst v3;
	v3 =	vadd.f32 v5, v7;
	v5 =	vld [tilespmem:s0+$0xF910]  }
0x209: {  	v6 =	vld.idx.msk [tilespmem:v0+s0+$0x7810 ss:$0x1], $0xffff;
	v2 =	vadd.f32 v4, v2  }
0x20a: {  	[tilespmem:s0+$0xF900] =	vst v3;
	v4 =	vld [tilespmem:s0+$0xF890]  }
0x20b: {  	v3 =	vld.idx.msk [tilespmem:v0+s0+$0x7910 ss:$0x1], $0xffff;
	[tilespmem:s0+$0xF880] =	vst v2  }
0x20c: {  	v1 =	vadd.f32 v1, v8;
	v2 =	vld.idx.msk [tilespmem:v0+s0+$0x7890 ss:$0x1], $0xffff  }
0x20d: {  	v7 =	vld [tilespmem:s0+$0xF9A0]  }
0x20e: {  	v8 =	vld [tilespmem:s0+$0xF820];
	v6 =	vadd.f32 v6, v9;
	[tilespmem:s0+$0xF990] =	vst v1  }
0x20f: {  	v1 =	vld.idx.msk [tilespmem:v0+s0+$0x79A0 ss:$0x1], $0xffff  }
0x210: {  	v9 =	vld [tilespmem:s0+$0xF8A0];
	[tilespmem:s0+$0xF810] =	vst v6;
	v3 =	vadd.f32 v3, v5  }
0x211: {  	v5 =	vld.idx.msk [tilespmem:v0+s0+$0x7820 ss:$0x1], $0xffff;
	v2 =	vadd.f32 v2, v4  }
0x212: {  	[tilespmem:s0+$0xF910] =	vst v3;
	v4 =	vld [tilespmem:s0+$0xF920]  }
0x213: {  	v3 =	vld.idx.msk [tilespmem:v0+s0+$0x7920 ss:$0x1], $0xffff;
	[tilespmem:s0+$0xF890] =	vst v2  }
0x214: {  	v1 =	vadd.f32 v1, v7;
	v2 =	vld.idx.msk [tilespmem:v0+s0+$0x78A0 ss:$0x1], $0xffff  }
0x215: {  	v12 =	vld [tilespmem:s0+$0xF850]  }
0x216: {  	v7 =	vld [tilespmem:s0+$0xF9B0];
	[tilespmem:s0+$0xF9A0] =	vst v1  }
0x217: {  	v5 =	vadd.f32 v5, v8;
	v1 =	vld.idx.msk [tilespmem:v0+s0+$0x79B0 ss:$0x1], $0xffff  }
0x218: {  	v13 =	vld [tilespmem:s0+$0xF9D0];
	v3 =	vadd.f32 v3, v4  }
0x219: {  	v6 =	vld [tilespmem:s0+$0xF830];
	[tilespmem:s0+$0xF820] =	vst v5;
	v2 =	vadd.f32 v2, v9  }
0x21a: {  	v4 =	vld.idx.msk [tilespmem:v0+s0+$0x7830 ss:$0x1], $0xffff;
	[tilespmem:s0+$0xF920] =	vst v3  }
0x21b: {  	v3 =	vld.idx.msk [tilespmem:v0+s0+$0x7930 ss:$0x1], $0xffff;
	[tilespmem:s0+$0xF8A0] =	vst v2  }
0x21c: {  	v1 =	vadd.f32 v1, v7;
	v2 =	vld.idx.msk [tilespmem:v0+s0+$0x78B0 ss:$0x1], $0xffff  }
0x21d: {  	v8 =	vld [tilespmem:s0+$0xF840]  }
0x21e: {  	v5 =	vld [tilespmem:s0+$0xF9C0];
	[tilespmem:s0+$0xF9B0] =	vst v1  }
0x21f: {  	v4 =	vadd.f32 v4, v6;
	v1 =	vld.idx.msk [tilespmem:v0+s0+$0x79C0 ss:$0x1], $0xffff  }
0x220: {  	v9 =	vld [tilespmem:s0+$0xF8C0];
	v3 =	vadd.f32 v3, v11  }
0x221: {  	v7 =	vld [tilespmem:s0+$0xF940];
	[tilespmem:s0+$0xF830] =	vst v4;
	v2 =	vadd.f32 v2, v10  }
0x222: {  	v6 =	vld.idx.msk [tilespmem:v0+s0+$0x7840 ss:$0x1], $0xffff;
	[tilespmem:s0+$0xF930] =	vst v3  }
0x223: {  	v3 =	vld.idx.msk [tilespmem:v0+s0+$0x7940 ss:$0x1], $0xffff;
	[tilespmem:s0+$0xF8B0] =	vst v2  }
0x224: {  	v1 =	vadd.f32 v1, v5;
	v2 =	vld.idx.msk [tilespmem:v0+s0+$0x78C0 ss:$0x1], $0xffff  }
0x225: {  	v14 =	vld [tilespmem:s0+$0xF9E0]  }
0x226: {  	v11 =	vld [tilespmem:s0+$0xF950];
	[tilespmem:s0+$0xF9C0] =	vst v1  }
0x227: {  	v8 =	vadd.f32 v6, v8;
	v1 =	vld.idx.msk [tilespmem:v0+s0+$0x79D0 ss:$0x1], $0xffff  }
0x228: {  	v4 =	vld [tilespmem:s0+$0xF860];
	v3 =	vadd.f32 v3, v7  }
0x229: {  	v10 =	vld [tilespmem:s0+$0xF8D0];
	[tilespmem:s0+$0xF840] =	vst v8;
	v2 =	vadd.f32 v2, v9  }
0x22a: {  	v7 =	vld.idx.msk [tilespmem:v0+s0+$0x7850 ss:$0x1], $0xffff;
	[tilespmem:s0+$0xF940] =	vst v3  }
0x22b: {  	v8 =	vld.idx.msk [tilespmem:v0+s0+$0x7950 ss:$0x1], $0xffff;
	[tilespmem:s0+$0xF8C0] =	vst v2  }
0x22c: {  	v1 =	vadd.f32 v1, v13;
	v2 =	vld.idx.msk [tilespmem:v0+s0+$0x78D0 ss:$0x1], $0xffff  }
0x22d: {  	v5 =	vld [tilespmem:s0+$0xF8E0]  }
0x22e: {  	v6 =	vld [tilespmem:s0+$0xF960];
	[tilespmem:s0+$0xF9D0] =	vst v1  }
0x22f: {  	v3 =	vadd.f32 v7, v12;
	v63 =	vld.idx.msk [tilespmem:v0+s0+$0x79E0 ss:$0x1], $0xffff  }
0x230: {  	v1 =	vld [tilespmem:s0+$0xF870];
	v8 =	vadd.f32 v8, v11  }
0x231: {  	[tilespmem:s0+$0xF850] =	vst v3;
	v3 =	vld [tilespmem:s0+$0xF8F0];
	v2 =	vadd.f32 v2, v10  }
0x232: {  	v7 =	vld.idx.msk [tilespmem:v0+s0+$0x7860 ss:$0x1], $0xffff;
	[tilespmem:s0+$0xF950] =	vst v8  }
0x233: {  	v10 =	vld.idx.msk [tilespmem:v0+s0+$0x7960 ss:$0x1], $0xffff;
	[tilespmem:s0+$0xF8D0] =	vst v2  }
0x234: {  	v9 =	vld.idx.msk [tilespmem:v0+s0+$0x78E0 ss:$0x1], $0xffff;
	v8 =	vadd.f32 v63, v14  }
0x235: {  	v2 =	vld [tilespmem:s0+$0xF970]  }
0x236: {  	s10 =	simm.s32 $0x0;
	s13 =	simm.s32 $0x800;
	[tilespmem:s0+$0xF9E0] =	vst v8;
	v8 =	vld [tilespmem:s0+$0xF9F0]  }
.LBB2_9:
0x237: {  	s15 =	sshra.s32 s13, $0x2;
	s10 =	sadd.s32 $0x4, s10;
	v11 =	vld.idx.msk [tilespmem:v0+s0+$0x79F0 ss:$0x1], $0xffff  }
0x238: {  	v4 =	vadd.f32 v7, v4;
	v12 =	vld.idx.msk [tilespmem:v0+s15+$0x7980 ss:$0x1], $0xffff;
	p1 =	slt.u32 s10, $0x4C  }
0x239: {  	v5 =	vadd.f32 v9, v5;
	v7 =	vld [tilespmem:s15+$0xF980]  }
0x23a: {  	v9 =	vld.idx.msk [tilespmem:v0+s15+$0x7800 ss:$0x1], $0xffff;
	[tilespmem:s0+$0xF860] =	vst v4;
	v4 =	vadd.f32 v10, v6  }
0x23b: {  	v6 =	vld.idx.msk [tilespmem:v0+s15+$0x7880 ss:$0x1], $0xffff;
	[tilespmem:s0+$0xF8E0] =	vst v5  }
0x23c: {  	v5 =	vld.idx.msk [tilespmem:v0+s15+$0x7900 ss:$0x1], $0xffff;
	[tilespmem:s0+$0xF960] =	vst v4  }
0x23d: {  	v8 =	vadd.f32 v11, v8;
	v4 =	vld [tilespmem:s15+$0xF800]  }
0x23e: {  	v10 =	vld [tilespmem:s15+$0xF880];
	v7 =	vadd.f32 v12, v7  }
0x23f: {  	v11 =	vld [tilespmem:s15+$0xF900];
	[tilespmem:s0+$0xF9F0] =	vst v8  }
0x240: {  	v8 =	vld [tilespmem:s15+$0xF810];
	[tilespmem:s15+$0xF980] =	vst v7  }
0x241: {  	v7 =	vld.idx.msk [tilespmem:v0+s15+$0x7990 ss:$0x1], $0xffff  }
0x242: {  	v4 =	vadd.f32 v9, v4;
	v9 =	vld [tilespmem:s15+$0xF990]  }
0x243: {  	v6 =	vadd.f32 v6, v10;
	v10 =	vld [tilespmem:s15+$0xF890]  }
0x244: {  	[tilespmem:s15+$0xF800] =	vst v4;
	v4 =	vadd.f32 v5, v11;
	v5 =	vld [tilespmem:s15+$0xF910]  }
0x245: {  	v11 =	vld.idx.msk [tilespmem:v0+s15+$0x7810 ss:$0x1], $0xffff;
	[tilespmem:s15+$0xF880] =	vst v6  }
0x246: {  	v6 =	vld.idx.msk [tilespmem:v0+s15+$0x7890 ss:$0x1], $0xffff;
	[tilespmem:s15+$0xF900] =	vst v4  }
0x247: {  	v4 =	vld.idx.msk [tilespmem:v0+s15+$0x7910 ss:$0x1], $0xffff;
	v7 =	vadd.f32 v7, v9  }
0x248: {  	v9 =	vld [tilespmem:s15+$0xF820]  }
0x249: {  	v12 =	vld [tilespmem:s15+$0xF8A0];
	[tilespmem:s15+$0xF990] =	vst v7  }
0x24a: {  	v7 =	vld.idx.msk [tilespmem:v0+s15+$0x79A0 ss:$0x1], $0xffff  }
0x24b: {  	v8 =	vadd.f32 v11, v8;
	v11 =	vld [tilespmem:s15+$0xF9A0]  }
0x24c: {  	v6 =	vadd.f32 v6, v10;
	v10 =	vld [tilespmem:s15+$0xF920]  }
0x24d: {  	v4 =	vadd.f32 v4, v5;
	[tilespmem:s15+$0xF810] =	vst v8;
	v8 =	vld [tilespmem:s15+$0xF830]  }
0x24e: {  	v5 =	vld.idx.msk [tilespmem:v0+s15+$0x7820 ss:$0x1], $0xffff;
	[tilespmem:s15+$0xF890] =	vst v6  }
0x24f: {  	v6 =	vld.idx.msk [tilespmem:v0+s15+$0x78A0 ss:$0x1], $0xffff;
	[tilespmem:s15+$0xF910] =	vst v4  }
0x250: {  	v4 =	vld.idx.msk [tilespmem:v0+s15+$0x7920 ss:$0x1], $0xffff;
	v7 =	vadd.f32 v7, v11  }
0x251: {  	v11 =	vld [tilespmem:s15+$0xF8B0]  }
0x252: {  	v13 =	vld [tilespmem:s15+$0xF930];
	[tilespmem:s15+$0xF9A0] =	vst v7  }
0x253: {  	v7 =	vld.idx.msk [tilespmem:v0+s15+$0x79B0 ss:$0x1], $0xffff  }
0x254: {  	v5 =	vadd.f32 v5, v9;
	v9 =	vld [tilespmem:s15+$0xF9B0]  }
0x255: {  	v6 =	vadd.f32 v6, v12;
	v14 =	vld [tilespmem:s15+$0xF840]  }
0x256: {  	v4 =	vadd.f32 v4, v10;
	[tilespmem:s15+$0xF820] =	vst v5;
	v12 =	vld [tilespmem:s15+$0xF8C0]  }
0x257: {  	v5 =	vld.idx.msk [tilespmem:v0+s15+$0x7830 ss:$0x1], $0xffff;
	[tilespmem:s15+$0xF8A0] =	vst v6  }
0x258: {  	v6 =	vld.idx.msk [tilespmem:v0+s15+$0x78B0 ss:$0x1], $0xffff;
	[tilespmem:s15+$0xF920] =	vst v4  }
0x259: {  	v4 =	vld.idx.msk [tilespmem:v0+s15+$0x7930 ss:$0x1], $0xffff;
	v7 =	vadd.f32 v7, v9  }
0x25a: {  	v9 =	vld [tilespmem:s15+$0xF940]  }
0x25b: {  	v10 =	vld [tilespmem:s15+$0xF850];
	[tilespmem:s15+$0xF9B0] =	vst v7  }
0x25c: {  	v7 =	vld.idx.msk [tilespmem:v0+s15+$0x79C0 ss:$0x1], $0xffff  }
0x25d: {  	v5 =	vadd.f32 v5, v8;
	v8 =	vld [tilespmem:s15+$0xF9C0]  }
0x25e: {  	v6 =	vadd.f32 v6, v11;
	v11 =	vld [tilespmem:s15+$0xF8D0]  }
0x25f: {  	v4 =	vadd.f32 v4, v13;
	[tilespmem:s15+$0xF830] =	vst v5;
	v13 =	vld [tilespmem:s15+$0xF950]  }
0x260: {  	v15 =	vld.idx.msk [tilespmem:v0+s15+$0x7840 ss:$0x1], $0xffff;
	[tilespmem:s15+$0xF8B0] =	vst v6  }
0x261: {  	v6 =	vld.idx.msk [tilespmem:v0+s15+$0x78C0 ss:$0x1], $0xffff;
	[tilespmem:s15+$0xF930] =	vst v4  }
0x262: {  	v16 =	vld.idx.msk [tilespmem:v0+s15+$0x7940 ss:$0x1], $0xffff;
	v7 =	vadd.f32 v7, v8  }
0x263: {  	v4 =	vld [tilespmem:s15+$0xF860]  }
0x264: {  	v5 =	vld [tilespmem:s15+$0xF8E0];
	[tilespmem:s15+$0xF9C0] =	vst v7  }
0x265: {  	v7 =	vld.idx.msk [tilespmem:v0+s15+$0x79D0 ss:$0x1], $0xffff  }
0x266: {  	v8 =	vadd.f32 v15, v14;
	v14 =	vld [tilespmem:s15+$0xF9D0]  }
0x267: {  	v12 =	vadd.f32 v6, v12;
	v6 =	vld [tilespmem:s15+$0xF960]  }
0x268: {  	[tilespmem:s15+$0xF840] =	vst v8;
	v8 =	vadd.f32 v16, v9;
	v9 =	vld.idx.msk [tilespmem:v0+s0+$0x7870 ss:$0x1], $0xffff  }
0x269: {  	v15 =	vld.idx.msk [tilespmem:v0+s15+$0x7850 ss:$0x1], $0xffff;
	[tilespmem:s15+$0xF8C0] =	vst v12  }
0x26a: {  	v12 =	vld.idx.msk [tilespmem:v0+s15+$0x78D0 ss:$0x1], $0xffff;
	[tilespmem:s15+$0xF940] =	vst v8  }
0x26b: {  	v8 =	vld.idx.msk [tilespmem:v0+s15+$0x7950 ss:$0x1], $0xffff;
	v7 =	vadd.f32 v7, v14  }
0x26c: {  	v14 =	vld.idx.msk [tilespmem:v0+s0+$0x78F0 ss:$0x1], $0xffff  }
0x26d: {  	[tilespmem:s15+$0xF9D0] =	vst v7;
	v16 =	vld.idx.msk [tilespmem:v0+s0+$0x7970 ss:$0x1], $0xffff  }
0x26e: {  	v7 =	vadd.f32 v9, v1;
	v17 =	vld.idx.msk [tilespmem:v0+s15+$0x79E0 ss:$0x1], $0xffff  }
0x26f: {  	v9 =	vadd.f32 v15, v10;
	v15 =	vld [tilespmem:s15+$0xF9E0]  }
0x270: {  	v10 =	vadd.f32 v12, v11;
	v1 =	vld [tilespmem:s15+$0xF870];
	[tilespmem:s0+$0xF870] =	vst v7  }
0x271: {  	v8 =	vadd.f32 v8, v13;
	[tilespmem:s15+$0xF850] =	vst v9;
	v11 =	vld [tilespmem:s15+$0xF8F0]  }
.Ltmp3:
0x272: {  	v3 =	vadd.f32 v14, v3;
	v7 =	vld.idx.msk [tilespmem:v0+s15+$0x7860 ss:$0x1], $0xffff;
	[tilespmem:s15+$0xF8D0] =	vst v10;
	(pc) =	sbr.rel @p1 .LBB2_9-.Ltmp3, $4  }
0x273: {  	v9 =	vld.idx.msk [tilespmem:v0+s15+$0x78E0 ss:$0x1], $0xffff;
	[tilespmem:s15+$0xF950] =	vst v8;
	v8 =	vadd.f32 v16, v2  }
0x274: {  	v10 =	vld.idx.msk [tilespmem:v0+s15+$0x7960 ss:$0x1], $0xffff;
	v12 =	vadd.f32 v17, v15;
	[tilespmem:s0+$0xF8F0] =	vst v3  }
0x275: {  	v2 =	vld [tilespmem:s15+$0xF970];
	[tilespmem:s0+$0xF970] =	vst v8;
	s0 =	smov.u32 s15  }
0x276: {  	s13 =	sadd.s32 $0x800, s13;
	[tilespmem:s0+$0xF9E0] =	vst v12;
	v8 =	vld [tilespmem:s0+$0xF9F0];
	v3 =	vmov v11  }
0x277: {  	_ =	sdelay $0x1  }
0x278: {  	v4 =	vadd.f32 v7, v4  }
0x279: {  	v5 =	vadd.f32 v9, v5  }
0x27a: {  	v7 =	vld.idx.msk [tilespmem:v0+s0+$0x79F0 ss:$0x1], $0xffff;
	[tilespmem:s0+$0xF860] =	vst v4;
	v4 =	vadd.f32 v10, v6  }
0x27b: {  	[tilespmem:s0+$0xF8E0] =	vst v5;
	v5 =	vld.idx.msk [tilespmem:v0+s0+$0x7870 ss:$0x1], $0xffff  }
0x27c: {  	[tilespmem:s0+$0xF960] =	vst v4;
	v4 =	vld.idx.msk [tilespmem:v0+s0+$0x78F0 ss:$0x1], $0xffff  }
0x27d: {  	v0 =	vld.idx.msk [tilespmem:v0+s0+$0x7970 ss:$0x1], $0xffff  }
0x27e: {  	s10 =	smul.u32 $0x50, s30  }
0x27f: {  	v6 =	vadd.f32 v7, v8  }
0x280: {  	s10 =	sadd.s32 s6, s10;
	v1 =	vadd.f32 v5, v1  }
0x281: {  	s9 =	sadd.s32 @!p0 $0x6, s9;
	s10 =	sshll.u32 s10, $0x4;
	[tilespmem:s0+$0xF9F0] =	vst v6;
	v3 =	vadd.f32 v4, v3  }
0x282: {  	s31 =	sadd.s32 s5, s10;
	s10 =	smulhi.u32 @!p0 $0xAAAAAAAB, s9;
	[tilespmem:s0+$0xF870] =	vst v1;
	v0 =	vadd.f32 v0, v2  }
0x283: {  	[tilespmem:s0+$0xF8F0] =	vst v3  }
0x284: {  	s10 =	sshrl.u32 @!p0 s10, $0x1;
	[tilespmem:s0+$0xF970] =	vst v0;
	s0 =	simm.s32 @!p0 $0x7  }
0x285: {  	[hbm4b:s31+s3] =	stream.linear.scatter [tilespmem:s20], [sflag:$0x9], $0x2800, $0x38;
	[tilespmem:$0x1C000] =	vst v63  }
0x286: {  	s10 =	smul.u32 @!p0 $0x3, s10;
	_ =	swait.ge @!p0 [sflag:s0], $0x2800  }
0x287: {  	[sflag:s0] =	ssyncset.done @!p0 $0x0  }
0x288: {  	[sflag:s0] =	ssyncadd.s32 @!p0 $0xFFFFD800;
	s0 =	sshll.u32 @!p0 s9, $0x7;
	s9 =	ssub.s32 @!p0 s9, s10  }
0x289: {  	s13 =	simm.s32 @!p0 $0xA800;
	s10 =	simm.s32 @!p0 $0x50;
	s9 =	smul.u32 @!p0 $0xA000, s9  }
0x28a: {  	[tilespmem:s13], [sflag:$0x2] =	stream.indirect.gather @!p0 [hbm4b:s1+s10], $0x80, s0, s10, $0xb8;
	[tilespmem:$0x1C000] =	vst v63  }
0x28b: {  	s9 =	sshrl.u32 @!p0 s9, $0x2  }
0x28c: {  	s0 =	sadd.s32 @!p0 $0x4000, s0;
	s9 =	sadd.s32 @!p0 $0x14800, s9  }
0x28d: {  	[tilespmem:s9], [sflag:$0x2] =	stream.indirect.gather @!p0 [hbm4b:s4+s10], $0x80, s0, s10, $0xb8;
	[tilespmem:$0x1C000] =	vst v63  }
0x28e: {  	_ =	swait.ge [sflag:s25], $0x2800  }
0x28f: {  	v0 =	vmov s26;
	[sflag:s25] =	ssyncset.done $0x0  }
0x290: {  	[sflag:s25] =	ssyncadd.s32 $0xFFFFD800  }
0x291: {  	_ =	swait.ge [sflag:s25], $0x2800  }
0x292: {  	[sflag:s25] =	ssyncset.done $0x0  }
0x293: {  	s0 =	simm.s32 $0x0;
	[sflag:s25] =	ssyncadd.s32 $0xFFFFD800  }
0x294: {  	v1 =	vld.idx.msk [tilespmem:v0+s0+$0xA180 ss:$0x1], $0xffff  }
0x295: {  	v2 =	vld [tilespmem:s0+$0x12180]  }
0x296: {  	v3 =	vld.idx.msk [tilespmem:v0+s0+$0xA000 ss:$0x1], $0xffff  }
0x297: {  	v4 =	vld.idx.msk [tilespmem:v0+s0+$0xA080 ss:$0x1], $0xffff  }
0x298: {  	v5 =	vld.idx.msk [tilespmem:v0+s0+$0xA100 ss:$0x1], $0xffff  }
0x299: {  	v6 =	vld [tilespmem:s0+$0x12000]  }
0x29a: {  	v7 =	vld [tilespmem:s0+$0x12100]  }
0x29b: {  	v8 =	vld [tilespmem:s0+$0x12190]  }
0x29c: {  	v9 =	vld [tilespmem:s0+$0x12010]  }
0x29d: {  	v1 =	vadd.f32 v1, v2;
	v2 =	vld [tilespmem:s0+$0x12080]  }
0x29e: {  	v10 =	vld [tilespmem:s0+$0x120B0]  }
0x29f: {  	v11 =	vld [tilespmem:s0+$0x12130];
	v3 =	vadd.f32 v3, v6;
	[tilespmem:s0+$0x12180] =	vst v1  }
0x2a0: {  	v1 =	vld.idx.msk [tilespmem:v0+s0+$0xA190 ss:$0x1], $0xffff  }
0x2a1: {  	[tilespmem:s0+$0x12000] =	vst v3;
	v3 =	vadd.f32 v5, v7;
	v5 =	vld [tilespmem:s0+$0x12110]  }
0x2a2: {  	v6 =	vld.idx.msk [tilespmem:v0+s0+$0xA010 ss:$0x1], $0xffff;
	v2 =	vadd.f32 v4, v2  }
0x2a3: {  	[tilespmem:s0+$0x12100] =	vst v3;
	v4 =	vld [tilespmem:s0+$0x12090]  }
0x2a4: {  	v3 =	vld.idx.msk [tilespmem:v0+s0+$0xA110 ss:$0x1], $0xffff;
	[tilespmem:s0+$0x12080] =	vst v2  }
0x2a5: {  	v1 =	vadd.f32 v1, v8;
	v2 =	vld.idx.msk [tilespmem:v0+s0+$0xA090 ss:$0x1], $0xffff  }
0x2a6: {  	v7 =	vld [tilespmem:s0+$0x121A0]  }
0x2a7: {  	v8 =	vld [tilespmem:s0+$0x12020];
	v6 =	vadd.f32 v6, v9;
	[tilespmem:s0+$0x12190] =	vst v1  }
0x2a8: {  	v1 =	vld.idx.msk [tilespmem:v0+s0+$0xA1A0 ss:$0x1], $0xffff  }
0x2a9: {  	v9 =	vld [tilespmem:s0+$0x120A0];
	[tilespmem:s0+$0x12010] =	vst v6;
	v3 =	vadd.f32 v3, v5  }
0x2aa: {  	v5 =	vld.idx.msk [tilespmem:v0+s0+$0xA020 ss:$0x1], $0xffff;
	v2 =	vadd.f32 v2, v4  }
0x2ab: {  	[tilespmem:s0+$0x12110] =	vst v3;
	v4 =	vld [tilespmem:s0+$0x12120]  }
0x2ac: {  	v3 =	vld.idx.msk [tilespmem:v0+s0+$0xA120 ss:$0x1], $0xffff;
	[tilespmem:s0+$0x12090] =	vst v2  }
0x2ad: {  	v1 =	vadd.f32 v1, v7;
	v2 =	vld.idx.msk [tilespmem:v0+s0+$0xA0A0 ss:$0x1], $0xffff  }
0x2ae: {  	v12 =	vld [tilespmem:s0+$0x12050]  }
0x2af: {  	v7 =	vld [tilespmem:s0+$0x121B0];
	[tilespmem:s0+$0x121A0] =	vst v1  }
0x2b0: {  	v5 =	vadd.f32 v5, v8;
	v1 =	vld.idx.msk [tilespmem:v0+s0+$0xA1B0 ss:$0x1], $0xffff  }
0x2b1: {  	v13 =	vld [tilespmem:s0+$0x121D0];
	v3 =	vadd.f32 v3, v4  }
0x2b2: {  	v6 =	vld [tilespmem:s0+$0x12030];
	[tilespmem:s0+$0x12020] =	vst v5;
	v2 =	vadd.f32 v2, v9  }
0x2b3: {  	v4 =	vld.idx.msk [tilespmem:v0+s0+$0xA030 ss:$0x1], $0xffff;
	[tilespmem:s0+$0x12120] =	vst v3  }
0x2b4: {  	v3 =	vld.idx.msk [tilespmem:v0+s0+$0xA130 ss:$0x1], $0xffff;
	[tilespmem:s0+$0x120A0] =	vst v2  }
0x2b5: {  	v1 =	vadd.f32 v1, v7;
	v2 =	vld.idx.msk [tilespmem:v0+s0+$0xA0B0 ss:$0x1], $0xffff  }
0x2b6: {  	v8 =	vld [tilespmem:s0+$0x12040]  }
0x2b7: {  	v5 =	vld [tilespmem:s0+$0x121C0];
	[tilespmem:s0+$0x121B0] =	vst v1  }
0x2b8: {  	v4 =	vadd.f32 v4, v6;
	v1 =	vld.idx.msk [tilespmem:v0+s0+$0xA1C0 ss:$0x1], $0xffff  }
0x2b9: {  	v9 =	vld [tilespmem:s0+$0x120C0];
	v3 =	vadd.f32 v3, v11  }
0x2ba: {  	v7 =	vld [tilespmem:s0+$0x12140];
	[tilespmem:s0+$0x12030] =	vst v4;
	v2 =	vadd.f32 v2, v10  }
0x2bb: {  	v6 =	vld.idx.msk [tilespmem:v0+s0+$0xA040 ss:$0x1], $0xffff;
	[tilespmem:s0+$0x12130] =	vst v3  }
0x2bc: {  	v3 =	vld.idx.msk [tilespmem:v0+s0+$0xA140 ss:$0x1], $0xffff;
	[tilespmem:s0+$0x120B0] =	vst v2  }
0x2bd: {  	v1 =	vadd.f32 v1, v5;
	v2 =	vld.idx.msk [tilespmem:v0+s0+$0xA0C0 ss:$0x1], $0xffff  }
0x2be: {  	v14 =	vld [tilespmem:s0+$0x121E0]  }
0x2bf: {  	v11 =	vld [tilespmem:s0+$0x12150];
	[tilespmem:s0+$0x121C0] =	vst v1  }
0x2c0: {  	v8 =	vadd.f32 v6, v8;
	v1 =	vld.idx.msk [tilespmem:v0+s0+$0xA1D0 ss:$0x1], $0xffff  }
0x2c1: {  	v4 =	vld [tilespmem:s0+$0x12060];
	v3 =	vadd.f32 v3, v7  }
0x2c2: {  	v10 =	vld [tilespmem:s0+$0x120D0];
	[tilespmem:s0+$0x12040] =	vst v8;
	v2 =	vadd.f32 v2, v9  }
0x2c3: {  	v7 =	vld.idx.msk [tilespmem:v0+s0+$0xA050 ss:$0x1], $0xffff;
	[tilespmem:s0+$0x12140] =	vst v3  }
0x2c4: {  	v8 =	vld.idx.msk [tilespmem:v0+s0+$0xA150 ss:$0x1], $0xffff;
	[tilespmem:s0+$0x120C0] =	vst v2  }
0x2c5: {  	v1 =	vadd.f32 v1, v13;
	v2 =	vld.idx.msk [tilespmem:v0+s0+$0xA0D0 ss:$0x1], $0xffff  }
0x2c6: {  	v5 =	vld [tilespmem:s0+$0x120E0]  }
0x2c7: {  	v6 =	vld [tilespmem:s0+$0x12160];
	[tilespmem:s0+$0x121D0] =	vst v1  }
0x2c8: {  	v3 =	vadd.f32 v7, v12;
	v63 =	vld.idx.msk [tilespmem:v0+s0+$0xA1E0 ss:$0x1], $0xffff  }
0x2c9: {  	v1 =	vld [tilespmem:s0+$0x12070];
	v8 =	vadd.f32 v8, v11  }
0x2ca: {  	[tilespmem:s0+$0x12050] =	vst v3;
	v3 =	vld [tilespmem:s0+$0x120F0];
	v2 =	vadd.f32 v2, v10  }
0x2cb: {  	v7 =	vld.idx.msk [tilespmem:v0+s0+$0xA060 ss:$0x1], $0xffff;
	[tilespmem:s0+$0x12150] =	vst v8  }
0x2cc: {  	v10 =	vld.idx.msk [tilespmem:v0+s0+$0xA160 ss:$0x1], $0xffff;
	[tilespmem:s0+$0x120D0] =	vst v2  }
0x2cd: {  	v9 =	vld.idx.msk [tilespmem:v0+s0+$0xA0E0 ss:$0x1], $0xffff;
	v8 =	vadd.f32 v63, v14  }
0x2ce: {  	v2 =	vld [tilespmem:s0+$0x12170]  }
0x2cf: {  	s9 =	simm.s32 $0x0;
	s10 =	simm.s32 $0x800;
	[tilespmem:s0+$0x121E0] =	vst v8;
	v8 =	vld [tilespmem:s0+$0x121F0]  }
.LBB2_11:
0x2d0: {  	s13 =	sshra.s32 s10, $0x2;
	s9 =	sadd.s32 $0x4, s9;
	v11 =	vld.idx.msk [tilespmem:v0+s0+$0xA1F0 ss:$0x1], $0xffff  }
0x2d1: {  	v4 =	vadd.f32 v7, v4;
	v12 =	vld.idx.msk [tilespmem:v0+s13+$0xA180 ss:$0x1], $0xffff;
	p0 =	slt.u32 s9, $0x4C  }
0x2d2: {  	v5 =	vadd.f32 v9, v5;
	v7 =	vld [tilespmem:s13+$0x12180]  }
0x2d3: {  	v9 =	vld.idx.msk [tilespmem:v0+s13+$0xA000 ss:$0x1], $0xffff;
	[tilespmem:s0+$0x12060] =	vst v4;
	v4 =	vadd.f32 v10, v6  }
0x2d4: {  	v6 =	vld.idx.msk [tilespmem:v0+s13+$0xA080 ss:$0x1], $0xffff;
	[tilespmem:s0+$0x120E0] =	vst v5  }
0x2d5: {  	v5 =	vld.idx.msk [tilespmem:v0+s13+$0xA100 ss:$0x1], $0xffff;
	[tilespmem:s0+$0x12160] =	vst v4  }
0x2d6: {  	v8 =	vadd.f32 v11, v8;
	v4 =	vld [tilespmem:s13+$0x12000]  }
0x2d7: {  	v10 =	vld [tilespmem:s13+$0x12080];
	v7 =	vadd.f32 v12, v7  }
0x2d8: {  	v11 =	vld [tilespmem:s13+$0x12100];
	[tilespmem:s0+$0x121F0] =	vst v8  }
0x2d9: {  	v8 =	vld [tilespmem:s13+$0x12010];
	[tilespmem:s13+$0x12180] =	vst v7  }
0x2da: {  	v7 =	vld.idx.msk [tilespmem:v0+s13+$0xA190 ss:$0x1], $0xffff  }
0x2db: {  	v4 =	vadd.f32 v9, v4;
	v9 =	vld [tilespmem:s13+$0x12190]  }
0x2dc: {  	v6 =	vadd.f32 v6, v10;
	v10 =	vld [tilespmem:s13+$0x12090]  }
0x2dd: {  	[tilespmem:s13+$0x12000] =	vst v4;
	v4 =	vadd.f32 v5, v11;
	v5 =	vld [tilespmem:s13+$0x12110]  }
0x2de: {  	v11 =	vld.idx.msk [tilespmem:v0+s13+$0xA010 ss:$0x1], $0xffff;
	[tilespmem:s13+$0x12080] =	vst v6  }
0x2df: {  	v6 =	vld.idx.msk [tilespmem:v0+s13+$0xA090 ss:$0x1], $0xffff;
	[tilespmem:s13+$0x12100] =	vst v4  }
0x2e0: {  	v4 =	vld.idx.msk [tilespmem:v0+s13+$0xA110 ss:$0x1], $0xffff;
	v7 =	vadd.f32 v7, v9  }
0x2e1: {  	v9 =	vld [tilespmem:s13+$0x12020]  }
0x2e2: {  	v12 =	vld [tilespmem:s13+$0x120A0];
	[tilespmem:s13+$0x12190] =	vst v7  }
0x2e3: {  	v7 =	vld.idx.msk [tilespmem:v0+s13+$0xA1A0 ss:$0x1], $0xffff  }
0x2e4: {  	v8 =	vadd.f32 v11, v8;
	v11 =	vld [tilespmem:s13+$0x121A0]  }
0x2e5: {  	v6 =	vadd.f32 v6, v10;
	v10 =	vld [tilespmem:s13+$0x12120]  }
0x2e6: {  	v4 =	vadd.f32 v4, v5;
	[tilespmem:s13+$0x12010] =	vst v8;
	v8 =	vld [tilespmem:s13+$0x12030]  }
0x2e7: {  	v5 =	vld.idx.msk [tilespmem:v0+s13+$0xA020 ss:$0x1], $0xffff;
	[tilespmem:s13+$0x12090] =	vst v6  }
0x2e8: {  	v6 =	vld.idx.msk [tilespmem:v0+s13+$0xA0A0 ss:$0x1], $0xffff;
	[tilespmem:s13+$0x12110] =	vst v4  }
0x2e9: {  	v4 =	vld.idx.msk [tilespmem:v0+s13+$0xA120 ss:$0x1], $0xffff;
	v7 =	vadd.f32 v7, v11  }
0x2ea: {  	v11 =	vld [tilespmem:s13+$0x120B0]  }
0x2eb: {  	v13 =	vld [tilespmem:s13+$0x12130];
	[tilespmem:s13+$0x121A0] =	vst v7  }
0x2ec: {  	v7 =	vld.idx.msk [tilespmem:v0+s13+$0xA1B0 ss:$0x1], $0xffff  }
0x2ed: {  	v5 =	vadd.f32 v5, v9;
	v9 =	vld [tilespmem:s13+$0x121B0]  }
0x2ee: {  	v6 =	vadd.f32 v6, v12;
	v14 =	vld [tilespmem:s13+$0x12040]  }
0x2ef: {  	v4 =	vadd.f32 v4, v10;
	[tilespmem:s13+$0x12020] =	vst v5;
	v12 =	vld [tilespmem:s13+$0x120C0]  }
0x2f0: {  	v5 =	vld.idx.msk [tilespmem:v0+s13+$0xA030 ss:$0x1], $0xffff;
	[tilespmem:s13+$0x120A0] =	vst v6  }
0x2f1: {  	v6 =	vld.idx.msk [tilespmem:v0+s13+$0xA0B0 ss:$0x1], $0xffff;
	[tilespmem:s13+$0x12120] =	vst v4  }
0x2f2: {  	v4 =	vld.idx.msk [tilespmem:v0+s13+$0xA130 ss:$0x1], $0xffff;
	v7 =	vadd.f32 v7, v9  }
0x2f3: {  	v9 =	vld [tilespmem:s13+$0x12140]  }
0x2f4: {  	v10 =	vld [tilespmem:s13+$0x12050];
	[tilespmem:s13+$0x121B0] =	vst v7  }
0x2f5: {  	v7 =	vld.idx.msk [tilespmem:v0+s13+$0xA1C0 ss:$0x1], $0xffff  }
0x2f6: {  	v5 =	vadd.f32 v5, v8;
	v8 =	vld [tilespmem:s13+$0x121C0]  }
0x2f7: {  	v6 =	vadd.f32 v6, v11;
	v11 =	vld [tilespmem:s13+$0x120D0]  }
0x2f8: {  	v4 =	vadd.f32 v4, v13;
	[tilespmem:s13+$0x12030] =	vst v5;
	v13 =	vld [tilespmem:s13+$0x12150]  }
0x2f9: {  	v15 =	vld.idx.msk [tilespmem:v0+s13+$0xA040 ss:$0x1], $0xffff;
	[tilespmem:s13+$0x120B0] =	vst v6  }
0x2fa: {  	v6 =	vld.idx.msk [tilespmem:v0+s13+$0xA0C0 ss:$0x1], $0xffff;
	[tilespmem:s13+$0x12130] =	vst v4  }
0x2fb: {  	v16 =	vld.idx.msk [tilespmem:v0+s13+$0xA140 ss:$0x1], $0xffff;
	v7 =	vadd.f32 v7, v8  }
0x2fc: {  	v4 =	vld [tilespmem:s13+$0x12060]  }
0x2fd: {  	v5 =	vld [tilespmem:s13+$0x120E0];
	[tilespmem:s13+$0x121C0] =	vst v7  }
0x2fe: {  	v7 =	vld.idx.msk [tilespmem:v0+s13+$0xA1D0 ss:$0x1], $0xffff  }
0x2ff: {  	v8 =	vadd.f32 v15, v14;
	v14 =	vld [tilespmem:s13+$0x121D0]  }
0x300: {  	v12 =	vadd.f32 v6, v12;
	v6 =	vld [tilespmem:s13+$0x12160]  }
0x301: {  	[tilespmem:s13+$0x12040] =	vst v8;
	v8 =	vadd.f32 v16, v9;
	v9 =	vld.idx.msk [tilespmem:v0+s0+$0xA070 ss:$0x1], $0xffff  }
0x302: {  	v15 =	vld.idx.msk [tilespmem:v0+s13+$0xA050 ss:$0x1], $0xffff;
	[tilespmem:s13+$0x120C0] =	vst v12  }
0x303: {  	v12 =	vld.idx.msk [tilespmem:v0+s13+$0xA0D0 ss:$0x1], $0xffff;
	[tilespmem:s13+$0x12140] =	vst v8  }
0x304: {  	v8 =	vld.idx.msk [tilespmem:v0+s13+$0xA150 ss:$0x1], $0xffff;
	v7 =	vadd.f32 v7, v14  }
0x305: {  	v14 =	vld.idx.msk [tilespmem:v0+s0+$0xA0F0 ss:$0x1], $0xffff  }
0x306: {  	[tilespmem:s13+$0x121D0] =	vst v7;
	v16 =	vld.idx.msk [tilespmem:v0+s0+$0xA170 ss:$0x1], $0xffff  }
0x307: {  	v7 =	vadd.f32 v9, v1;
	v17 =	vld.idx.msk [tilespmem:v0+s13+$0xA1E0 ss:$0x1], $0xffff  }
0x308: {  	v9 =	vadd.f32 v15, v10;
	v15 =	vld [tilespmem:s13+$0x121E0]  }
0x309: {  	v10 =	vadd.f32 v12, v11;
	v1 =	vld [tilespmem:s13+$0x12070];
	[tilespmem:s0+$0x12070] =	vst v7  }
0x30a: {  	v8 =	vadd.f32 v8, v13;
	[tilespmem:s13+$0x12050] =	vst v9;
	v11 =	vld [tilespmem:s13+$0x120F0]  }
.Ltmp4:
0x30b: {  	v3 =	vadd.f32 v14, v3;
	v7 =	vld.idx.msk [tilespmem:v0+s13+$0xA060 ss:$0x1], $0xffff;
	[tilespmem:s13+$0x120D0] =	vst v10;
	(pc) =	sbr.rel @p0 .LBB2_11-.Ltmp4, $4  }
0x30c: {  	v9 =	vld.idx.msk [tilespmem:v0+s13+$0xA0E0 ss:$0x1], $0xffff;
	[tilespmem:s13+$0x12150] =	vst v8;
	v8 =	vadd.f32 v16, v2  }
0x30d: {  	v10 =	vld.idx.msk [tilespmem:v0+s13+$0xA160 ss:$0x1], $0xffff;
	v12 =	vadd.f32 v17, v15;
	[tilespmem:s0+$0x120F0] =	vst v3  }
0x30e: {  	v2 =	vld [tilespmem:s13+$0x12170];
	[tilespmem:s0+$0x12170] =	vst v8;
	s0 =	smov.u32 s13  }
0x30f: {  	s10 =	sadd.s32 $0x800, s10;
	[tilespmem:s0+$0x121E0] =	vst v12;
	v8 =	vld [tilespmem:s0+$0x121F0];
	v3 =	vmov v11  }
0x310: {  	_ =	sdelay $0x1  }
0x311: {  	v4 =	vadd.f32 v7, v4  }
0x312: {  	v5 =	vadd.f32 v9, v5  }
0x313: {  	v58 =	vld.idx.msk [tilespmem:v0+s0+$0xA1F0 ss:$0x1], $0xffff;
	[tilespmem:s0+$0x12060] =	vst v4;
	v59 =	vadd.f32 v10, v6  }
0x314: {  	[tilespmem:s0+$0x120E0] =	vst v5;
	v60 =	vld.idx.msk [tilespmem:v0+s0+$0xA070 ss:$0x1], $0xffff  }
0x315: {  	[tilespmem:s0+$0x12160] =	vst v59;
	v61 =	vld.idx.msk [tilespmem:v0+s0+$0xA0F0 ss:$0x1], $0xffff  }
0x316: {  	v62 =	vld.idx.msk [tilespmem:v0+s0+$0xA170 ss:$0x1], $0xffff;
	_ =	sdelay $0x1  }
0x317: {  	s8 =	sadd.s32 $0x1, s8;
	v63 =	vadd.f32 v58, v8  }
0x318: {  	s9 =	smul.u32 $0x50, s29;
	p0 =	sne.s32 s8, $0x19;
	v1 =	vadd.f32 v60, v1  }
.Ltmp5:
0x319: {  	[tilespmem:s0+$0x121F0] =	vst v63;
	v3 =	vadd.f32 v61, v3;
	(pc) =	sbr.rel @p0 .LBB2_2-.Ltmp5, $4  }
0x31a: {  	s2 =	sadd.s32 $0xC800, s2;
	s7 =	sadd.s32 $0x5, s7;
	s9 =	sadd.s32 s6, s9;
	[tilespmem:s0+$0x12070] =	vst v1;
	v0 =	vadd.f32 v62, v2  }
0x31b: {  	s11 =	sadd.s32 $0x5, s11;
	s17 =	sadd.s32 $0x5, s17;
	s9 =	sshll.u32 s9, $0x4;
	[tilespmem:s0+$0x120F0] =	vst v3  }
0x31c: {  	s16 =	sadd.s32 $0x5, s16;
	s14 =	sadd.s32 $0x5, s14;
	s31 =	sadd.s32 s5, s9;
	[tilespmem:s0+$0x12170] =	vst v0  }
0x31d: {  	[hbm4b:s31+s3] =	stream.linear.scatter [tilespmem:s22], [sflag:$0xA], $0x2800, $0x38;
	[tilespmem:$0x1C000] =	vst v63  }
0x31e: {  	s0 =	simm.s32 $0x6  }
0x31f: {  	_ =	swait.ge [sflag:s0], $0x2800  }
0x320: {  	[sflag:s0] =	ssyncset.done $0x0  }
0x321: {  	s28 =	simm.s32 $0x7;
	[sflag:s0] =	ssyncadd.s32 $0xFFFFD800  }
0x322: {  	_ =	swait.ge [sflag:s28], $0x2800  }
0x323: {  	[sflag:s28] =	ssyncset.done $0x0  }
0x324: {  	s29 =	simm.s32 $0x8;
	[sflag:s28] =	ssyncadd.s32 $0xFFFFD800  }
0x325: {  	_ =	swait.ge [sflag:s29], $0x2800  }
0x326: {  	[sflag:s29] =	ssyncset.done $0x0  }
0x327: {  	s30 =	simm.s32 $0x9;
	[sflag:s29] =	ssyncadd.s32 $0xFFFFD800  }
0x328: {  	_ =	swait.ge [sflag:s30], $0x2800  }
0x329: {  	[sflag:s30] =	ssyncset.done $0x0  }
0x32a: {  	s2 =	simm.s32 $0xA;
	[sflag:s30] =	ssyncadd.s32 $0xFFFFD800  }
0x32b: {  	_ =	swait.ge [sflag:s2], $0x2800  }
0x32c: {  	s7 =	rddreg [dreg:$0x6]  }
0x32d: {  	s31 =	rddreg [dreg:$0x5];
	s7 =	sadd.s32 $0x1, s7  }
0x32e: {  	p0 =	sne.s32 s7, s31  }
.Ltmp6:
0x32f: {  	_ = 	snop;
	(pc) =	sbr.rel @p0 .LBB2_1-.Ltmp6, $3  }
0x330: {  	_ =	sdelay $0x1  }
0x331: {  	[sflag:s2] =	ssyncset.done $0x0  }
0x332: {  	[sflag:s2] =	ssyncadd.s32 $0xFFFFD800  }
0x333: {  	_ =	sfence.sel $0x180000  }
0x334: {  	[bflag:$0x0] =	sbarrier.arrive $0xFFFF  }
0x335: {  	_ =	strace $0x90000047  }
0x336: {  	s0 =	stileid.u32;
	[bflag:$0x2] =	sbarrier.arrive $0xFFFF  }
0x337: {  	p0 =	sne.s32 s0, $0x0;
	s0 =	rddreg [dreg:$0x2]  }
0x338: {  	s0 =	sadd.s32 @!p0 $0x100000, s0  }
0x339: {  	[sflag:s0] =	ssyncadd.tile.s32 @!p0 $0x1;
	_ =	shalt  }
.Lfunc_end2:
_tile_overlayer_lowered:
.L_overlay_start_2:
0x33a: {  	(tag) =	ssettag $0x2  }
0x33b: {  	s0 =	rddreg [dreg:$0x0];
	s2 =	stileid.u32  }
0x33c: {  	s1 =	rddreg [dreg:$0x1];
	p0 =	sne.s32 s2, $0x0  }
0x33d: {  	s3 =	rddreg [dreg:$0x2];
	[bflag:$0x3] =	sbarrier.arrive $0xFFFF;
	s2 =	simm.s32 @!p0 $0x1C0B  }
0x33e: {  	[timem:s3], [sflag:s2] =	dma.local @!p0 [hbm:s0], s1  }
0x33f: {  	s0 =	simm.s32 @!p0 $0xB  }
0x340: {  	_ =	swait.ge @!p0 [sflag:s0], s1  }
0x341: {  	s1 =	ssub.s32 @!p0 $0x0, s1;
	[sflag:s0] =	ssyncset.done @!p0 $0x0  }
0x342: {  	[sflag:s0] =	ssyncadd.s32 @!p0 s1  }
0x343: {  	[bflag:$0x3] =	sbarrier.arrive $0xFFFF  }
0x344: {  	_ =	shalt  }

</sc_bundles>
